<compile_context>
chip_gen: v7x
topology: tpu7x:2x2x1
jax: 0.10.2.dev20260603
libtpu: 0.0.44.dev20260713+nightly
codegen_flags: <defaults>
</compile_context>

<pallas_src>
import functools

import jax
import jax.numpy as jnp
from jax import lax
from jax.experimental import pallas as pl
from jax.experimental.pallas import tpu as pltpu
from jax.experimental.pallas import tpu_sc as plsc

ROWS = 4096
COLS = 512
TOTAL = ROWS * COLS
K = TOTAL // 4
NBINS = 32768
SHIFT = 16
HR, HC = 256, 128
NW = 32
ROWS_PER_W = ROWS // NW
CHUNK_ROWS = 16
NCHUNK = ROWS_PER_W // CHUNK_ROWS
VECS = CHUNK_ROWS * COLS // 16
GRID_A = 4


def _bce_block(p_ref, t_ref, o_ref):
    x = p_ref[...]
    t = t_ref[...]
    o_ref[...] = jnp.maximum(x, 0.0) - x * t + jnp.log1p(jnp.exp(-jnp.abs(x)))


def _bce(pred2d, target2d):
    return pl.pallas_call(
        _bce_block,
        grid=(GRID_A,),
        in_specs=[
            pl.BlockSpec((ROWS // GRID_A, COLS), lambda i: (i, 0)),
            pl.BlockSpec((ROWS // GRID_A, COLS), lambda i: (i, 0)),
        ],
        out_specs=pl.BlockSpec((ROWS // GRID_A, COLS), lambda i: (i, 0)),
        out_shape=jax.ShapeDtypeStruct((ROWS, COLS), jnp.float32),
    )(pred2d, target2d)


def _sc_hist_body(loss_hbm, out_hbm, buf0, buf1, hist, sem0, sem1):
    wid = lax.axis_index("s") * 2 + lax.axis_index("c")
    row0 = wid * ROWS_PER_W
    bufs = (buf0, buf1)
    sems = (sem0, sem1)

    def copy(c):
        return pltpu.make_async_copy(
            loss_hbm.at[pl.ds(row0 + c * CHUNK_ROWS, CHUNK_ROWS), :],
            bufs[c % 2], sems[c % 2])

    copy(0).start()
    copy(1).start()

    zeros16 = jnp.zeros((16,), jnp.int32)

    def zinit(i, c):
        for u in range(8):
            hist[i, pl.ds(u * 16, 16)] = zeros16
        return c

    lax.fori_loop(0, HR, zinit, 0)

    ones16 = jnp.ones((16,), jnp.int32)
    U = 16
    for c in range(NCHUNK):
        copy(c).wait()
        if c + 2 < NCHUNK:
            copy(c + 2).start()
        buf = bufs[c % 2]

        def vec_body(i, cc, buf=buf):
            row = (i * U) // 32
            cb = ((i * U) % 32) * 16
            xs = [buf[row, pl.ds(cb + u * 16, 16)] for u in range(U)]
            bins = [
                lax.shift_right_logical(
                    lax.bitcast_convert_type(x, jnp.int32), SHIFT)
                for x in xs
            ]
            for b in bins:
                r = lax.shift_right_logical(b, 7)
                col = lax.bitwise_and(b, 127)
                plsc.addupdate_scatter(hist, [r, col], ones16)
            return cc

        lax.fori_loop(0, VECS // U, vec_body, 0)
    pltpu.sync_copy(hist, out_hbm.at[wid])


def _sc_hist(loss2d):
    mesh = plsc.VectorSubcoreMesh(core_axis_name="c", subcore_axis_name="s")
    kfn = functools.partial(
        pl.kernel,
        mesh=mesh,
        out_type=jax.ShapeDtypeStruct((NW, HR, HC), jnp.int32),
        scratch_types=[
            pltpu.VMEM((CHUNK_ROWS, COLS), jnp.float32),
            pltpu.VMEM((CHUNK_ROWS, COLS), jnp.float32),
            pltpu.VMEM((HR, HC), jnp.int32),
            pltpu.SemaphoreType.DMA,
            pltpu.SemaphoreType.DMA,
        ],
        compiler_params=pltpu.CompilerParams(needs_layout_passes=False),
    )(_sc_hist_body)
    return kfn(loss2d)


def _select_body(hist_ref, loss_ref, o_ref):
    hs = hist_ref[...].astype(jnp.float32)
    hbins = jnp.sum(hs, axis=0)
    rows = lax.broadcasted_iota(jnp.int32, (HR, HC), 0)
    cols = lax.broadcasted_iota(jnp.int32, (HR, HC), 1)
    lin = rows * HC + cols
    kf = jnp.float32(K)

    def search(_, lohi):
        lo, hi = lohi
        mid = (lo + hi) // 2
        c = jnp.sum(jnp.where(lin >= mid, hbins, 0.0))
        ok = c >= kf
        return jnp.where(ok, mid, lo), jnp.where(ok, hi, mid)

    lo, _ = lax.fori_loop(0, 15, search, (jnp.int32(0), jnp.int32(NBINS)))
    t_lo = lax.bitcast_convert_type(lo << SHIFT, jnp.float32)
    t_hi = lax.bitcast_convert_type((lo + 1) << SHIFT, jnp.float32)

    x = loss_ref[...]
    m = x >= t_hi
    n_ge = jnp.sum(jnp.where(m, 1.0, 0.0))
    s_ge = jnp.sum(jnp.where(m, x, 0.0))
    fill = 0.5 * (t_lo + t_hi)
    o_ref[...] = jnp.reshape((s_ge + (kf - n_ge) * fill) / kf, (1, 1))


def _select(hists, loss2d):
    return pl.pallas_call(
        _select_body,
        in_specs=[
            pl.BlockSpec((NW, HR, HC), lambda: (0, 0, 0)),
            pl.BlockSpec((ROWS, COLS), lambda: (0, 0)),
        ],
        out_specs=pl.BlockSpec((1, 1), lambda: (0, 0)),
        out_shape=jax.ShapeDtypeStruct((1, 1), jnp.float32),
    )(hists, loss2d)


def kernel(pred, target):
    p2 = pred.reshape(ROWS, COLS)
    t2 = target.reshape(ROWS, COLS)
    loss = _bce(p2, t2)
    hists = _sc_hist(loss)
    out = _select(hists, loss)
    return out[0, 0]

# --- scband reference (transcript-rebuilt; emitter-appended) ---
"""Pipeline reference for scband-ohemloss-49306224558088 (READ-ONLY COPY).

The authoritative reference and input builder live on the scoring server;
editing this copy changes nothing except your own understanding.
"""

import jax, jax.numpy as jnp
import numpy as np

RATIO = 0.25

def _bce_with_logits(x, t):
    # numerically stable BCEWithLogits, reduction='none'
    return jnp.maximum(x, 0.0) - x * t + jnp.log1p(jnp.exp(-jnp.abs(x)))

def setup_inputs(seed: int = 0) -> dict:
    key = jax.random.key(seed)
    k1, k2 = jax.random.split(key)
    pred = jax.random.normal(k1, (8, 1, 512, 512), dtype=jnp.float32)
    target = jax.random.uniform(k2, (8, 1, 512, 512), dtype=jnp.float32)
    return {"pred": pred, "target": target}

def reference(pred, target):
    loss = _bce_with_logits(pred, target).reshape(-1)
    num_hard = int(RATIO * loss.size)
    hard_loss, _ = jax.lax.top_k(loss, num_hard)
    return jnp.mean(hard_loss)

if __name__ == "__main__":
    import jax
    _d = setup_inputs()
    print(jax.jit(kernel)(*tuple(_d.values())))

</pallas_src>

<mosaic_0001>
#map = affine_map<(d0, d1) -> (0, 0)>
#map1 = affine_map<(d0, d1) -> (0, 0, 0)>
module attributes {stable_mosaic.version = 14 : i64} {
  func.func @_sc_hist_body(%arg0: i32, %arg1: i32, %arg2: memref<4096x512xf32, #tpu.memory_space<hbm>>, %arg3: memref<32x256x128xi32, #tpu.memory_space<hbm>>, %arg4: memref<16x512xf32, #tpu.memory_space<vmem>>, %arg5: memref<16x512xf32, #tpu.memory_space<vmem>>, %arg6: memref<256x128xi32, #tpu.memory_space<vmem>>, %arg7: memref<!tpu.dma_semaphore, #tpu.memory_space<semaphore_mem>>, %arg8: memref<!tpu.dma_semaphore, #tpu.memory_space<semaphore_mem>>) attributes {dimension_semantics = [#tpu.dimension_semantics<core_parallel>, #tpu.dimension_semantics<subcore_parallel>], iteration_bounds = array<i64: 2, 16>, scalar_prefetch = 0 : i64, scratch_operands = 5 : i64, tpu.core_type = #tpu.core_type<sc_vector_subcore>, window_params = [{transform_indices = #map}, {transform_indices = #map1}]} {
    %mul3A = arith.constant 2 : i32
    %mul3A_0 = arith.muli %arg1, %mul3A : i32
    %add3A = arith.addi %mul3A_0, %arg0 : i32
    %mul3A_1 = arith.constant 128 : i32
    %mul3A_2 = arith.muli %add3A, %mul3A_1 : i32
    %add3A_3 = arith.constant 0 : i32
    %add3A_4 = arith.addi %mul3A_2, %add3A_3 : i32
    %dma_start3A = arith.constant 0 : i32
    %dma_start3A_5 = tpu.memref_slice %arg2[%add3A_4, %dma_start3A] : memref<4096x512xf32, #tpu.memory_space<hbm>> -> memref<16x512xf32, #tpu.memory_space<hbm>>
    %dma_start3A_6 = arith.constant 0 : i32
    %dma_start3A_7 = tpu.memref_slice %arg2[%add3A_4, %dma_start3A_6] : memref<4096x512xf32, #tpu.memory_space<hbm>> -> memref<16x512xf32, #tpu.memory_space<hbm>>
    tpu.enqueue_dma source(%dma_start3A_7 : memref<16x512xf32, #tpu.memory_space<hbm>>) target(%arg4 : memref<16x512xf32, #tpu.memory_space<vmem>>) target_semaphore(%arg7 : memref<!tpu.dma_semaphore, #tpu.memory_space<semaphore_mem>>)
    %add3A_8 = arith.constant 16 : i32
    %add3A_9 = arith.addi %mul3A_2, %add3A_8 : i32
    %dma_start3A_10 = arith.constant 0 : i32
    %dma_start3A_11 = tpu.memref_slice %arg2[%add3A_9, %dma_start3A_10] : memref<4096x512xf32, #tpu.memory_space<hbm>> -> memref<16x512xf32, #tpu.memory_space<hbm>>
    %dma_start3A_12 = arith.constant 0 : i32
    %dma_start3A_13 = tpu.memref_slice %arg2[%add3A_9, %dma_start3A_12] : memref<4096x512xf32, #tpu.memory_space<hbm>> -> memref<16x512xf32, #tpu.memory_space<hbm>>
    tpu.enqueue_dma source(%dma_start3A_13 : memref<16x512xf32, #tpu.memory_space<hbm>>) target(%arg5 : memref<16x512xf32, #tpu.memory_space<vmem>>) target_semaphore(%arg8 : memref<!tpu.dma_semaphore, #tpu.memory_space<semaphore_mem>>)
    %broadcast_in_dim3A = arith.constant 0 : i32
    %broadcast_in_dim3A_14 = vector.broadcast %broadcast_in_dim3A : i32 to vector<16xi32>
    %scan3A = arith.constant 0 : i32
    %scan3A_15 = arith.constant 0 : i32
    %scan3A_16 = arith.constant 256 : i32
    %scan3A_17 = arith.addi %scan3A_15, %scan3A_16 : i32
    %scan3A_18 = arith.constant 1 : i32
    scf.for %scan3A_153 = %scan3A_15 to %scan3A_17 step %scan3A_18  : i32 {
      %swap3A = arith.index_cast %scan3A_153 : i32 to index
      %swap3A_154 = arith.constant 0 : index
      %swap3A_155 = tpu.vector_load %arg6[%swap3A, %swap3A_154] {strides = array<i32>} : memref<256x128xi32, #tpu.memory_space<vmem>>, vector<16xi32>,
      tpu.vector_store %arg6[%swap3A, %swap3A_154], %broadcast_in_dim3A_14 {strides = array<i32>} : memref<256x128xi32, #tpu.memory_space<vmem>>, vector<16xi32>,
      %swap3A_156 = arith.index_cast %scan3A_153 : i32 to index
      %swap3A_157 = arith.constant 16 : index
      %swap3A_158 = tpu.vector_load %arg6[%swap3A_156, %swap3A_157] {strides = array<i32>} : memref<256x128xi32, #tpu.memory_space<vmem>>, vector<16xi32>,
      tpu.vector_store %arg6[%swap3A_156, %swap3A_157], %broadcast_in_dim3A_14 {strides = array<i32>} : memref<256x128xi32, #tpu.memory_space<vmem>>, vector<16xi32>,
      %swap3A_159 = arith.index_cast %scan3A_153 : i32 to index
      %swap3A_160 = arith.constant 32 : index
      %swap3A_161 = tpu.vector_load %arg6[%swap3A_159, %swap3A_160] {strides = array<i32>} : memref<256x128xi32, #tpu.memory_space<vmem>>, vector<16xi32>,
      tpu.vector_store %arg6[%swap3A_159, %swap3A_160], %broadcast_in_dim3A_14 {strides = array<i32>} : memref<256x128xi32, #tpu.memory_space<vmem>>, vector<16xi32>,
      %swap3A_162 = arith.index_cast %scan3A_153 : i32 to index
      %swap3A_163 = arith.constant 48 : index
      %swap3A_164 = tpu.vector_load %arg6[%swap3A_162, %swap3A_163] {strides = array<i32>} : memref<256x128xi32, #tpu.memory_space<vmem>>, vector<16xi32>,
      tpu.vector_store %arg6[%swap3A_162, %swap3A_163], %broadcast_in_dim3A_14 {strides = array<i32>} : memref<256x128xi32, #tpu.memory_space<vmem>>, vector<16xi32>,
      %swap3A_165 = arith.index_cast %scan3A_153 : i32 to index
      %swap3A_166 = arith.constant 64 : index
      %swap3A_167 = tpu.vector_load %arg6[%swap3A_165, %swap3A_166] {strides = array<i32>} : memref<256x128xi32, #tpu.memory_space<vmem>>, vector<16xi32>,
      tpu.vector_store %arg6[%swap3A_165, %swap3A_166], %broadcast_in_dim3A_14 {strides = array<i32>} : memref<256x128xi32, #tpu.memory_space<vmem>>, vector<16xi32>,
      %swap3A_168 = arith.index_cast %scan3A_153 : i32 to index
      %swap3A_169 = arith.constant 80 : index
      %swap3A_170 = tpu.vector_load %arg6[%swap3A_168, %swap3A_169] {strides = array<i32>} : memref<256x128xi32, #tpu.memory_space<vmem>>, vector<16xi32>,
      tpu.vector_store %arg6[%swap3A_168, %swap3A_169], %broadcast_in_dim3A_14 {strides = array<i32>} : memref<256x128xi32, #tpu.memory_space<vmem>>, vector<16xi32>,
      %swap3A_171 = arith.index_cast %scan3A_153 : i32 to index
      %swap3A_172 = arith.constant 96 : index
      %swap3A_173 = tpu.vector_load %arg6[%swap3A_171, %swap3A_172] {strides = array<i32>} : memref<256x128xi32, #tpu.memory_space<vmem>>, vector<16xi32>,
      tpu.vector_store %arg6[%swap3A_171, %swap3A_172], %broadcast_in_dim3A_14 {strides = array<i32>} : memref<256x128xi32, #tpu.memory_space<vmem>>, vector<16xi32>,
      %swap3A_174 = arith.index_cast %scan3A_153 : i32 to index
      %swap3A_175 = arith.constant 112 : index
      %swap3A_176 = tpu.vector_load %arg6[%swap3A_174, %swap3A_175] {strides = array<i32>} : memref<256x128xi32, #tpu.memory_space<vmem>>, vector<16xi32>,
      tpu.vector_store %arg6[%swap3A_174, %swap3A_175], %broadcast_in_dim3A_14 {strides = array<i32>} : memref<256x128xi32, #tpu.memory_space<vmem>>, vector<16xi32>,
    }
    %scan3A_19 = arith.constant 256 : i32
    %broadcast_in_dim3A_20 = arith.constant 1 : i32
    %broadcast_in_dim3A_21 = vector.broadcast %broadcast_in_dim3A_20 : i32 to vector<16xi32>
    %add3A_22 = arith.constant 0 : i32
    %add3A_23 = arith.addi %mul3A_2, %add3A_22 : i32
    %dma_wait3A = arith.constant 0 : i32
    %dma_wait3A_24 = tpu.memref_slice %arg2[%add3A_23, %dma_wait3A] : memref<4096x512xf32, #tpu.memory_space<hbm>> -> memref<16x512xf32, #tpu.memory_space<hbm>>
    %dma_wait3A_25 = arith.constant 0 : i32
    %dma_wait3A_26 = tpu.memref_slice %arg2[%add3A_23, %dma_wait3A_25] : memref<4096x512xf32, #tpu.memory_space<hbm>> -> memref<16x512xf32, #tpu.memory_space<hbm>>
    tpu.wait_dma2 semaphore(%arg7 : memref<!tpu.dma_semaphore, #tpu.memory_space<semaphore_mem>>) src(%dma_wait3A_26 : memref<16x512xf32, #tpu.memory_space<hbm>>) dst(%arg4 : memref<16x512xf32, #tpu.memory_space<vmem>>)
    %add3A_27 = arith.constant 32 : i32
    %add3A_28 = arith.addi %mul3A_2, %add3A_27 : i32
    %dma_start3A_29 = arith.constant 0 : i32
    %dma_start3A_30 = tpu.memref_slice %arg2[%add3A_28, %dma_start3A_29] : memref<4096x512xf32, #tpu.memory_space<hbm>> -> memref<16x512xf32, #tpu.memory_space<hbm>>
    %dma_start3A_31 = arith.constant 0 : i32
    %dma_start3A_32 = tpu.memref_slice %arg2[%add3A_28, %dma_start3A_31] : memref<4096x512xf32, #tpu.memory_space<hbm>> -> memref<16x512xf32, #tpu.memory_space<hbm>>
    tpu.enqueue_dma source(%dma_start3A_32 : memref<16x512xf32, #tpu.memory_space<hbm>>) target(%arg4 : memref<16x512xf32, #tpu.memory_space<vmem>>) target_semaphore(%arg7 : memref<!tpu.dma_semaphore, #tpu.memory_space<semaphore_mem>>)
    %scan3A_33 = arith.constant 0 : i32
    %scan3A_34 = arith.constant 0 : i32
    %scan3A_35 = arith.constant 32 : i32
    %scan3A_36 = arith.addi %scan3A_34, %scan3A_35 : i32
    %scan3A_37 = arith.constant 1 : i32
    scf.for %scan3A_153 = %scan3A_34 to %scan3A_36 step %scan3A_37  : i32 {
      %mul3A_154 = arith.constant 16 : i32
      %mul3A_155 = arith.muli %scan3A_153, %mul3A_154 : i32
      %jit3A = arith.constant 32 : i32
      %div3A = arith.divsi %mul3A_155, %jit3A : i32
      %sign3A = arith.constant 0 : i32
      %sign3A_156 = arith.cmpi sgt, %mul3A_155, %sign3A : i32
      %sign3A_157 = arith.extui %sign3A_156 : i1 to i32
      %sign3A_158 = arith.constant 0 : i32
      %sign3A_159 = arith.cmpi slt, %mul3A_155, %sign3A_158 : i32
      %sign3A_160 = arith.extui %sign3A_159 : i1 to i32
      %sign3A_161 = arith.subi %sign3A_157, %sign3A_160 : i32
      %sign3A_162 = arith.constant 0 : i32
      %sign3A_163 = arith.cmpi sgt, %jit3A, %sign3A_162 : i32
      %sign3A_164 = arith.extui %sign3A_163 : i1 to i32
      %sign3A_165 = arith.constant 0 : i32
      %sign3A_166 = arith.cmpi slt, %jit3A, %sign3A_165 : i32
      %sign3A_167 = arith.extui %sign3A_166 : i1 to i32
      %sign3A_168 = arith.subi %sign3A_164, %sign3A_167 : i32
      %ne3A = arith.cmpi ne, %sign3A_161, %sign3A_168 : i32
      %rem3A = arith.remsi %mul3A_155, %jit3A : i32
      %ne3A_169 = arith.constant 0 : i32
      %ne3A_170 = arith.cmpi ne, %rem3A, %ne3A_169 : i32
      %and3A = arith.andi %ne3A, %ne3A_170 : i1
      %sub3A = arith.constant 1 : i32
      %sub3A_171 = arith.subi %div3A, %sub3A : i32
      %select_n3A = arith.select %and3A, %sub3A_171, %div3A : i32
      %mul3A_172 = arith.constant 16 : i32
      %mul3A_173 = arith.muli %scan3A_153, %mul3A_172 : i32
      %jit3A_174 = arith.constant 32 : i32
      %eq3A = arith.constant 0 : i32
      %eq3A_175 = arith.cmpi eq, %jit3A_174, %eq3A : i32
      %jit3A_176 = arith.constant 1 : i32
      %select_n3A_177 = arith.select %eq3A_175, %jit3A_176, %jit3A_174 : i32
      %rem3A_178 = arith.remsi %mul3A_173, %select_n3A_177 : i32
      %ne3A_179 = arith.constant 0 : i32
      %ne3A_180 = arith.cmpi ne, %rem3A_178, %ne3A_179 : i32
      %lt3A = arith.constant 0 : i32
      %lt3A_181 = arith.cmpi slt, %rem3A_178, %lt3A : i32
      %lt3A_182 = arith.constant 0 : i32
      %lt3A_183 = arith.cmpi slt, %select_n3A_177, %lt3A_182 : i32
      %ne3A_184 = arith.xori %lt3A_181, %lt3A_183 : i1
      %and3A_185 = arith.andi %ne3A_184, %ne3A_180 : i1
      %add3A_186 = arith.addi %rem3A_178, %select_n3A_177 : i32
      %select_n3A_187 = arith.select %and3A_185, %add3A_186, %rem3A_178 : i32
      %mul3A_188 = arith.constant 16 : i32
      %mul3A_189 = arith.muli %select_n3A_187, %mul3A_188 : i32
      %add3A_190 = arith.constant 0 : i32
      %add3A_191 = arith.addi %mul3A_189, %add3A_190 : i32
      %get3A = arith.index_cast %select_n3A : i32 to index
      %get3A_192 = arith.index_cast %add3A_191 : i32 to index
      %get3A_193 = tpu.vector_load %arg4[%get3A, %get3A_192] {strides = array<i32>} : memref<16x512xf32, #tpu.memory_space<vmem>>, vector<16xf32>,
      %add3A_194 = arith.constant 16 : i32
      %add3A_195 = arith.addi %mul3A_189, %add3A_194 : i32
      %get3A_196 = arith.index_cast %select_n3A : i32 to index
      %get3A_197 = arith.index_cast %add3A_195 : i32 to index
      %get3A_198 = tpu.vector_load %arg4[%get3A_196, %get3A_197] {strides = array<i32>} : memref<16x512xf32, #tpu.memory_space<vmem>>, vector<16xf32>,
      %add3A_199 = arith.constant 32 : i32
      %add3A_200 = arith.addi %mul3A_189, %add3A_199 : i32
      %get3A_201 = arith.index_cast %select_n3A : i32 to index
      %get3A_202 = arith.index_cast %add3A_200 : i32 to index
      %get3A_203 = tpu.vector_load %arg4[%get3A_201, %get3A_202] {strides = array<i32>} : memref<16x512xf32, #tpu.memory_space<vmem>>, vector<16xf32>,
      %add3A_204 = arith.constant 48 : i32
      %add3A_205 = arith.addi %mul3A_189, %add3A_204 : i32
      %get3A_206 = arith.index_cast %select_n3A : i32 to index
      %get3A_207 = arith.index_cast %add3A_205 : i32 to index
      %get3A_208 = tpu.vector_load %arg4[%get3A_206, %get3A_207] {strides = array<i32>} : memref<16x512xf32, #tpu.memory_space<vmem>>, vector<16xf32>,
      %add3A_209 = arith.constant 64 : i32
      %add3A_210 = arith.addi %mul3A_189, %add3A_209 : i32
      %get3A_211 = arith.index_cast %select_n3A : i32 to index
      %get3A_212 = arith.index_cast %add3A_210 : i32 to index
      %get3A_213 = tpu.vector_load %arg4[%get3A_211, %get3A_212] {strides = array<i32>} : memref<16x512xf32, #tpu.memory_space<vmem>>, vector<16xf32>,
      %add3A_214 = arith.constant 80 : i32
      %add3A_215 = arith.addi %mul3A_189, %add3A_214 : i32
      %get3A_216 = arith.index_cast %select_n3A : i32 to index
      %get3A_217 = arith.index_cast %add3A_215 : i32 to index
      %get3A_218 = tpu.vector_load %arg4[%get3A_216, %get3A_217] {strides = array<i32>} : memref<16x512xf32, #tpu.memory_space<vmem>>, vector<16xf32>,
      %add3A_219 = arith.constant 96 : i32
      %add3A_220 = arith.addi %mul3A_189, %add3A_219 : i32
      %get3A_221 = arith.index_cast %select_n3A : i32 to index
      %get3A_222 = arith.index_cast %add3A_220 : i32 to index
      %get3A_223 = tpu.vector_load %arg4[%get3A_221, %get3A_222] {strides = array<i32>} : memref<16x512xf32, #tpu.memory_space<vmem>>, vector<16xf32>,
      %add3A_224 = arith.constant 112 : i32
      %add3A_225 = arith.addi %mul3A_189, %add3A_224 : i32
      %get3A_226 = arith.index_cast %select_n3A : i32 to index
      %get3A_227 = arith.index_cast %add3A_225 : i32 to index
      %get3A_228 = tpu.vector_load %arg4[%get3A_226, %get3A_227] {strides = array<i32>} : memref<16x512xf32, #tpu.memory_space<vmem>>, vector<16xf32>,
      %add3A_229 = arith.constant 128 : i32
      %add3A_230 = arith.addi %mul3A_189, %add3A_229 : i32
      %get3A_231 = arith.index_cast %select_n3A : i32 to index
      %get3A_232 = arith.index_cast %add3A_230 : i32 to index
      %get3A_233 = tpu.vector_load %arg4[%get3A_231, %get3A_232] {strides = array<i32>} : memref<16x512xf32, #tpu.memory_space<vmem>>, vector<16xf32>,
      %add3A_234 = arith.constant 144 : i32
      %add3A_235 = arith.addi %mul3A_189, %add3A_234 : i32
      %get3A_236 = arith.index_cast %select_n3A : i32 to index
      %get3A_237 = arith.index_cast %add3A_235 : i32 to index
      %get3A_238 = tpu.vector_load %arg4[%get3A_236, %get3A_237] {strides = array<i32>} : memref<16x512xf32, #tpu.memory_space<vmem>>, vector<16xf32>,
      %add3A_239 = arith.constant 160 : i32
      %add3A_240 = arith.addi %mul3A_189, %add3A_239 : i32
      %get3A_241 = arith.index_cast %select_n3A : i32 to index
      %get3A_242 = arith.index_cast %add3A_240 : i32 to index
      %get3A_243 = tpu.vector_load %arg4[%get3A_241, %get3A_242] {strides = array<i32>} : memref<16x512xf32, #tpu.memory_space<vmem>>, vector<16xf32>,
      %add3A_244 = arith.constant 176 : i32
      %add3A_245 = arith.addi %mul3A_189, %add3A_244 : i32
      %get3A_246 = arith.index_cast %select_n3A : i32 to index
      %get3A_247 = arith.index_cast %add3A_245 : i32 to index
      %get3A_248 = tpu.vector_load %arg4[%get3A_246, %get3A_247] {strides = array<i32>} : memref<16x512xf32, #tpu.memory_space<vmem>>, vector<16xf32>,
      %add3A_249 = arith.constant 192 : i32
      %add3A_250 = arith.addi %mul3A_189, %add3A_249 : i32
      %get3A_251 = arith.index_cast %select_n3A : i32 to index
      %get3A_252 = arith.index_cast %add3A_250 : i32 to index
      %get3A_253 = tpu.vector_load %arg4[%get3A_251, %get3A_252] {strides = array<i32>} : memref<16x512xf32, #tpu.memory_space<vmem>>, vector<16xf32>,
      %add3A_254 = arith.constant 208 : i32
      %add3A_255 = arith.addi %mul3A_189, %add3A_254 : i32
      %get3A_256 = arith.index_cast %select_n3A : i32 to index
      %get3A_257 = arith.index_cast %add3A_255 : i32 to index
      %get3A_258 = tpu.vector_load %arg4[%get3A_256, %get3A_257] {strides = array<i32>} : memref<16x512xf32, #tpu.memory_space<vmem>>, vector<16xf32>,
      %add3A_259 = arith.constant 224 : i32
      %add3A_260 = arith.addi %mul3A_189, %add3A_259 : i32
      %get3A_261 = arith.index_cast %select_n3A : i32 to index
      %get3A_262 = arith.index_cast %add3A_260 : i32 to index
      %get3A_263 = tpu.vector_load %arg4[%get3A_261, %get3A_262] {strides = array<i32>} : memref<16x512xf32, #tpu.memory_space<vmem>>, vector<16xf32>,
      %add3A_264 = arith.constant 240 : i32
      %add3A_265 = arith.addi %mul3A_189, %add3A_264 : i32
      %get3A_266 = arith.index_cast %select_n3A : i32 to index
      %get3A_267 = arith.index_cast %add3A_265 : i32 to index
      %get3A_268 = tpu.vector_load %arg4[%get3A_266, %get3A_267] {strides = array<i32>} : memref<16x512xf32, #tpu.memory_space<vmem>>, vector<16xf32>,
      %bitcast_convert_type3A = tpu.bitcast %get3A_193 : vector<16xf32> -> vector<16xi32>
      %shift_right_logical3A = arith.constant 16 : i32
      %shift_right_logical3A_269 = vector.broadcast %shift_right_logical3A : i32 to vector<16xi32>
      %shift_right_logical3A_270 = arith.shrui %bitcast_convert_type3A, %shift_right_logical3A_269 : vector<16xi32>
      %bitcast_convert_type3A_271 = tpu.bitcast %get3A_198 : vector<16xf32> -> vector<16xi32>
      %shift_right_logical3A_272 = arith.constant 16 : i32
      %shift_right_logical3A_273 = vector.broadcast %shift_right_logical3A_272 : i32 to vector<16xi32>
      %shift_right_logical3A_274 = arith.shrui %bitcast_convert_type3A_271, %shift_right_logical3A_273 : vector<16xi32>
      %bitcast_convert_type3A_275 = tpu.bitcast %get3A_203 : vector<16xf32> -> vector<16xi32>
      %shift_right_logical3A_276 = arith.constant 16 : i32
      %shift_right_logical3A_277 = vector.broadcast %shift_right_logical3A_276 : i32 to vector<16xi32>
      %shift_right_logical3A_278 = arith.shrui %bitcast_convert_type3A_275, %shift_right_logical3A_277 : vector<16xi32>
      %bitcast_convert_type3A_279 = tpu.bitcast %get3A_208 : vector<16xf32> -> vector<16xi32>
      %shift_right_logical3A_280 = arith.constant 16 : i32
      %shift_right_logical3A_281 = vector.broadcast %shift_right_logical3A_280 : i32 to vector<16xi32>
      %shift_right_logical3A_282 = arith.shrui %bitcast_convert_type3A_279, %shift_right_logical3A_281 : vector<16xi32>
      %bitcast_convert_type3A_283 = tpu.bitcast %get3A_213 : vector<16xf32> -> vector<16xi32>
      %shift_right_logical3A_284 = arith.constant 16 : i32
      %shift_right_logical3A_285 = vector.broadcast %shift_right_logical3A_284 : i32 to vector<16xi32>
      %shift_right_logical3A_286 = arith.shrui %bitcast_convert_type3A_283, %shift_right_logical3A_285 : vector<16xi32>
      %bitcast_convert_type3A_287 = tpu.bitcast %get3A_218 : vector<16xf32> -> vector<16xi32>
      %shift_right_logical3A_288 = arith.constant 16 : i32
      %shift_right_logical3A_289 = vector.broadcast %shift_right_logical3A_288 : i32 to vector<16xi32>
      %shift_right_logical3A_290 = arith.shrui %bitcast_convert_type3A_287, %shift_right_logical3A_289 : vector<16xi32>
      %bitcast_convert_type3A_291 = tpu.bitcast %get3A_223 : vector<16xf32> -> vector<16xi32>
      %shift_right_logical3A_292 = arith.constant 16 : i32
      %shift_right_logical3A_293 = vector.broadcast %shift_right_logical3A_292 : i32 to vector<16xi32>
      %shift_right_logical3A_294 = arith.shrui %bitcast_convert_type3A_291, %shift_right_logical3A_293 : vector<16xi32>
      %bitcast_convert_type3A_295 = tpu.bitcast %get3A_228 : vector<16xf32> -> vector<16xi32>
      %shift_right_logical3A_296 = arith.constant 16 : i32
      %shift_right_logical3A_297 = vector.broadcast %shift_right_logical3A_296 : i32 to vector<16xi32>
      %shift_right_logical3A_298 = arith.shrui %bitcast_convert_type3A_295, %shift_right_logical3A_297 : vector<16xi32>
      %bitcast_convert_type3A_299 = tpu.bitcast %get3A_233 : vector<16xf32> -> vector<16xi32>
      %shift_right_logical3A_300 = arith.constant 16 : i32
      %shift_right_logical3A_301 = vector.broadcast %shift_right_logical3A_300 : i32 to vector<16xi32>
      %shift_right_logical3A_302 = arith.shrui %bitcast_convert_type3A_299, %shift_right_logical3A_301 : vector<16xi32>
      %bitcast_convert_type3A_303 = tpu.bitcast %get3A_238 : vector<16xf32> -> vector<16xi32>
      %shift_right_logical3A_304 = arith.constant 16 : i32
      %shift_right_logical3A_305 = vector.broadcast %shift_right_logical3A_304 : i32 to vector<16xi32>
      %shift_right_logical3A_306 = arith.shrui %bitcast_convert_type3A_303, %shift_right_logical3A_305 : vector<16xi32>
      %bitcast_convert_type3A_307 = tpu.bitcast %get3A_243 : vector<16xf32> -> vector<16xi32>
      %shift_right_logical3A_308 = arith.constant 16 : i32
      %shift_right_logical3A_309 = vector.broadcast %shift_right_logical3A_308 : i32 to vector<16xi32>
      %shift_right_logical3A_310 = arith.shrui %bitcast_convert_type3A_307, %shift_right_logical3A_309 : vector<16xi32>
      %bitcast_convert_type3A_311 = tpu.bitcast %get3A_248 : vector<16xf32> -> vector<16xi32>
      %shift_right_logical3A_312 = arith.constant 16 : i32
      %shift_right_logical3A_313 = vector.broadcast %shift_right_logical3A_312 : i32 to vector<16xi32>
      %shift_right_logical3A_314 = arith.shrui %bitcast_convert_type3A_311, %shift_right_logical3A_313 : vector<16xi32>
      %bitcast_convert_type3A_315 = tpu.bitcast %get3A_253 : vector<16xf32> -> vector<16xi32>
      %shift_right_logical3A_316 = arith.constant 16 : i32
      %shift_right_logical3A_317 = vector.broadcast %shift_right_logical3A_316 : i32 to vector<16xi32>
      %shift_right_logical3A_318 = arith.shrui %bitcast_convert_type3A_315, %shift_right_logical3A_317 : vector<16xi32>
      %bitcast_convert_type3A_319 = tpu.bitcast %get3A_258 : vector<16xf32> -> vector<16xi32>
      %shift_right_logical3A_320 = arith.constant 16 : i32
      %shift_right_logical3A_321 = vector.broadcast %shift_right_logical3A_320 : i32 to vector<16xi32>
      %shift_right_logical3A_322 = arith.shrui %bitcast_convert_type3A_319, %shift_right_logical3A_321 : vector<16xi32>
      %bitcast_convert_type3A_323 = tpu.bitcast %get3A_263 : vector<16xf32> -> vector<16xi32>
      %shift_right_logical3A_324 = arith.constant 16 : i32
      %shift_right_logical3A_325 = vector.broadcast %shift_right_logical3A_324 : i32 to vector<16xi32>
      %shift_right_logical3A_326 = arith.shrui %bitcast_convert_type3A_323, %shift_right_logical3A_325 : vector<16xi32>
      %bitcast_convert_type3A_327 = tpu.bitcast %get3A_268 : vector<16xf32> -> vector<16xi32>
      %shift_right_logical3A_328 = arith.constant 16 : i32
      %shift_right_logical3A_329 = vector.broadcast %shift_right_logical3A_328 : i32 to vector<16xi32>
      %shift_right_logical3A_330 = arith.shrui %bitcast_convert_type3A_327, %shift_right_logical3A_329 : vector<16xi32>
      %shift_right_logical3A_331 = arith.constant 7 : i32
      %shift_right_logical3A_332 = vector.broadcast %shift_right_logical3A_331 : i32 to vector<16xi32>
      %shift_right_logical3A_333 = arith.shrui %shift_right_logical3A_270, %shift_right_logical3A_332 : vector<16xi32>
      %and3A_334 = arith.constant 127 : i32
      %and3A_335 = vector.broadcast %and3A_334 : i32 to vector<16xi32>
      %and3A_336 = arith.andi %shift_right_logical3A_270, %and3A_335 : vector<16xi32>
      tpu.vector_store_idx %arg6[%shift_right_logical3A_333, %and3A_336], %broadcast_in_dim3A_21 {add = true} : memref<256x128xi32, #tpu.memory_space<vmem>>[vector<16xi32>, vector<16xi32>], vector<16xi32>,
      %shift_right_logical3A_337 = arith.constant 7 : i32
      %shift_right_logical3A_338 = vector.broadcast %shift_right_logical3A_337 : i32 to vector<16xi32>
      %shift_right_logical3A_339 = arith.shrui %shift_right_logical3A_274, %shift_right_logical3A_338 : vector<16xi32>
      %and3A_340 = arith.constant 127 : i32
      %and3A_341 = vector.broadcast %and3A_340 : i32 to vector<16xi32>
      %and3A_342 = arith.andi %shift_right_logical3A_274, %and3A_341 : vector<16xi32>
      tpu.vector_store_idx %arg6[%shift_right_logical3A_339, %and3A_342], %broadcast_in_dim3A_21 {add = true} : memref<256x128xi32, #tpu.memory_space<vmem>>[vector<16xi32>, vector<16xi32>], vector<16xi32>,
      %shift_right_logical3A_343 = arith.constant 7 : i32
      %shift_right_logical3A_344 = vector.broadcast %shift_right_logical3A_343 : i32 to vector<16xi32>
      %shift_right_logical3A_345 = arith.shrui %shift_right_logical3A_278, %shift_right_logical3A_344 : vector<16xi32>
      %and3A_346 = arith.constant 127 : i32
      %and3A_347 = vector.broadcast %and3A_346 : i32 to vector<16xi32>
      %and3A_348 = arith.andi %shift_right_logical3A_278, %and3A_347 : vector<16xi32>
      tpu.vector_store_idx %arg6[%shift_right_logical3A_345, %and3A_348], %broadcast_in_dim3A_21 {add = true} : memref<256x128xi32, #tpu.memory_space<vmem>>[vector<16xi32>, vector<16xi32>], vector<16xi32>,
      %shift_right_logical3A_349 = arith.constant 7 : i32
      %shift_right_logical3A_350 = vector.broadcast %shift_right_logical3A_349 : i32 to vector<16xi32>
      %shift_right_logical3A_351 = arith.shrui %shift_right_logical3A_282, %shift_right_logical3A_350 : vector<16xi32>
      %and3A_352 = arith.constant 127 : i32
      %and3A_353 = vector.broadcast %and3A_352 : i32 to vector<16xi32>
      %and3A_354 = arith.andi %shift_right_logical3A_282, %and3A_353 : vector<16xi32>
      tpu.vector_store_idx %arg6[%shift_right_logical3A_351, %and3A_354], %broadcast_in_dim3A_21 {add = true} : memref<256x128xi32, #tpu.memory_space<vmem>>[vector<16xi32>, vector<16xi32>], vector<16xi32>,
      %shift_right_logical3A_355 = arith.constant 7 : i32
      %shift_right_logical3A_356 = vector.broadcast %shift_right_logical3A_355 : i32 to vector<16xi32>
      %shift_right_logical3A_357 = arith.shrui %shift_right_logical3A_286, %shift_right_logical3A_356 : vector<16xi32>
      %and3A_358 = arith.constant 127 : i32
      %and3A_359 = vector.broadcast %and3A_358 : i32 to vector<16xi32>
      %and3A_360 = arith.andi %shift_right_logical3A_286, %and3A_359 : vector<16xi32>
      tpu.vector_store_idx %arg6[%shift_right_logical3A_357, %and3A_360], %broadcast_in_dim3A_21 {add = true} : memref<256x128xi32, #tpu.memory_space<vmem>>[vector<16xi32>, vector<16xi32>], vector<16xi32>,
      %shift_right_logical3A_361 = arith.constant 7 : i32
      %shift_right_logical3A_362 = vector.broadcast %shift_right_logical3A_361 : i32 to vector<16xi32>
      %shift_right_logical3A_363 = arith.shrui %shift_right_logical3A_290, %shift_right_logical3A_362 : vector<16xi32>
      %and3A_364 = arith.constant 127 : i32
      %and3A_365 = vector.broadcast %and3A_364 : i32 to vector<16xi32>
      %and3A_366 = arith.andi %shift_right_logical3A_290, %and3A_365 : vector<16xi32>
      tpu.vector_store_idx %arg6[%shift_right_logical3A_363, %and3A_366], %broadcast_in_dim3A_21 {add = true} : memref<256x128xi32, #tpu.memory_space<vmem>>[vector<16xi32>, vector<16xi32>], vector<16xi32>,
      %shift_right_logical3A_367 = arith.constant 7 : i32
      %shift_right_logical3A_368 = vector.broadcast %shift_right_logical3A_367 : i32 to vector<16xi32>
      %shift_right_logical3A_369 = arith.shrui %shift_right_logical3A_294, %shift_right_logical3A_368 : vector<16xi32>
      %and3A_370 = arith.constant 127 : i32
      %and3A_371 = vector.broadcast %and3A_370 : i32 to vector<16xi32>
      %and3A_372 = arith.andi %shift_right_logical3A_294, %and3A_371 : vector<16xi32>
      tpu.vector_store_idx %arg6[%shift_right_logical3A_369, %and3A_372], %broadcast_in_dim3A_21 {add = true} : memref<256x128xi32, #tpu.memory_space<vmem>>[vector<16xi32>, vector<16xi32>], vector<16xi32>,
      %shift_right_logical3A_373 = arith.constant 7 : i32
      %shift_right_logical3A_374 = vector.broadcast %shift_right_logical3A_373 : i32 to vector<16xi32>
      %shift_right_logical3A_375 = arith.shrui %shift_right_logical3A_298, %shift_right_logical3A_374 : vector<16xi32>
      %and3A_376 = arith.constant 127 : i32
      %and3A_377 = vector.broadcast %and3A_376 : i32 to vector<16xi32>
      %and3A_378 = arith.andi %shift_right_logical3A_298, %and3A_377 : vector<16xi32>
      tpu.vector_store_idx %arg6[%shift_right_logical3A_375, %and3A_378], %broadcast_in_dim3A_21 {add = true} : memref<256x128xi32, #tpu.memory_space<vmem>>[vector<16xi32>, vector<16xi32>], vector<16xi32>,
      %shift_right_logical3A_379 = arith.constant 7 : i32
      %shift_right_logical3A_380 = vector.broadcast %shift_right_logical3A_379 : i32 to vector<16xi32>
      %shift_right_logical3A_381 = arith.shrui %shift_right_logical3A_302, %shift_right_logical3A_380 : vector<16xi32>
      %and3A_382 = arith.constant 127 : i32
      %and3A_383 = vector.broadcast %and3A_382 : i32 to vector<16xi32>
      %and3A_384 = arith.andi %shift_right_logical3A_302, %and3A_383 : vector<16xi32>
      tpu.vector_store_idx %arg6[%shift_right_logical3A_381, %and3A_384], %broadcast_in_dim3A_21 {add = true} : memref<256x128xi32, #tpu.memory_space<vmem>>[vector<16xi32>, vector<16xi32>], vector<16xi32>,
      %shift_right_logical3A_385 = arith.constant 7 : i32
      %shift_right_logical3A_386 = vector.broadcast %shift_right_logical3A_385 : i32 to vector<16xi32>
      %shift_right_logical3A_387 = arith.shrui %shift_right_logical3A_306, %shift_right_logical3A_386 : vector<16xi32>
      %and3A_388 = arith.constant 127 : i32
      %and3A_389 = vector.broadcast %and3A_388 : i32 to vector<16xi32>
      %and3A_390 = arith.andi %shift_right_logical3A_306, %and3A_389 : vector<16xi32>
      tpu.vector_store_idx %arg6[%shift_right_logical3A_387, %and3A_390], %broadcast_in_dim3A_21 {add = true} : memref<256x128xi32, #tpu.memory_space<vmem>>[vector<16xi32>, vector<16xi32>], vector<16xi32>,
      %shift_right_logical3A_391 = arith.constant 7 : i32
      %shift_right_logical3A_392 = vector.broadcast %shift_right_logical3A_391 : i32 to vector<16xi32>
      %shift_right_logical3A_393 = arith.shrui %shift_right_logical3A_310, %shift_right_logical3A_392 : vector<16xi32>
      %and3A_394 = arith.constant 127 : i32
      %and3A_395 = vector.broadcast %and3A_394 : i32 to vector<16xi32>
      %and3A_396 = arith.andi %shift_right_logical3A_310, %and3A_395 : vector<16xi32>
      tpu.vector_store_idx %arg6[%shift_right_logical3A_393, %and3A_396], %broadcast_in_dim3A_21 {add = true} : memref<256x128xi32, #tpu.memory_space<vmem>>[vector<16xi32>, vector<16xi32>], vector<16xi32>,
      %shift_right_logical3A_397 = arith.constant 7 : i32
      %shift_right_logical3A_398 = vector.broadcast %shift_right_logical3A_397 : i32 to vector<16xi32>
      %shift_right_logical3A_399 = arith.shrui %shift_right_logical3A_314, %shift_right_logical3A_398 : vector<16xi32>
      %and3A_400 = arith.constant 127 : i32
      %and3A_401 = vector.broadcast %and3A_400 : i32 to vector<16xi32>
      %and3A_402 = arith.andi %shift_right_logical3A_314, %and3A_401 : vector<16xi32>
      tpu.vector_store_idx %arg6[%shift_right_logical3A_399, %and3A_402], %broadcast_in_dim3A_21 {add = true} : memref<256x128xi32, #tpu.memory_space<vmem>>[vector<16xi32>, vector<16xi32>], vector<16xi32>,
      %shift_right_logical3A_403 = arith.constant 7 : i32
      %shift_right_logical3A_404 = vector.broadcast %shift_right_logical3A_403 : i32 to vector<16xi32>
      %shift_right_logical3A_405 = arith.shrui %shift_right_logical3A_318, %shift_right_logical3A_404 : vector<16xi32>
      %and3A_406 = arith.constant 127 : i32
      %and3A_407 = vector.broadcast %and3A_406 : i32 to vector<16xi32>
      %and3A_408 = arith.andi %shift_right_logical3A_318, %and3A_407 : vector<16xi32>
      tpu.vector_store_idx %arg6[%shift_right_logical3A_405, %and3A_408], %broadcast_in_dim3A_21 {add = true} : memref<256x128xi32, #tpu.memory_space<vmem>>[vector<16xi32>, vector<16xi32>], vector<16xi32>,
      %shift_right_logical3A_409 = arith.constant 7 : i32
      %shift_right_logical3A_410 = vector.broadcast %shift_right_logical3A_409 : i32 to vector<16xi32>
      %shift_right_logical3A_411 = arith.shrui %shift_right_logical3A_322, %shift_right_logical3A_410 : vector<16xi32>
      %and3A_412 = arith.constant 127 : i32
      %and3A_413 = vector.broadcast %and3A_412 : i32 to vector<16xi32>
      %and3A_414 = arith.andi %shift_right_logical3A_322, %and3A_413 : vector<16xi32>
      tpu.vector_store_idx %arg6[%shift_right_logical3A_411, %and3A_414], %broadcast_in_dim3A_21 {add = true} : memref<256x128xi32, #tpu.memory_space<vmem>>[vector<16xi32>, vector<16xi32>], vector<16xi32>,
      %shift_right_logical3A_415 = arith.constant 7 : i32
      %shift_right_logical3A_416 = vector.broadcast %shift_right_logical3A_415 : i32 to vector<16xi32>
      %shift_right_logical3A_417 = arith.shrui %shift_right_logical3A_326, %shift_right_logical3A_416 : vector<16xi32>
      %and3A_418 = arith.constant 127 : i32
      %and3A_419 = vector.broadcast %and3A_418 : i32 to vector<16xi32>
      %and3A_420 = arith.andi %shift_right_logical3A_326, %and3A_419 : vector<16xi32>
      tpu.vector_store_idx %arg6[%shift_right_logical3A_417, %and3A_420], %broadcast_in_dim3A_21 {add = true} : memref<256x128xi32, #tpu.memory_space<vmem>>[vector<16xi32>, vector<16xi32>], vector<16xi32>,
      %shift_right_logical3A_421 = arith.constant 7 : i32
      %shift_right_logical3A_422 = vector.broadcast %shift_right_logical3A_421 : i32 to vector<16xi32>
      %shift_right_logical3A_423 = arith.shrui %shift_right_logical3A_330, %shift_right_logical3A_422 : vector<16xi32>
      %and3A_424 = arith.constant 127 : i32
      %and3A_425 = vector.broadcast %and3A_424 : i32 to vector<16xi32>
      %and3A_426 = arith.andi %shift_right_logical3A_330, %and3A_425 : vector<16xi32>
      tpu.vector_store_idx %arg6[%shift_right_logical3A_423, %and3A_426], %broadcast_in_dim3A_21 {add = true} : memref<256x128xi32, #tpu.memory_space<vmem>>[vector<16xi32>, vector<16xi32>], vector<16xi32>,
    }
    %scan3A_38 = arith.constant 32 : i32
    %add3A_39 = arith.constant 16 : i32
    %add3A_40 = arith.addi %mul3A_2, %add3A_39 : i32
    %dma_wait3A_41 = arith.constant 0 : i32
    %dma_wait3A_42 = tpu.memref_slice %arg2[%add3A_40, %dma_wait3A_41] : memref<4096x512xf32, #tpu.memory_space<hbm>> -> memref<16x512xf32, #tpu.memory_space<hbm>>
    %dma_wait3A_43 = arith.constant 0 : i32
    %dma_wait3A_44 = tpu.memref_slice %arg2[%add3A_40, %dma_wait3A_43] : memref<4096x512xf32, #tpu.memory_space<hbm>> -> memref<16x512xf32, #tpu.memory_space<hbm>>
    tpu.wait_dma2 semaphore(%arg8 : memref<!tpu.dma_semaphore, #tpu.memory_space<semaphore_mem>>) src(%dma_wait3A_44 : memref<16x512xf32, #tpu.memory_space<hbm>>) dst(%arg5 : memref<16x512xf32, #tpu.memory_space<vmem>>)
    %add3A_45 = arith.constant 48 : i32
    %add3A_46 = arith.addi %mul3A_2, %add3A_45 : i32
    %dma_start3A_47 = arith.constant 0 : i32
    %dma_start3A_48 = tpu.memref_slice %arg2[%add3A_46, %dma_start3A_47] : memref<4096x512xf32, #tpu.memory_space<hbm>> -> memref<16x512xf32, #tpu.memory_space<hbm>>
    %dma_start3A_49 = arith.constant 0 : i32
    %dma_start3A_50 = tpu.memref_slice %arg2[%add3A_46, %dma_start3A_49] : memref<4096x512xf32, #tpu.memory_space<hbm>> -> memref<16x512xf32, #tpu.memory_space<hbm>>
    tpu.enqueue_dma source(%dma_start3A_50 : memref<16x512xf32, #tpu.memory_space<hbm>>) target(%arg5 : memref<16x512xf32, #tpu.memory_space<vmem>>) target_semaphore(%arg8 : memref<!tpu.dma_semaphore, #tpu.memory_space<semaphore_mem>>)
    %scan3A_51 = arith.constant 0 : i32
    %scan3A_52 = arith.constant 0 : i32
    %scan3A_53 = arith.constant 32 : i32
    %scan3A_54 = arith.addi %scan3A_52, %scan3A_53 : i32
    %scan3A_55 = arith.constant 1 : i32
    scf.for %scan3A_153 = %scan3A_52 to %scan3A_54 step %scan3A_55  : i32 {
      %mul3A_154 = arith.constant 16 : i32
      %mul3A_155 = arith.muli %scan3A_153, %mul3A_154 : i32
      %jit3A = arith.constant 32 : i32
      %div3A = arith.divsi %mul3A_155, %jit3A : i32
      %sign3A = arith.constant 0 : i32
      %sign3A_156 = arith.cmpi sgt, %mul3A_155, %sign3A : i32
      %sign3A_157 = arith.extui %sign3A_156 : i1 to i32
      %sign3A_158 = arith.constant 0 : i32
      %sign3A_159 = arith.cmpi slt, %mul3A_155, %sign3A_158 : i32
      %sign3A_160 = arith.extui %sign3A_159 : i1 to i32
      %sign3A_161 = arith.subi %sign3A_157, %sign3A_160 : i32
      %sign3A_162 = arith.constant 0 : i32
      %sign3A_163 = arith.cmpi sgt, %jit3A, %sign3A_162 : i32
      %sign3A_164 = arith.extui %sign3A_163 : i1 to i32
      %sign3A_165 = arith.constant 0 : i32
      %sign3A_166 = arith.cmpi slt, %jit3A, %sign3A_165 : i32
      %sign3A_167 = arith.extui %sign3A_166 : i1 to i32
      %sign3A_168 = arith.subi %sign3A_164, %sign3A_167 : i32
      %ne3A = arith.cmpi ne, %sign3A_161, %sign3A_168 : i32
      %rem3A = arith.remsi %mul3A_155, %jit3A : i32
      %ne3A_169 = arith.constant 0 : i32
      %ne3A_170 = arith.cmpi ne, %rem3A, %ne3A_169 : i32
      %and3A = arith.andi %ne3A, %ne3A_170 : i1
      %sub3A = arith.constant 1 : i32
      %sub3A_171 = arith.subi %div3A, %sub3A : i32
      %select_n3A = arith.select %and3A, %sub3A_171, %div3A : i32
      %mul3A_172 = arith.constant 16 : i32
      %mul3A_173 = arith.muli %scan3A_153, %mul3A_172 : i32
      %jit3A_174 = arith.constant 32 : i32
      %eq3A = arith.constant 0 : i32
      %eq3A_175 = arith.cmpi eq, %jit3A_174, %eq3A : i32
      %jit3A_176 = arith.constant 1 : i32
      %select_n3A_177 = arith.select %eq3A_175, %jit3A_176, %jit3A_174 : i32
      %rem3A_178 = arith.remsi %mul3A_173, %select_n3A_177 : i32
      %ne3A_179 = arith.constant 0 : i32
      %ne3A_180 = arith.cmpi ne, %rem3A_178, %ne3A_179 : i32
      %lt3A = arith.constant 0 : i32
      %lt3A_181 = arith.cmpi slt, %rem3A_178, %lt3A : i32
      %lt3A_182 = arith.constant 0 : i32
      %lt3A_183 = arith.cmpi slt, %select_n3A_177, %lt3A_182 : i32
      %ne3A_184 = arith.xori %lt3A_181, %lt3A_183 : i1
      %and3A_185 = arith.andi %ne3A_184, %ne3A_180 : i1
      %add3A_186 = arith.addi %rem3A_178, %select_n3A_177 : i32
      %select_n3A_187 = arith.select %and3A_185, %add3A_186, %rem3A_178 : i32
      %mul3A_188 = arith.constant 16 : i32
      %mul3A_189 = arith.muli %select_n3A_187, %mul3A_188 : i32
      %add3A_190 = arith.constant 0 : i32
      %add3A_191 = arith.addi %mul3A_189, %add3A_190 : i32
      %get3A = arith.index_cast %select_n3A : i32 to index
      %get3A_192 = arith.index_cast %add3A_191 : i32 to index
      %get3A_193 = tpu.vector_load %arg5[%get3A, %get3A_192] {strides = array<i32>} : memref<16x512xf32, #tpu.memory_space<vmem>>, vector<16xf32>,
      %add3A_194 = arith.constant 16 : i32
      %add3A_195 = arith.addi %mul3A_189, %add3A_194 : i32
      %get3A_196 = arith.index_cast %select_n3A : i32 to index
      %get3A_197 = arith.index_cast %add3A_195 : i32 to index
      %get3A_198 = tpu.vector_load %arg5[%get3A_196, %get3A_197] {strides = array<i32>} : memref<16x512xf32, #tpu.memory_space<vmem>>, vector<16xf32>,
      %add3A_199 = arith.constant 32 : i32
      %add3A_200 = arith.addi %mul3A_189, %add3A_199 : i32
      %get3A_201 = arith.index_cast %select_n3A : i32 to index
      %get3A_202 = arith.index_cast %add3A_200 : i32 to index
      %get3A_203 = tpu.vector_load %arg5[%get3A_201, %get3A_202] {strides = array<i32>} : memref<16x512xf32, #tpu.memory_space<vmem>>, vector<16xf32>,
      %add3A_204 = arith.constant 48 : i32
      %add3A_205 = arith.addi %mul3A_189, %add3A_204 : i32
      %get3A_206 = arith.index_cast %select_n3A : i32 to index
      %get3A_207 = arith.index_cast %add3A_205 : i32 to index
      %get3A_208 = tpu.vector_load %arg5[%get3A_206, %get3A_207] {strides = array<i32>} : memref<16x512xf32, #tpu.memory_space<vmem>>, vector<16xf32>,
      %add3A_209 = arith.constant 64 : i32
      %add3A_210 = arith.addi %mul3A_189, %add3A_209 : i32
      %get3A_211 = arith.index_cast %select_n3A : i32 to index
      %get3A_212 = arith.index_cast %add3A_210 : i32 to index
      %get3A_213 = tpu.vector_load %arg5[%get3A_211, %get3A_212] {strides = array<i32>} : memref<16x512xf32, #tpu.memory_space<vmem>>, vector<16xf32>,
      %add3A_214 = arith.constant 80 : i32
      %add3A_215 = arith.addi %mul3A_189, %add3A_214 : i32
      %get3A_216 = arith.index_cast %select_n3A : i32 to index
      %get3A_217 = arith.index_cast %add3A_215 : i32 to index
      %get3A_218 = tpu.vector_load %arg5[%get3A_216, %get3A_217] {strides = array<i32>} : memref<16x512xf32, #tpu.memory_space<vmem>>, vector<16xf32>,
      %add3A_219 = arith.constant 96 : i32
      %add3A_220 = arith.addi %mul3A_189, %add3A_219 : i32
      %get3A_221 = arith.index_cast %select_n3A : i32 to index
      %get3A_222 = arith.index_cast %add3A_220 : i32 to index
      %get3A_223 = tpu.vector_load %arg5[%get3A_221, %get3A_222] {strides = array<i32>} : memref<16x512xf32, #tpu.memory_space<vmem>>, vector<16xf32>,
      %add3A_224 = arith.constant 112 : i32
      %add3A_225 = arith.addi %mul3A_189, %add3A_224 : i32
      %get3A_226 = arith.index_cast %select_n3A : i32 to index
      %get3A_227 = arith.index_cast %add3A_225 : i32 to index
      %get3A_228 = tpu.vector_load %arg5[%get3A_226, %get3A_227] {strides = array<i32>} : memref<16x512xf32, #tpu.memory_space<vmem>>, vector<16xf32>,
      %add3A_229 = arith.constant 128 : i32
      %add3A_230 = arith.addi %mul3A_189, %add3A_229 : i32
      %get3A_231 = arith.index_cast %select_n3A : i32 to index
      %get3A_232 = arith.index_cast %add3A_230 : i32 to index
      %get3A_233 = tpu.vector_load %arg5[%get3A_231, %get3A_232] {strides = array<i32>} : memref<16x512xf32, #tpu.memory_space<vmem>>, vector<16xf32>,
      %add3A_234 = arith.constant 144 : i32
      %add3A_235 = arith.addi %mul3A_189, %add3A_234 : i32
      %get3A_236 = arith.index_cast %select_n3A : i32 to index
      %get3A_237 = arith.index_cast %add3A_235 : i32 to index
      %get3A_238 = tpu.vector_load %arg5[%get3A_236, %get3A_237] {strides = array<i32>} : memref<16x512xf32, #tpu.memory_space<vmem>>, vector<16xf32>,
      %add3A_239 = arith.constant 160 : i32
      %add3A_240 = arith.addi %mul3A_189, %add3A_239 : i32
      %get3A_241 = arith.index_cast %select_n3A : i32 to index
      %get3A_242 = arith.index_cast %add3A_240 : i32 to index
      %get3A_243 = tpu.vector_load %arg5[%get3A_241, %get3A_242] {strides = array<i32>} : memref<16x512xf32, #tpu.memory_space<vmem>>, vector<16xf32>,
      %add3A_244 = arith.constant 176 : i32
      %add3A_245 = arith.addi %mul3A_189, %add3A_244 : i32
      %get3A_246 = arith.index_cast %select_n3A : i32 to index
      %get3A_247 = arith.index_cast %add3A_245 : i32 to index
      %get3A_248 = tpu.vector_load %arg5[%get3A_246, %get3A_247] {strides = array<i32>} : memref<16x512xf32, #tpu.memory_space<vmem>>, vector<16xf32>,
      %add3A_249 = arith.constant 192 : i32
      %add3A_250 = arith.addi %mul3A_189, %add3A_249 : i32
      %get3A_251 = arith.index_cast %select_n3A : i32 to index
      %get3A_252 = arith.index_cast %add3A_250 : i32 to index
      %get3A_253 = tpu.vector_load %arg5[%get3A_251, %get3A_252] {strides = array<i32>} : memref<16x512xf32, #tpu.memory_space<vmem>>, vector<16xf32>,
      %add3A_254 = arith.constant 208 : i32
      %add3A_255 = arith.addi %mul3A_189, %add3A_254 : i32
      %get3A_256 = arith.index_cast %select_n3A : i32 to index
      %get3A_257 = arith.index_cast %add3A_255 : i32 to index
      %get3A_258 = tpu.vector_load %arg5[%get3A_256, %get3A_257] {strides = array<i32>} : memref<16x512xf32, #tpu.memory_space<vmem>>, vector<16xf32>,
      %add3A_259 = arith.constant 224 : i32
      %add3A_260 = arith.addi %mul3A_189, %add3A_259 : i32
      %get3A_261 = arith.index_cast %select_n3A : i32 to index
      %get3A_262 = arith.index_cast %add3A_260 : i32 to index
      %get3A_263 = tpu.vector_load %arg5[%get3A_261, %get3A_262] {strides = array<i32>} : memref<16x512xf32, #tpu.memory_space<vmem>>, vector<16xf32>,
      %add3A_264 = arith.constant 240 : i32
      %add3A_265 = arith.addi %mul3A_189, %add3A_264 : i32
      %get3A_266 = arith.index_cast %select_n3A : i32 to index
      %get3A_267 = arith.index_cast %add3A_265 : i32 to index
      %get3A_268 = tpu.vector_load %arg5[%get3A_266, %get3A_267] {strides = array<i32>} : memref<16x512xf32, #tpu.memory_space<vmem>>, vector<16xf32>,
      %bitcast_convert_type3A = tpu.bitcast %get3A_193 : vector<16xf32> -> vector<16xi32>
      %shift_right_logical3A = arith.constant 16 : i32
      %shift_right_logical3A_269 = vector.broadcast %shift_right_logical3A : i32 to vector<16xi32>
      %shift_right_logical3A_270 = arith.shrui %bitcast_convert_type3A, %shift_right_logical3A_269 : vector<16xi32>
      %bitcast_convert_type3A_271 = tpu.bitcast %get3A_198 : vector<16xf32> -> vector<16xi32>
      %shift_right_logical3A_272 = arith.constant 16 : i32
      %shift_right_logical3A_273 = vector.broadcast %shift_right_logical3A_272 : i32 to vector<16xi32>
      %shift_right_logical3A_274 = arith.shrui %bitcast_convert_type3A_271, %shift_right_logical3A_273 : vector<16xi32>
      %bitcast_convert_type3A_275 = tpu.bitcast %get3A_203 : vector<16xf32> -> vector<16xi32>
      %shift_right_logical3A_276 = arith.constant 16 : i32
      %shift_right_logical3A_277 = vector.broadcast %shift_right_logical3A_276 : i32 to vector<16xi32>
      %shift_right_logical3A_278 = arith.shrui %bitcast_convert_type3A_275, %shift_right_logical3A_277 : vector<16xi32>
      %bitcast_convert_type3A_279 = tpu.bitcast %get3A_208 : vector<16xf32> -> vector<16xi32>
      %shift_right_logical3A_280 = arith.constant 16 : i32
      %shift_right_logical3A_281 = vector.broadcast %shift_right_logical3A_280 : i32 to vector<16xi32>
      %shift_right_logical3A_282 = arith.shrui %bitcast_convert_type3A_279, %shift_right_logical3A_281 : vector<16xi32>
      %bitcast_convert_type3A_283 = tpu.bitcast %get3A_213 : vector<16xf32> -> vector<16xi32>
      %shift_right_logical3A_284 = arith.constant 16 : i32
      %shift_right_logical3A_285 = vector.broadcast %shift_right_logical3A_284 : i32 to vector<16xi32>
      %shift_right_logical3A_286 = arith.shrui %bitcast_convert_type3A_283, %shift_right_logical3A_285 : vector<16xi32>
      %bitcast_convert_type3A_287 = tpu.bitcast %get3A_218 : vector<16xf32> -> vector<16xi32>
      %shift_right_logical3A_288 = arith.constant 16 : i32
      %shift_right_logical3A_289 = vector.broadcast %shift_right_logical3A_288 : i32 to vector<16xi32>
      %shift_right_logical3A_290 = arith.shrui %bitcast_convert_type3A_287, %shift_right_logical3A_289 : vector<16xi32>
      %bitcast_convert_type3A_291 = tpu.bitcast %get3A_223 : vector<16xf32> -> vector<16xi32>
      %shift_right_logical3A_292 = arith.constant 16 : i32
      %shift_right_logical3A_293 = vector.broadcast %shift_right_logical3A_292 : i32 to vector<16xi32>
      %shift_right_logical3A_294 = arith.shrui %bitcast_convert_type3A_291, %shift_right_logical3A_293 : vector<16xi32>
      %bitcast_convert_type3A_295 = tpu.bitcast %get3A_228 : vector<16xf32> -> vector<16xi32>
      %shift_right_logical3A_296 = arith.constant 16 : i32
      %shift_right_logical3A_297 = vector.broadcast %shift_right_logical3A_296 : i32 to vector<16xi32>
      %shift_right_logical3A_298 = arith.shrui %bitcast_convert_type3A_295, %shift_right_logical3A_297 : vector<16xi32>
      %bitcast_convert_type3A_299 = tpu.bitcast %get3A_233 : vector<16xf32> -> vector<16xi32>
      %shift_right_logical3A_300 = arith.constant 16 : i32
      %shift_right_logical3A_301 = vector.broadcast %shift_right_logical3A_300 : i32 to vector<16xi32>
      %shift_right_logical3A_302 = arith.shrui %bitcast_convert_type3A_299, %shift_right_logical3A_301 : vector<16xi32>
      %bitcast_convert_type3A_303 = tpu.bitcast %get3A_238 : vector<16xf32> -> vector<16xi32>
      %shift_right_logical3A_304 = arith.constant 16 : i32
      %shift_right_logical3A_305 = vector.broadcast %shift_right_logical3A_304 : i32 to vector<16xi32>
      %shift_right_logical3A_306 = arith.shrui %bitcast_convert_type3A_303, %shift_right_logical3A_305 : vector<16xi32>
      %bitcast_convert_type3A_307 = tpu.bitcast %get3A_243 : vector<16xf32> -> vector<16xi32>
      %shift_right_logical3A_308 = arith.constant 16 : i32
      %shift_right_logical3A_309 = vector.broadcast %shift_right_logical3A_308 : i32 to vector<16xi32>
      %shift_right_logical3A_310 = arith.shrui %bitcast_convert_type3A_307, %shift_right_logical3A_309 : vector<16xi32>
      %bitcast_convert_type3A_311 = tpu.bitcast %get3A_248 : vector<16xf32> -> vector<16xi32>
      %shift_right_logical3A_312 = arith.constant 16 : i32
      %shift_right_logical3A_313 = vector.broadcast %shift_right_logical3A_312 : i32 to vector<16xi32>
      %shift_right_logical3A_314 = arith.shrui %bitcast_convert_type3A_311, %shift_right_logical3A_313 : vector<16xi32>
      %bitcast_convert_type3A_315 = tpu.bitcast %get3A_253 : vector<16xf32> -> vector<16xi32>
      %shift_right_logical3A_316 = arith.constant 16 : i32
      %shift_right_logical3A_317 = vector.broadcast %shift_right_logical3A_316 : i32 to vector<16xi32>
      %shift_right_logical3A_318 = arith.shrui %bitcast_convert_type3A_315, %shift_right_logical3A_317 : vector<16xi32>
      %bitcast_convert_type3A_319 = tpu.bitcast %get3A_258 : vector<16xf32> -> vector<16xi32>
      %shift_right_logical3A_320 = arith.constant 16 : i32
      %shift_right_logical3A_321 = vector.broadcast %shift_right_logical3A_320 : i32 to vector<16xi32>
      %shift_right_logical3A_322 = arith.shrui %bitcast_convert_type3A_319, %shift_right_logical3A_321 : vector<16xi32>
      %bitcast_convert_type3A_323 = tpu.bitcast %get3A_263 : vector<16xf32> -> vector<16xi32>
      %shift_right_logical3A_324 = arith.constant 16 : i32
      %shift_right_logical3A_325 = vector.broadcast %shift_right_logical3A_324 : i32 to vector<16xi32>
      %shift_right_logical3A_326 = arith.shrui %bitcast_convert_type3A_323, %shift_right_logical3A_325 : vector<16xi32>
      %bitcast_convert_type3A_327 = tpu.bitcast %get3A_268 : vector<16xf32> -> vector<16xi32>
      %shift_right_logical3A_328 = arith.constant 16 : i32
      %shift_right_logical3A_329 = vector.broadcast %shift_right_logical3A_328 : i32 to vector<16xi32>
      %shift_right_logical3A_330 = arith.shrui %bitcast_convert_type3A_327, %shift_right_logical3A_329 : vector<16xi32>
      %shift_right_logical3A_331 = arith.constant 7 : i32
      %shift_right_logical3A_332 = vector.broadcast %shift_right_logical3A_331 : i32 to vector<16xi32>
      %shift_right_logical3A_333 = arith.shrui %shift_right_logical3A_270, %shift_right_logical3A_332 : vector<16xi32>
      %and3A_334 = arith.constant 127 : i32
      %and3A_335 = vector.broadcast %and3A_334 : i32 to vector<16xi32>
      %and3A_336 = arith.andi %shift_right_logical3A_270, %and3A_335 : vector<16xi32>
      tpu.vector_store_idx %arg6[%shift_right_logical3A_333, %and3A_336], %broadcast_in_dim3A_21 {add = true} : memref<256x128xi32, #tpu.memory_space<vmem>>[vector<16xi32>, vector<16xi32>], vector<16xi32>,
      %shift_right_logical3A_337 = arith.constant 7 : i32
      %shift_right_logical3A_338 = vector.broadcast %shift_right_logical3A_337 : i32 to vector<16xi32>
      %shift_right_logical3A_339 = arith.shrui %shift_right_logical3A_274, %shift_right_logical3A_338 : vector<16xi32>
      %and3A_340 = arith.constant 127 : i32
      %and3A_341 = vector.broadcast %and3A_340 : i32 to vector<16xi32>
      %and3A_342 = arith.andi %shift_right_logical3A_274, %and3A_341 : vector<16xi32>
      tpu.vector_store_idx %arg6[%shift_right_logical3A_339, %and3A_342], %broadcast_in_dim3A_21 {add = true} : memref<256x128xi32, #tpu.memory_space<vmem>>[vector<16xi32>, vector<16xi32>], vector<16xi32>,
      %shift_right_logical3A_343 = arith.constant 7 : i32
      %shift_right_logical3A_344 = vector.broadcast %shift_right_logical3A_343 : i32 to vector<16xi32>
      %shift_right_logical3A_345 = arith.shrui %shift_right_logical3A_278, %shift_right_logical3A_344 : vector<16xi32>
      %and3A_346 = arith.constant 127 : i32
      %and3A_347 = vector.broadcast %and3A_346 : i32 to vector<16xi32>
      %and3A_348 = arith.andi %shift_right_logical3A_278, %and3A_347 : vector<16xi32>
      tpu.vector_store_idx %arg6[%shift_right_logical3A_345, %and3A_348], %broadcast_in_dim3A_21 {add = true} : memref<256x128xi32, #tpu.memory_space<vmem>>[vector<16xi32>, vector<16xi32>], vector<16xi32>,
      %shift_right_logical3A_349 = arith.constant 7 : i32
      %shift_right_logical3A_350 = vector.broadcast %shift_right_logical3A_349 : i32 to vector<16xi32>
      %shift_right_logical3A_351 = arith.shrui %shift_right_logical3A_282, %shift_right_logical3A_350 : vector<16xi32>
      %and3A_352 = arith.constant 127 : i32
      %and3A_353 = vector.broadcast %and3A_352 : i32 to vector<16xi32>
      %and3A_354 = arith.andi %shift_right_logical3A_282, %and3A_353 : vector<16xi32>
      tpu.vector_store_idx %arg6[%shift_right_logical3A_351, %and3A_354], %broadcast_in_dim3A_21 {add = true} : memref<256x128xi32, #tpu.memory_space<vmem>>[vector<16xi32>, vector<16xi32>], vector<16xi32>,
      %shift_right_logical3A_355 = arith.constant 7 : i32
      %shift_right_logical3A_356 = vector.broadcast %shift_right_logical3A_355 : i32 to vector<16xi32>
      %shift_right_logical3A_357 = arith.shrui %shift_right_logical3A_286, %shift_right_logical3A_356 : vector<16xi32>
      %and3A_358 = arith.constant 127 : i32
      %and3A_359 = vector.broadcast %and3A_358 : i32 to vector<16xi32>
      %and3A_360 = arith.andi %shift_right_logical3A_286, %and3A_359 : vector<16xi32>
      tpu.vector_store_idx %arg6[%shift_right_logical3A_357, %and3A_360], %broadcast_in_dim3A_21 {add = true} : memref<256x128xi32, #tpu.memory_space<vmem>>[vector<16xi32>, vector<16xi32>], vector<16xi32>,
      %shift_right_logical3A_361 = arith.constant 7 : i32
      %shift_right_logical3A_362 = vector.broadcast %shift_right_logical3A_361 : i32 to vector<16xi32>
      %shift_right_logical3A_363 = arith.shrui %shift_right_logical3A_290, %shift_right_logical3A_362 : vector<16xi32>
      %and3A_364 = arith.constant 127 : i32
      %and3A_365 = vector.broadcast %and3A_364 : i32 to vector<16xi32>
      %and3A_366 = arith.andi %shift_right_logical3A_290, %and3A_365 : vector<16xi32>
      tpu.vector_store_idx %arg6[%shift_right_logical3A_363, %and3A_366], %broadcast_in_dim3A_21 {add = true} : memref<256x128xi32, #tpu.memory_space<vmem>>[vector<16xi32>, vector<16xi32>], vector<16xi32>,
      %shift_right_logical3A_367 = arith.constant 7 : i32
      %shift_right_logical3A_368 = vector.broadcast %shift_right_logical3A_367 : i32 to vector<16xi32>
      %shift_right_logical3A_369 = arith.shrui %shift_right_logical3A_294, %shift_right_logical3A_368 : vector<16xi32>
      %and3A_370 = arith.constant 127 : i32
      %and3A_371 = vector.broadcast %and3A_370 : i32 to vector<16xi32>
      %and3A_372 = arith.andi %shift_right_logical3A_294, %and3A_371 : vector<16xi32>
      tpu.vector_store_idx %arg6[%shift_right_logical3A_369, %and3A_372], %broadcast_in_dim3A_21 {add = true} : memref<256x128xi32, #tpu.memory_space<vmem>>[vector<16xi32>, vector<16xi32>], vector<16xi32>,
      %shift_right_logical3A_373 = arith.constant 7 : i32
      %shift_right_logical3A_374 = vector.broadcast %shift_right_logical3A_373 : i32 to vector<16xi32>
      %shift_right_logical3A_375 = arith.shrui %shift_right_logical3A_298, %shift_right_logical3A_374 : vector<16xi32>
      %and3A_376 = arith.constant 127 : i32
      %and3A_377 = vector.broadcast %and3A_376 : i32 to vector<16xi32>
      %and3A_378 = arith.andi %shift_right_logical3A_298, %and3A_377 : vector<16xi32>
      tpu.vector_store_idx %arg6[%shift_right_logical3A_375, %and3A_378], %broadcast_in_dim3A_21 {add = true} : memref<256x128xi32, #tpu.memory_space<vmem>>[vector<16xi32>, vector<16xi32>], vector<16xi32>,
      %shift_right_logical3A_379 = arith.constant 7 : i32
      %shift_right_logical3A_380 = vector.broadcast %shift_right_logical3A_379 : i32 to vector<16xi32>
      %shift_right_logical3A_381 = arith.shrui %shift_right_logical3A_302, %shift_right_logical3A_380 : vector<16xi32>
      %and3A_382 = arith.constant 127 : i32
      %and3A_383 = vector.broadcast %and3A_382 : i32 to vector<16xi32>
      %and3A_384 = arith.andi %shift_right_logical3A_302, %and3A_383 : vector<16xi32>
      tpu.vector_store_idx %arg6[%shift_right_logical3A_381, %and3A_384], %broadcast_in_dim3A_21 {add = true} : memref<256x128xi32, #tpu.memory_space<vmem>>[vector<16xi32>, vector<16xi32>], vector<16xi32>,
      %shift_right_logical3A_385 = arith.constant 7 : i32
      %shift_right_logical3A_386 = vector.broadcast %shift_right_logical3A_385 : i32 to vector<16xi32>
      %shift_right_logical3A_387 = arith.shrui %shift_right_logical3A_306, %shift_right_logical3A_386 : vector<16xi32>
      %and3A_388 = arith.constant 127 : i32
      %and3A_389 = vector.broadcast %and3A_388 : i32 to vector<16xi32>
      %and3A_390 = arith.andi %shift_right_logical3A_306, %and3A_389 : vector<16xi32>
      tpu.vector_store_idx %arg6[%shift_right_logical3A_387, %and3A_390], %broadcast_in_dim3A_21 {add = true} : memref<256x128xi32, #tpu.memory_space<vmem>>[vector<16xi32>, vector<16xi32>], vector<16xi32>,
      %shift_right_logical3A_391 = arith.constant 7 : i32
      %shift_right_logical3A_392 = vector.broadcast %shift_right_logical3A_391 : i32 to vector<16xi32>
      %shift_right_logical3A_393 = arith.shrui %shift_right_logical3A_310, %shift_right_logical3A_392 : vector<16xi32>
      %and3A_394 = arith.constant 127 : i32
      %and3A_395 = vector.broadcast %and3A_394 : i32 to vector<16xi32>
      %and3A_396 = arith.andi %shift_right_logical3A_310, %and3A_395 : vector<16xi32>
      tpu.vector_store_idx %arg6[%shift_right_logical3A_393, %and3A_396], %broadcast_in_dim3A_21 {add = true} : memref<256x128xi32, #tpu.memory_space<vmem>>[vector<16xi32>, vector<16xi32>], vector<16xi32>,
      %shift_right_logical3A_397 = arith.constant 7 : i32
      %shift_right_logical3A_398 = vector.broadcast %shift_right_logical3A_397 : i32 to vector<16xi32>
      %shift_right_logical3A_399 = arith.shrui %shift_right_logical3A_314, %shift_right_logical3A_398 : vector<16xi32>
      %and3A_400 = arith.constant 127 : i32
      %and3A_401 = vector.broadcast %and3A_400 : i32 to vector<16xi32>
      %and3A_402 = arith.andi %shift_right_logical3A_314, %and3A_401 : vector<16xi32>
      tpu.vector_store_idx %arg6[%shift_right_logical3A_399, %and3A_402], %broadcast_in_dim3A_21 {add = true} : memref<256x128xi32, #tpu.memory_space<vmem>>[vector<16xi32>, vector<16xi32>], vector<16xi32>,
      %shift_right_logical3A_403 = arith.constant 7 : i32
      %shift_right_logical3A_404 = vector.broadcast %shift_right_logical3A_403 : i32 to vector<16xi32>
      %shift_right_logical3A_405 = arith.shrui %shift_right_logical3A_318, %shift_right_logical3A_404 : vector<16xi32>
      %and3A_406 = arith.constant 127 : i32
      %and3A_407 = vector.broadcast %and3A_406 : i32 to vector<16xi32>
      %and3A_408 = arith.andi %shift_right_logical3A_318, %and3A_407 : vector<16xi32>
      tpu.vector_store_idx %arg6[%shift_right_logical3A_405, %and3A_408], %broadcast_in_dim3A_21 {add = true} : memref<256x128xi32, #tpu.memory_space<vmem>>[vector<16xi32>, vector<16xi32>], vector<16xi32>,
      %shift_right_logical3A_409 = arith.constant 7 : i32
      %shift_right_logical3A_410 = vector.broadcast %shift_right_logical3A_409 : i32 to vector<16xi32>
      %shift_right_logical3A_411 = arith.shrui %shift_right_logical3A_322, %shift_right_logical3A_410 : vector<16xi32>
      %and3A_412 = arith.constant 127 : i32
      %and3A_413 = vector.broadcast %and3A_412 : i32 to vector<16xi32>
      %and3A_414 = arith.andi %shift_right_logical3A_322, %and3A_413 : vector<16xi32>
      tpu.vector_store_idx %arg6[%shift_right_logical3A_411, %and3A_414], %broadcast_in_dim3A_21 {add = true} : memref<256x128xi32, #tpu.memory_space<vmem>>[vector<16xi32>, vector<16xi32>], vector<16xi32>,
      %shift_right_logical3A_415 = arith.constant 7 : i32
      %shift_right_logical3A_416 = vector.broadcast %shift_right_logical3A_415 : i32 to vector<16xi32>
      %shift_right_logical3A_417 = arith.shrui %shift_right_logical3A_326, %shift_right_logical3A_416 : vector<16xi32>
      %and3A_418 = arith.constant 127 : i32
      %and3A_419 = vector.broadcast %and3A_418 : i32 to vector<16xi32>
      %and3A_420 = arith.andi %shift_right_logical3A_326, %and3A_419 : vector<16xi32>
      tpu.vector_store_idx %arg6[%shift_right_logical3A_417, %and3A_420], %broadcast_in_dim3A_21 {add = true} : memref<256x128xi32, #tpu.memory_space<vmem>>[vector<16xi32>, vector<16xi32>], vector<16xi32>,
      %shift_right_logical3A_421 = arith.constant 7 : i32
      %shift_right_logical3A_422 = vector.broadcast %shift_right_logical3A_421 : i32 to vector<16xi32>
      %shift_right_logical3A_423 = arith.shrui %shift_right_logical3A_330, %shift_right_logical3A_422 : vector<16xi32>
      %and3A_424 = arith.constant 127 : i32
      %and3A_425 = vector.broadcast %and3A_424 : i32 to vector<16xi32>
      %and3A_426 = arith.andi %shift_right_logical3A_330, %and3A_425 : vector<16xi32>
      tpu.vector_store_idx %arg6[%shift_right_logical3A_423, %and3A_426], %broadcast_in_dim3A_21 {add = true} : memref<256x128xi32, #tpu.memory_space<vmem>>[vector<16xi32>, vector<16xi32>], vector<16xi32>,
    }
    %scan3A_56 = arith.constant 32 : i32
    %add3A_57 = arith.constant 32 : i32
    %add3A_58 = arith.addi %mul3A_2, %add3A_57 : i32
    %dma_wait3A_59 = arith.constant 0 : i32
    %dma_wait3A_60 = tpu.memref_slice %arg2[%add3A_58, %dma_wait3A_59] : memref<4096x512xf32, #tpu.memory_space<hbm>> -> memref<16x512xf32, #tpu.memory_space<hbm>>
    %dma_wait3A_61 = arith.constant 0 : i32
    %dma_wait3A_62 = tpu.memref_slice %arg2[%add3A_58, %dma_wait3A_61] : memref<4096x512xf32, #tpu.memory_space<hbm>> -> memref<16x512xf32, #tpu.memory_space<hbm>>
    tpu.wait_dma2 semaphore(%arg7 : memref<!tpu.dma_semaphore, #tpu.memory_space<semaphore_mem>>) src(%dma_wait3A_62 : memref<16x512xf32, #tpu.memory_space<hbm>>) dst(%arg4 : memref<16x512xf32, #tpu.memory_space<vmem>>)
    %add3A_63 = arith.constant 64 : i32
    %add3A_64 = arith.addi %mul3A_2, %add3A_63 : i32
    %dma_start3A_65 = arith.constant 0 : i32
    %dma_start3A_66 = tpu.memref_slice %arg2[%add3A_64, %dma_start3A_65] : memref<4096x512xf32, #tpu.memory_space<hbm>> -> memref<16x512xf32, #tpu.memory_space<hbm>>
    %dma_start3A_67 = arith.constant 0 : i32
    %dma_start3A_68 = tpu.memref_slice %arg2[%add3A_64, %dma_start3A_67] : memref<4096x512xf32, #tpu.memory_space<hbm>> -> memref<16x512xf32, #tpu.memory_space<hbm>>
    tpu.enqueue_dma source(%dma_start3A_68 : memref<16x512xf32, #tpu.memory_space<hbm>>) target(%arg4 : memref<16x512xf32, #tpu.memory_space<vmem>>) target_semaphore(%arg7 : memref<!tpu.dma_semaphore, #tpu.memory_space<semaphore_mem>>)
    %scan3A_69 = arith.constant 0 : i32
    %scan3A_70 = arith.constant 0 : i32
    %scan3A_71 = arith.constant 32 : i32
    %scan3A_72 = arith.addi %scan3A_70, %scan3A_71 : i32
    %scan3A_73 = arith.constant 1 : i32
    scf.for %scan3A_153 = %scan3A_70 to %scan3A_72 step %scan3A_73  : i32 {
      %mul3A_154 = arith.constant 16 : i32
      %mul3A_155 = arith.muli %scan3A_153, %mul3A_154 : i32
      %jit3A = arith.constant 32 : i32
      %div3A = arith.divsi %mul3A_155, %jit3A : i32
      %sign3A = arith.constant 0 : i32
      %sign3A_156 = arith.cmpi sgt, %mul3A_155, %sign3A : i32
      %sign3A_157 = arith.extui %sign3A_156 : i1 to i32
      %sign3A_158 = arith.constant 0 : i32
      %sign3A_159 = arith.cmpi slt, %mul3A_155, %sign3A_158 : i32
      %sign3A_160 = arith.extui %sign3A_159 : i1 to i32
      %sign3A_161 = arith.subi %sign3A_157, %sign3A_160 : i32
      %sign3A_162 = arith.constant 0 : i32
      %sign3A_163 = arith.cmpi sgt, %jit3A, %sign3A_162 : i32
      %sign3A_164 = arith.extui %sign3A_163 : i1 to i32
      %sign3A_165 = arith.constant 0 : i32
      %sign3A_166 = arith.cmpi slt, %jit3A, %sign3A_165 : i32
      %sign3A_167 = arith.extui %sign3A_166 : i1 to i32
      %sign3A_168 = arith.subi %sign3A_164, %sign3A_167 : i32
      %ne3A = arith.cmpi ne, %sign3A_161, %sign3A_168 : i32
      %rem3A = arith.remsi %mul3A_155, %jit3A : i32
      %ne3A_169 = arith.constant 0 : i32
      %ne3A_170 = arith.cmpi ne, %rem3A, %ne3A_169 : i32
      %and3A = arith.andi %ne3A, %ne3A_170 : i1
      %sub3A = arith.constant 1 : i32
      %sub3A_171 = arith.subi %div3A, %sub3A : i32
      %select_n3A = arith.select %and3A, %sub3A_171, %div3A : i32
      %mul3A_172 = arith.constant 16 : i32
      %mul3A_173 = arith.muli %scan3A_153, %mul3A_172 : i32
      %jit3A_174 = arith.constant 32 : i32
      %eq3A = arith.constant 0 : i32
      %eq3A_175 = arith.cmpi eq, %jit3A_174, %eq3A : i32
      %jit3A_176 = arith.constant 1 : i32
      %select_n3A_177 = arith.select %eq3A_175, %jit3A_176, %jit3A_174 : i32
      %rem3A_178 = arith.remsi %mul3A_173, %select_n3A_177 : i32
      %ne3A_179 = arith.constant 0 : i32
      %ne3A_180 = arith.cmpi ne, %rem3A_178, %ne3A_179 : i32
      %lt3A = arith.constant 0 : i32
      %lt3A_181 = arith.cmpi slt, %rem3A_178, %lt3A : i32
      %lt3A_182 = arith.constant 0 : i32
      %lt3A_183 = arith.cmpi slt, %select_n3A_177, %lt3A_182 : i32
      %ne3A_184 = arith.xori %lt3A_181, %lt3A_183 : i1
      %and3A_185 = arith.andi %ne3A_184, %ne3A_180 : i1
      %add3A_186 = arith.addi %rem3A_178, %select_n3A_177 : i32
      %select_n3A_187 = arith.select %and3A_185, %add3A_186, %rem3A_178 : i32
      %mul3A_188 = arith.constant 16 : i32
      %mul3A_189 = arith.muli %select_n3A_187, %mul3A_188 : i32
      %add3A_190 = arith.constant 0 : i32
      %add3A_191 = arith.addi %mul3A_189, %add3A_190 : i32
      %get3A = arith.index_cast %select_n3A : i32 to index
      %get3A_192 = arith.index_cast %add3A_191 : i32 to index
      %get3A_193 = tpu.vector_load %arg4[%get3A, %get3A_192] {strides = array<i32>} : memref<16x512xf32, #tpu.memory_space<vmem>>, vector<16xf32>,
      %add3A_194 = arith.constant 16 : i32
      %add3A_195 = arith.addi %mul3A_189, %add3A_194 : i32
      %get3A_196 = arith.index_cast %select_n3A : i32 to index
      %get3A_197 = arith.index_cast %add3A_195 : i32 to index
      %get3A_198 = tpu.vector_load %arg4[%get3A_196, %get3A_197] {strides = array<i32>} : memref<16x512xf32, #tpu.memory_space<vmem>>, vector<16xf32>,
      %add3A_199 = arith.constant 32 : i32
      %add3A_200 = arith.addi %mul3A_189, %add3A_199 : i32
      %get3A_201 = arith.index_cast %select_n3A : i32 to index
      %get3A_202 = arith.index_cast %add3A_200 : i32 to index
      %get3A_203 = tpu.vector_load %arg4[%get3A_201, %get3A_202] {strides = array<i32>} : memref<16x512xf32, #tpu.memory_space<vmem>>, vector<16xf32>,
      %add3A_204 = arith.constant 48 : i32
      %add3A_205 = arith.addi %mul3A_189, %add3A_204 : i32
      %get3A_206 = arith.index_cast %select_n3A : i32 to index
      %get3A_207 = arith.index_cast %add3A_205 : i32 to index
      %get3A_208 = tpu.vector_load %arg4[%get3A_206, %get3A_207] {strides = array<i32>} : memref<16x512xf32, #tpu.memory_space<vmem>>, vector<16xf32>,
      %add3A_209 = arith.constant 64 : i32
      %add3A_210 = arith.addi %mul3A_189, %add3A_209 : i32
      %get3A_211 = arith.index_cast %select_n3A : i32 to index
      %get3A_212 = arith.index_cast %add3A_210 : i32 to index
      %get3A_213 = tpu.vector_load %arg4[%get3A_211, %get3A_212] {strides = array<i32>} : memref<16x512xf32, #tpu.memory_space<vmem>>, vector<16xf32>,
      %add3A_214 = arith.constant 80 : i32
      %add3A_215 = arith.addi %mul3A_189, %add3A_214 : i32
      %get3A_216 = arith.index_cast %select_n3A : i32 to index
      %get3A_217 = arith.index_cast %add3A_215 : i32 to index
      %get3A_218 = tpu.vector_load %arg4[%get3A_216, %get3A_217] {strides = array<i32>} : memref<16x512xf32, #tpu.memory_space<vmem>>, vector<16xf32>,
      %add3A_219 = arith.constant 96 : i32
      %add3A_220 = arith.addi %mul3A_189, %add3A_219 : i32
      %get3A_221 = arith.index_cast %select_n3A : i32 to index
      %get3A_222 = arith.index_cast %add3A_220 : i32 to index
      %get3A_223 = tpu.vector_load %arg4[%get3A_221, %get3A_222] {strides = array<i32>} : memref<16x512xf32, #tpu.memory_space<vmem>>, vector<16xf32>,
      %add3A_224 = arith.constant 112 : i32
      %add3A_225 = arith.addi %mul3A_189, %add3A_224 : i32
      %get3A_226 = arith.index_cast %select_n3A : i32 to index
      %get3A_227 = arith.index_cast %add3A_225 : i32 to index
      %get3A_228 = tpu.vector_load %arg4[%get3A_226, %get3A_227] {strides = array<i32>} : memref<16x512xf32, #tpu.memory_space<vmem>>, vector<16xf32>,
      %add3A_229 = arith.constant 128 : i32
      %add3A_230 = arith.addi %mul3A_189, %add3A_229 : i32
      %get3A_231 = arith.index_cast %select_n3A : i32 to index
      %get3A_232 = arith.index_cast %add3A_230 : i32 to index
      %get3A_233 = tpu.vector_load %arg4[%get3A_231, %get3A_232] {strides = array<i32>} : memref<16x512xf32, #tpu.memory_space<vmem>>, vector<16xf32>,
      %add3A_234 = arith.constant 144 : i32
      %add3A_235 = arith.addi %mul3A_189, %add3A_234 : i32
      %get3A_236 = arith.index_cast %select_n3A : i32 to index
      %get3A_237 = arith.index_cast %add3A_235 : i32 to index
      %get3A_238 = tpu.vector_load %arg4[%get3A_236, %get3A_237] {strides = array<i32>} : memref<16x512xf32, #tpu.memory_space<vmem>>, vector<16xf32>,
      %add3A_239 = arith.constant 160 : i32
      %add3A_240 = arith.addi %mul3A_189, %add3A_239 : i32
      %get3A_241 = arith.index_cast %select_n3A : i32 to index
      %get3A_242 = arith.index_cast %add3A_240 : i32 to index
      %get3A_243 = tpu.vector_load %arg4[%get3A_241, %get3A_242] {strides = array<i32>} : memref<16x512xf32, #tpu.memory_space<vmem>>, vector<16xf32>,
      %add3A_244 = arith.constant 176 : i32
      %add3A_245 = arith.addi %mul3A_189, %add3A_244 : i32
      %get3A_246 = arith.index_cast %select_n3A : i32 to index
      %get3A_247 = arith.index_cast %add3A_245 : i32 to index
      %get3A_248 = tpu.vector_load %arg4[%get3A_246, %get3A_247] {strides = array<i32>} : memref<16x512xf32, #tpu.memory_space<vmem>>, vector<16xf32>,
      %add3A_249 = arith.constant 192 : i32
      %add3A_250 = arith.addi %mul3A_189, %add3A_249 : i32
      %get3A_251 = arith.index_cast %select_n3A : i32 to index
      %get3A_252 = arith.index_cast %add3A_250 : i32 to index
      %get3A_253 = tpu.vector_load %arg4[%get3A_251, %get3A_252] {strides = array<i32>} : memref<16x512xf32, #tpu.memory_space<vmem>>, vector<16xf32>,
      %add3A_254 = arith.constant 208 : i32
      %add3A_255 = arith.addi %mul3A_189, %add3A_254 : i32
      %get3A_256 = arith.index_cast %select_n3A : i32 to index
      %get3A_257 = arith.index_cast %add3A_255 : i32 to index
      %get3A_258 = tpu.vector_load %arg4[%get3A_256, %get3A_257] {strides = array<i32>} : memref<16x512xf32, #tpu.memory_space<vmem>>, vector<16xf32>,
      %add3A_259 = arith.constant 224 : i32
      %add3A_260 = arith.addi %mul3A_189, %add3A_259 : i32
      %get3A_261 = arith.index_cast %select_n3A : i32 to index
      %get3A_262 = arith.index_cast %add3A_260 : i32 to index
      %get3A_263 = tpu.vector_load %arg4[%get3A_261, %get3A_262] {strides = array<i32>} : memref<16x512xf32, #tpu.memory_space<vmem>>, vector<16xf32>,
      %add3A_264 = arith.constant 240 : i32
      %add3A_265 = arith.addi %mul3A_189, %add3A_264 : i32
      %get3A_266 = arith.index_cast %select_n3A : i32 to index
      %get3A_267 = arith.index_cast %add3A_265 : i32 to index
      %get3A_268 = tpu.vector_load %arg4[%get3A_266, %get3A_267] {strides = array<i32>} : memref<16x512xf32, #tpu.memory_space<vmem>>, vector<16xf32>,
      %bitcast_convert_type3A = tpu.bitcast %get3A_193 : vector<16xf32> -> vector<16xi32>
      %shift_right_logical3A = arith.constant 16 : i32
      %shift_right_logical3A_269 = vector.broadcast %shift_right_logical3A : i32 to vector<16xi32>
      %shift_right_logical3A_270 = arith.shrui %bitcast_convert_type3A, %shift_right_logical3A_269 : vector<16xi32>
      %bitcast_convert_type3A_271 = tpu.bitcast %get3A_198 : vector<16xf32> -> vector<16xi32>
      %shift_right_logical3A_272 = arith.constant 16 : i32
      %shift_right_logical3A_273 = vector.broadcast %shift_right_logical3A_272 : i32 to vector<16xi32>
      %shift_right_logical3A_274 = arith.shrui %bitcast_convert_type3A_271, %shift_right_logical3A_273 : vector<16xi32>
      %bitcast_convert_type3A_275 = tpu.bitcast %get3A_203 : vector<16xf32> -> vector<16xi32>
      %shift_right_logical3A_276 = arith.constant 16 : i32
      %shift_right_logical3A_277 = vector.broadcast %shift_right_logical3A_276 : i32 to vector<16xi32>
      %shift_right_logical3A_278 = arith.shrui %bitcast_convert_type3A_275, %shift_right_logical3A_277 : vector<16xi32>
      %bitcast_convert_type3A_279 = tpu.bitcast %get3A_208 : vector<16xf32> -> vector<16xi32>
      %shift_right_logical3A_280 = arith.constant 16 : i32
      %shift_right_logical3A_281 = vector.broadcast %shift_right_logical3A_280 : i32 to vector<16xi32>
      %shift_right_logical3A_282 = arith.shrui %bitcast_convert_type3A_279, %shift_right_logical3A_281 : vector<16xi32>
      %bitcast_convert_type3A_283 = tpu.bitcast %get3A_213 : vector<16xf32> -> vector<16xi32>
      %shift_right_logical3A_284 = arith.constant 16 : i32
      %shift_right_logical3A_285 = vector.broadcast %shift_right_logical3A_284 : i32 to vector<16xi32>
      %shift_right_logical3A_286 = arith.shrui %bitcast_convert_type3A_283, %shift_right_logical3A_285 : vector<16xi32>
      %bitcast_convert_type3A_287 = tpu.bitcast %get3A_218 : vector<16xf32> -> vector<16xi32>
      %shift_right_logical3A_288 = arith.constant 16 : i32
      %shift_right_logical3A_289 = vector.broadcast %shift_right_logical3A_288 : i32 to vector<16xi32>
      %shift_right_logical3A_290 = arith.shrui %bitcast_convert_type3A_287, %shift_right_logical3A_289 : vector<16xi32>
      %bitcast_convert_type3A_291 = tpu.bitcast %get3A_223 : vector<16xf32> -> vector<16xi32>
      %shift_right_logical3A_292 = arith.constant 16 : i32
      %shift_right_logical3A_293 = vector.broadcast %shift_right_logical3A_292 : i32 to vector<16xi32>
      %shift_right_logical3A_294 = arith.shrui %bitcast_convert_type3A_291, %shift_right_logical3A_293 : vector<16xi32>
      %bitcast_convert_type3A_295 = tpu.bitcast %get3A_228 : vector<16xf32> -> vector<16xi32>
      %shift_right_logical3A_296 = arith.constant 16 : i32
      %shift_right_logical3A_297 = vector.broadcast %shift_right_logical3A_296 : i32 to vector<16xi32>
      %shift_right_logical3A_298 = arith.shrui %bitcast_convert_type3A_295, %shift_right_logical3A_297 : vector<16xi32>
      %bitcast_convert_type3A_299 = tpu.bitcast %get3A_233 : vector<16xf32> -> vector<16xi32>
      %shift_right_logical3A_300 = arith.constant 16 : i32
      %shift_right_logical3A_301 = vector.broadcast %shift_right_logical3A_300 : i32 to vector<16xi32>
      %shift_right_logical3A_302 = arith.shrui %bitcast_convert_type3A_299, %shift_right_logical3A_301 : vector<16xi32>
      %bitcast_convert_type3A_303 = tpu.bitcast %get3A_238 : vector<16xf32> -> vector<16xi32>
      %shift_right_logical3A_304 = arith.constant 16 : i32
      %shift_right_logical3A_305 = vector.broadcast %shift_right_logical3A_304 : i32 to vector<16xi32>
      %shift_right_logical3A_306 = arith.shrui %bitcast_convert_type3A_303, %shift_right_logical3A_305 : vector<16xi32>
      %bitcast_convert_type3A_307 = tpu.bitcast %get3A_243 : vector<16xf32> -> vector<16xi32>
      %shift_right_logical3A_308 = arith.constant 16 : i32
      %shift_right_logical3A_309 = vector.broadcast %shift_right_logical3A_308 : i32 to vector<16xi32>
      %shift_right_logical3A_310 = arith.shrui %bitcast_convert_type3A_307, %shift_right_logical3A_309 : vector<16xi32>
      %bitcast_convert_type3A_311 = tpu.bitcast %get3A_248 : vector<16xf32> -> vector<16xi32>
      %shift_right_logical3A_312 = arith.constant 16 : i32
      %shift_right_logical3A_313 = vector.broadcast %shift_right_logical3A_312 : i32 to vector<16xi32>
      %shift_right_logical3A_314 = arith.shrui %bitcast_convert_type3A_311, %shift_right_logical3A_313 : vector<16xi32>
      %bitcast_convert_type3A_315 = tpu.bitcast %get3A_253 : vector<16xf32> -> vector<16xi32>
      %shift_right_logical3A_316 = arith.constant 16 : i32
      %shift_right_logical3A_317 = vector.broadcast %shift_right_logical3A_316 : i32 to vector<16xi32>
      %shift_right_logical3A_318 = arith.shrui %bitcast_convert_type3A_315, %shift_right_logical3A_317 : vector<16xi32>
      %bitcast_convert_type3A_319 = tpu.bitcast %get3A_258 : vector<16xf32> -> vector<16xi32>
      %shift_right_logical3A_320 = arith.constant 16 : i32
      %shift_right_logical3A_321 = vector.broadcast %shift_right_logical3A_320 : i32 to vector<16xi32>
      %shift_right_logical3A_322 = arith.shrui %bitcast_convert_type3A_319, %shift_right_logical3A_321 : vector<16xi32>
      %bitcast_convert_type3A_323 = tpu.bitcast %get3A_263 : vector<16xf32> -> vector<16xi32>
      %shift_right_logical3A_324 = arith.constant 16 : i32
      %shift_right_logical3A_325 = vector.broadcast %shift_right_logical3A_324 : i32 to vector<16xi32>
      %shift_right_logical3A_326 = arith.shrui %bitcast_convert_type3A_323, %shift_right_logical3A_325 : vector<16xi32>
      %bitcast_convert_type3A_327 = tpu.bitcast %get3A_268 : vector<16xf32> -> vector<16xi32>
      %shift_right_logical3A_328 = arith.constant 16 : i32
      %shift_right_logical3A_329 = vector.broadcast %shift_right_logical3A_328 : i32 to vector<16xi32>
      %shift_right_logical3A_330 = arith.shrui %bitcast_convert_type3A_327, %shift_right_logical3A_329 : vector<16xi32>
      %shift_right_logical3A_331 = arith.constant 7 : i32
      %shift_right_logical3A_332 = vector.broadcast %shift_right_logical3A_331 : i32 to vector<16xi32>
      %shift_right_logical3A_333 = arith.shrui %shift_right_logical3A_270, %shift_right_logical3A_332 : vector<16xi32>
      %and3A_334 = arith.constant 127 : i32
      %and3A_335 = vector.broadcast %and3A_334 : i32 to vector<16xi32>
      %and3A_336 = arith.andi %shift_right_logical3A_270, %and3A_335 : vector<16xi32>
      tpu.vector_store_idx %arg6[%shift_right_logical3A_333, %and3A_336], %broadcast_in_dim3A_21 {add = true} : memref<256x128xi32, #tpu.memory_space<vmem>>[vector<16xi32>, vector<16xi32>], vector<16xi32>,
      %shift_right_logical3A_337 = arith.constant 7 : i32
      %shift_right_logical3A_338 = vector.broadcast %shift_right_logical3A_337 : i32 to vector<16xi32>
      %shift_right_logical3A_339 = arith.shrui %shift_right_logical3A_274, %shift_right_logical3A_338 : vector<16xi32>
      %and3A_340 = arith.constant 127 : i32
      %and3A_341 = vector.broadcast %and3A_340 : i32 to vector<16xi32>
      %and3A_342 = arith.andi %shift_right_logical3A_274, %and3A_341 : vector<16xi32>
      tpu.vector_store_idx %arg6[%shift_right_logical3A_339, %and3A_342], %broadcast_in_dim3A_21 {add = true} : memref<256x128xi32, #tpu.memory_space<vmem>>[vector<16xi32>, vector<16xi32>], vector<16xi32>,
      %shift_right_logical3A_343 = arith.constant 7 : i32
      %shift_right_logical3A_344 = vector.broadcast %shift_right_logical3A_343 : i32 to vector<16xi32>
      %shift_right_logical3A_345 = arith.shrui %shift_right_logical3A_278, %shift_right_logical3A_344 : vector<16xi32>
      %and3A_346 = arith.constant 127 : i32
      %and3A_347 = vector.broadcast %and3A_346 : i32 to vector<16xi32>
      %and3A_348 = arith.andi %shift_right_logical3A_278, %and3A_347 : vector<16xi32>
      tpu.vector_store_idx %arg6[%shift_right_logical3A_345, %and3A_348], %broadcast_in_dim3A_21 {add = true} : memref<256x128xi32, #tpu.memory_space<vmem>>[vector<16xi32>, vector<16xi32>], vector<16xi32>,
      %shift_right_logical3A_349 = arith.constant 7 : i32
      %shift_right_logical3A_350 = vector.broadcast %shift_right_logical3A_349 : i32 to vector<16xi32>
      %shift_right_logical3A_351 = arith.shrui %shift_right_logical3A_282, %shift_right_logical3A_350 : vector<16xi32>
      %and3A_352 = arith.constant 127 : i32
      %and3A_353 = vector.broadcast %and3A_352 : i32 to vector<16xi32>
      %and3A_354 = arith.andi %shift_right_logical3A_282, %and3A_353 : vector<16xi32>
      tpu.vector_store_idx %arg6[%shift_right_logical3A_351, %and3A_354], %broadcast_in_dim3A_21 {add = true} : memref<256x128xi32, #tpu.memory_space<vmem>>[vector<16xi32>, vector<16xi32>], vector<16xi32>,
      %shift_right_logical3A_355 = arith.constant 7 : i32
      %shift_right_logical3A_356 = vector.broadcast %shift_right_logical3A_355 : i32 to vector<16xi32>
      %shift_right_logical3A_357 = arith.shrui %shift_right_logical3A_286, %shift_right_logical3A_356 : vector<16xi32>
      %and3A_358 = arith.constant 127 : i32
      %and3A_359 = vector.broadcast %and3A_358 : i32 to vector<16xi32>
      %and3A_360 = arith.andi %shift_right_logical3A_286, %and3A_359 : vector<16xi32>
      tpu.vector_store_idx %arg6[%shift_right_logical3A_357, %and3A_360], %broadcast_in_dim3A_21 {add = true} : memref<256x128xi32, #tpu.memory_space<vmem>>[vector<16xi32>, vector<16xi32>], vector<16xi32>,
      %shift_right_logical3A_361 = arith.constant 7 : i32
      %shift_right_logical3A_362 = vector.broadcast %shift_right_logical3A_361 : i32 to vector<16xi32>
      %shift_right_logical3A_363 = arith.shrui %shift_right_logical3A_290, %shift_right_logical3A_362 : vector<16xi32>
      %and3A_364 = arith.constant 127 : i32
      %and3A_365 = vector.broadcast %and3A_364 : i32 to vector<16xi32>
      %and3A_366 = arith.andi %shift_right_logical3A_290, %and3A_365 : vector<16xi32>
      tpu.vector_store_idx %arg6[%shift_right_logical3A_363, %and3A_366], %broadcast_in_dim3A_21 {add = true} : memref<256x128xi32, #tpu.memory_space<vmem>>[vector<16xi32>, vector<16xi32>], vector<16xi32>,
      %shift_right_logical3A_367 = arith.constant 7 : i32
      %shift_right_logical3A_368 = vector.broadcast %shift_right_logical3A_367 : i32 to vector<16xi32>
      %shift_right_logical3A_369 = arith.shrui %shift_right_logical3A_294, %shift_right_logical3A_368 : vector<16xi32>
      %and3A_370 = arith.constant 127 : i32
      %and3A_371 = vector.broadcast %and3A_370 : i32 to vector<16xi32>
      %and3A_372 = arith.andi %shift_right_logical3A_294, %and3A_371 : vector<16xi32>
      tpu.vector_store_idx %arg6[%shift_right_logical3A_369, %and3A_372], %broadcast_in_dim3A_21 {add = true} : memref<256x128xi32, #tpu.memory_space<vmem>>[vector<16xi32>, vector<16xi32>], vector<16xi32>,
      %shift_right_logical3A_373 = arith.constant 7 : i32
      %shift_right_logical3A_374 = vector.broadcast %shift_right_logical3A_373 : i32 to vector<16xi32>
      %shift_right_logical3A_375 = arith.shrui %shift_right_logical3A_298, %shift_right_logical3A_374 : vector<16xi32>
      %and3A_376 = arith.constant 127 : i32
      %and3A_377 = vector.broadcast %and3A_376 : i32 to vector<16xi32>
      %and3A_378 = arith.andi %shift_right_logical3A_298, %and3A_377 : vector<16xi32>
      tpu.vector_store_idx %arg6[%shift_right_logical3A_375, %and3A_378], %broadcast_in_dim3A_21 {add = true} : memref<256x128xi32, #tpu.memory_space<vmem>>[vector<16xi32>, vector<16xi32>], vector<16xi32>,
      %shift_right_logical3A_379 = arith.constant 7 : i32
      %shift_right_logical3A_380 = vector.broadcast %shift_right_logical3A_379 : i32 to vector<16xi32>
      %shift_right_logical3A_381 = arith.shrui %shift_right_logical3A_302, %shift_right_logical3A_380 : vector<16xi32>
      %and3A_382 = arith.constant 127 : i32
      %and3A_383 = vector.broadcast %and3A_382 : i32 to vector<16xi32>
      %and3A_384 = arith.andi %shift_right_logical3A_302, %and3A_383 : vector<16xi32>
      tpu.vector_store_idx %arg6[%shift_right_logical3A_381, %and3A_384], %broadcast_in_dim3A_21 {add = true} : memref<256x128xi32, #tpu.memory_space<vmem>>[vector<16xi32>, vector<16xi32>], vector<16xi32>,
      %shift_right_logical3A_385 = arith.constant 7 : i32
      %shift_right_logical3A_386 = vector.broadcast %shift_right_logical3A_385 : i32 to vector<16xi32>
      %shift_right_logical3A_387 = arith.shrui %shift_right_logical3A_306, %shift_right_logical3A_386 : vector<16xi32>
      %and3A_388 = arith.constant 127 : i32
      %and3A_389 = vector.broadcast %and3A_388 : i32 to vector<16xi32>
      %and3A_390 = arith.andi %shift_right_logical3A_306, %and3A_389 : vector<16xi32>
      tpu.vector_store_idx %arg6[%shift_right_logical3A_387, %and3A_390], %broadcast_in_dim3A_21 {add = true} : memref<256x128xi32, #tpu.memory_space<vmem>>[vector<16xi32>, vector<16xi32>], vector<16xi32>,
      %shift_right_logical3A_391 = arith.constant 7 : i32
      %shift_right_logical3A_392 = vector.broadcast %shift_right_logical3A_391 : i32 to vector<16xi32>
      %shift_right_logical3A_393 = arith.shrui %shift_right_logical3A_310, %shift_right_logical3A_392 : vector<16xi32>
      %and3A_394 = arith.constant 127 : i32
      %and3A_395 = vector.broadcast %and3A_394 : i32 to vector<16xi32>
      %and3A_396 = arith.andi %shift_right_logical3A_310, %and3A_395 : vector<16xi32>
      tpu.vector_store_idx %arg6[%shift_right_logical3A_393, %and3A_396], %broadcast_in_dim3A_21 {add = true} : memref<256x128xi32, #tpu.memory_space<vmem>>[vector<16xi32>, vector<16xi32>], vector<16xi32>,
      %shift_right_logical3A_397 = arith.constant 7 : i32
      %shift_right_logical3A_398 = vector.broadcast %shift_right_logical3A_397 : i32 to vector<16xi32>
      %shift_right_logical3A_399 = arith.shrui %shift_right_logical3A_314, %shift_right_logical3A_398 : vector<16xi32>
      %and3A_400 = arith.constant 127 : i32
      %and3A_401 = vector.broadcast %and3A_400 : i32 to vector<16xi32>
      %and3A_402 = arith.andi %shift_right_logical3A_314, %and3A_401 : vector<16xi32>
      tpu.vector_store_idx %arg6[%shift_right_logical3A_399, %and3A_402], %broadcast_in_dim3A_21 {add = true} : memref<256x128xi32, #tpu.memory_space<vmem>>[vector<16xi32>, vector<16xi32>], vector<16xi32>,
      %shift_right_logical3A_403 = arith.constant 7 : i32
      %shift_right_logical3A_404 = vector.broadcast %shift_right_logical3A_403 : i32 to vector<16xi32>
      %shift_right_logical3A_405 = arith.shrui %shift_right_logical3A_318, %shift_right_logical3A_404 : vector<16xi32>
      %and3A_406 = arith.constant 127 : i32
      %and3A_407 = vector.broadcast %and3A_406 : i32 to vector<16xi32>
      %and3A_408 = arith.andi %shift_right_logical3A_318, %and3A_407 : vector<16xi32>
      tpu.vector_store_idx %arg6[%shift_right_logical3A_405, %and3A_408], %broadcast_in_dim3A_21 {add = true} : memref<256x128xi32, #tpu.memory_space<vmem>>[vector<16xi32>, vector<16xi32>], vector<16xi32>,
      %shift_right_logical3A_409 = arith.constant 7 : i32
      %shift_right_logical3A_410 = vector.broadcast %shift_right_logical3A_409 : i32 to vector<16xi32>
      %shift_right_logical3A_411 = arith.shrui %shift_right_logical3A_322, %shift_right_logical3A_410 : vector<16xi32>
      %and3A_412 = arith.constant 127 : i32
      %and3A_413 = vector.broadcast %and3A_412 : i32 to vector<16xi32>
      %and3A_414 = arith.andi %shift_right_logical3A_322, %and3A_413 : vector<16xi32>
      tpu.vector_store_idx %arg6[%shift_right_logical3A_411, %and3A_414], %broadcast_in_dim3A_21 {add = true} : memref<256x128xi32, #tpu.memory_space<vmem>>[vector<16xi32>, vector<16xi32>], vector<16xi32>,
      %shift_right_logical3A_415 = arith.constant 7 : i32
      %shift_right_logical3A_416 = vector.broadcast %shift_right_logical3A_415 : i32 to vector<16xi32>
      %shift_right_logical3A_417 = arith.shrui %shift_right_logical3A_326, %shift_right_logical3A_416 : vector<16xi32>
      %and3A_418 = arith.constant 127 : i32
      %and3A_419 = vector.broadcast %and3A_418 : i32 to vector<16xi32>
      %and3A_420 = arith.andi %shift_right_logical3A_326, %and3A_419 : vector<16xi32>
      tpu.vector_store_idx %arg6[%shift_right_logical3A_417, %and3A_420], %broadcast_in_dim3A_21 {add = true} : memref<256x128xi32, #tpu.memory_space<vmem>>[vector<16xi32>, vector<16xi32>], vector<16xi32>,
      %shift_right_logical3A_421 = arith.constant 7 : i32
      %shift_right_logical3A_422 = vector.broadcast %shift_right_logical3A_421 : i32 to vector<16xi32>
      %shift_right_logical3A_423 = arith.shrui %shift_right_logical3A_330, %shift_right_logical3A_422 : vector<16xi32>
      %and3A_424 = arith.constant 127 : i32
      %and3A_425 = vector.broadcast %and3A_424 : i32 to vector<16xi32>
      %and3A_426 = arith.andi %shift_right_logical3A_330, %and3A_425 : vector<16xi32>
      tpu.vector_store_idx %arg6[%shift_right_logical3A_423, %and3A_426], %broadcast_in_dim3A_21 {add = true} : memref<256x128xi32, #tpu.memory_space<vmem>>[vector<16xi32>, vector<16xi32>], vector<16xi32>,
    }
    %scan3A_74 = arith.constant 32 : i32
    %add3A_75 = arith.constant 48 : i32
    %add3A_76 = arith.addi %mul3A_2, %add3A_75 : i32
    %dma_wait3A_77 = arith.constant 0 : i32
    %dma_wait3A_78 = tpu.memref_slice %arg2[%add3A_76, %dma_wait3A_77] : memref<4096x512xf32, #tpu.memory_space<hbm>> -> memref<16x512xf32, #tpu.memory_space<hbm>>
    %dma_wait3A_79 = arith.constant 0 : i32
    %dma_wait3A_80 = tpu.memref_slice %arg2[%add3A_76, %dma_wait3A_79] : memref<4096x512xf32, #tpu.memory_space<hbm>> -> memref<16x512xf32, #tpu.memory_space<hbm>>
    tpu.wait_dma2 semaphore(%arg8 : memref<!tpu.dma_semaphore, #tpu.memory_space<semaphore_mem>>) src(%dma_wait3A_80 : memref<16x512xf32, #tpu.memory_space<hbm>>) dst(%arg5 : memref<16x512xf32, #tpu.memory_space<vmem>>)
    %add3A_81 = arith.constant 80 : i32
    %add3A_82 = arith.addi %mul3A_2, %add3A_81 : i32
    %dma_start3A_83 = arith.constant 0 : i32
    %dma_start3A_84 = tpu.memref_slice %arg2[%add3A_82, %dma_start3A_83] : memref<4096x512xf32, #tpu.memory_space<hbm>> -> memref<16x512xf32, #tpu.memory_space<hbm>>
    %dma_start3A_85 = arith.constant 0 : i32
    %dma_start3A_86 = tpu.memref_slice %arg2[%add3A_82, %dma_start3A_85] : memref<4096x512xf32, #tpu.memory_space<hbm>> -> memref<16x512xf32, #tpu.memory_space<hbm>>
    tpu.enqueue_dma source(%dma_start3A_86 : memref<16x512xf32, #tpu.memory_space<hbm>>) target(%arg5 : memref<16x512xf32, #tpu.memory_space<vmem>>) target_semaphore(%arg8 : memref<!tpu.dma_semaphore, #tpu.memory_space<semaphore_mem>>)
    %scan3A_87 = arith.constant 0 : i32
    %scan3A_88 = arith.constant 0 : i32
    %scan3A_89 = arith.constant 32 : i32
    %scan3A_90 = arith.addi %scan3A_88, %scan3A_89 : i32
    %scan3A_91 = arith.constant 1 : i32
    scf.for %scan3A_153 = %scan3A_88 to %scan3A_90 step %scan3A_91  : i32 {
      %mul3A_154 = arith.constant 16 : i32
      %mul3A_155 = arith.muli %scan3A_153, %mul3A_154 : i32
      %jit3A = arith.constant 32 : i32
      %div3A = arith.divsi %mul3A_155, %jit3A : i32
      %sign3A = arith.constant 0 : i32
      %sign3A_156 = arith.cmpi sgt, %mul3A_155, %sign3A : i32
      %sign3A_157 = arith.extui %sign3A_156 : i1 to i32
      %sign3A_158 = arith.constant 0 : i32
      %sign3A_159 = arith.cmpi slt, %mul3A_155, %sign3A_158 : i32
      %sign3A_160 = arith.extui %sign3A_159 : i1 to i32
      %sign3A_161 = arith.subi %sign3A_157, %sign3A_160 : i32
      %sign3A_162 = arith.constant 0 : i32
      %sign3A_163 = arith.cmpi sgt, %jit3A, %sign3A_162 : i32
      %sign3A_164 = arith.extui %sign3A_163 : i1 to i32
      %sign3A_165 = arith.constant 0 : i32
      %sign3A_166 = arith.cmpi slt, %jit3A, %sign3A_165 : i32
      %sign3A_167 = arith.extui %sign3A_166 : i1 to i32
      %sign3A_168 = arith.subi %sign3A_164, %sign3A_167 : i32
      %ne3A = arith.cmpi ne, %sign3A_161, %sign3A_168 : i32
      %rem3A = arith.remsi %mul3A_155, %jit3A : i32
      %ne3A_169 = arith.constant 0 : i32
      %ne3A_170 = arith.cmpi ne, %rem3A, %ne3A_169 : i32
      %and3A = arith.andi %ne3A, %ne3A_170 : i1
      %sub3A = arith.constant 1 : i32
      %sub3A_171 = arith.subi %div3A, %sub3A : i32
      %select_n3A = arith.select %and3A, %sub3A_171, %div3A : i32
      %mul3A_172 = arith.constant 16 : i32
      %mul3A_173 = arith.muli %scan3A_153, %mul3A_172 : i32
      %jit3A_174 = arith.constant 32 : i32
      %eq3A = arith.constant 0 : i32
      %eq3A_175 = arith.cmpi eq, %jit3A_174, %eq3A : i32
      %jit3A_176 = arith.constant 1 : i32
      %select_n3A_177 = arith.select %eq3A_175, %jit3A_176, %jit3A_174 : i32
      %rem3A_178 = arith.remsi %mul3A_173, %select_n3A_177 : i32
      %ne3A_179 = arith.constant 0 : i32
      %ne3A_180 = arith.cmpi ne, %rem3A_178, %ne3A_179 : i32
      %lt3A = arith.constant 0 : i32
      %lt3A_181 = arith.cmpi slt, %rem3A_178, %lt3A : i32
      %lt3A_182 = arith.constant 0 : i32
      %lt3A_183 = arith.cmpi slt, %select_n3A_177, %lt3A_182 : i32
      %ne3A_184 = arith.xori %lt3A_181, %lt3A_183 : i1
      %and3A_185 = arith.andi %ne3A_184, %ne3A_180 : i1
      %add3A_186 = arith.addi %rem3A_178, %select_n3A_177 : i32
      %select_n3A_187 = arith.select %and3A_185, %add3A_186, %rem3A_178 : i32
      %mul3A_188 = arith.constant 16 : i32
      %mul3A_189 = arith.muli %select_n3A_187, %mul3A_188 : i32
      %add3A_190 = arith.constant 0 : i32
      %add3A_191 = arith.addi %mul3A_189, %add3A_190 : i32
      %get3A = arith.index_cast %select_n3A : i32 to index
      %get3A_192 = arith.index_cast %add3A_191 : i32 to index
      %get3A_193 = tpu.vector_load %arg5[%get3A, %get3A_192] {strides = array<i32>} : memref<16x512xf32, #tpu.memory_space<vmem>>, vector<16xf32>,
      %add3A_194 = arith.constant 16 : i32
      %add3A_195 = arith.addi %mul3A_189, %add3A_194 : i32
      %get3A_196 = arith.index_cast %select_n3A : i32 to index
      %get3A_197 = arith.index_cast %add3A_195 : i32 to index
      %get3A_198 = tpu.vector_load %arg5[%get3A_196, %get3A_197] {strides = array<i32>} : memref<16x512xf32, #tpu.memory_space<vmem>>, vector<16xf32>,
      %add3A_199 = arith.constant 32 : i32
      %add3A_200 = arith.addi %mul3A_189, %add3A_199 : i32
      %get3A_201 = arith.index_cast %select_n3A : i32 to index
      %get3A_202 = arith.index_cast %add3A_200 : i32 to index
      %get3A_203 = tpu.vector_load %arg5[%get3A_201, %get3A_202] {strides = array<i32>} : memref<16x512xf32, #tpu.memory_space<vmem>>, vector<16xf32>,
      %add3A_204 = arith.constant 48 : i32
      %add3A_205 = arith.addi %mul3A_189, %add3A_204 : i32
      %get3A_206 = arith.index_cast %select_n3A : i32 to index
      %get3A_207 = arith.index_cast %add3A_205 : i32 to index
      %get3A_208 = tpu.vector_load %arg5[%get3A_206, %get3A_207] {strides = array<i32>} : memref<16x512xf32, #tpu.memory_space<vmem>>, vector<16xf32>,
      %add3A_209 = arith.constant 64 : i32
      %add3A_210 = arith.addi %mul3A_189, %add3A_209 : i32
      %get3A_211 = arith.index_cast %select_n3A : i32 to index
      %get3A_212 = arith.index_cast %add3A_210 : i32 to index
      %get3A_213 = tpu.vector_load %arg5[%get3A_211, %get3A_212] {strides = array<i32>} : memref<16x512xf32, #tpu.memory_space<vmem>>, vector<16xf32>,
      %add3A_214 = arith.constant 80 : i32
      %add3A_215 = arith.addi %mul3A_189, %add3A_214 : i32
      %get3A_216 = arith.index_cast %select_n3A : i32 to index
      %get3A_217 = arith.index_cast %add3A_215 : i32 to index
      %get3A_218 = tpu.vector_load %arg5[%get3A_216, %get3A_217] {strides = array<i32>} : memref<16x512xf32, #tpu.memory_space<vmem>>, vector<16xf32>,
      %add3A_219 = arith.constant 96 : i32
      %add3A_220 = arith.addi %mul3A_189, %add3A_219 : i32
      %get3A_221 = arith.index_cast %select_n3A : i32 to index
      %get3A_222 = arith.index_cast %add3A_220 : i32 to index
      %get3A_223 = tpu.vector_load %arg5[%get3A_221, %get3A_222] {strides = array<i32>} : memref<16x512xf32, #tpu.memory_space<vmem>>, vector<16xf32>,
      %add3A_224 = arith.constant 112 : i32
      %add3A_225 = arith.addi %mul3A_189, %add3A_224 : i32
      %get3A_226 = arith.index_cast %select_n3A : i32 to index
      %get3A_227 = arith.index_cast %add3A_225 : i32 to index
      %get3A_228 = tpu.vector_load %arg5[%get3A_226, %get3A_227] {strides = array<i32>} : memref<16x512xf32, #tpu.memory_space<vmem>>, vector<16xf32>,
      %add3A_229 = arith.constant 128 : i32
      %add3A_230 = arith.addi %mul3A_189, %add3A_229 : i32
      %get3A_231 = arith.index_cast %select_n3A : i32 to index
      %get3A_232 = arith.index_cast %add3A_230 : i32 to index
      %get3A_233 = tpu.vector_load %arg5[%get3A_231, %get3A_232] {strides = array<i32>} : memref<16x512xf32, #tpu.memory_space<vmem>>, vector<16xf32>,
      %add3A_234 = arith.constant 144 : i32
      %add3A_235 = arith.addi %mul3A_189, %add3A_234 : i32
      %get3A_236 = arith.index_cast %select_n3A : i32 to index
      %get3A_237 = arith.index_cast %add3A_235 : i32 to index
      %get3A_238 = tpu.vector_load %arg5[%get3A_236, %get3A_237] {strides = array<i32>} : memref<16x512xf32, #tpu.memory_space<vmem>>, vector<16xf32>,
      %add3A_239 = arith.constant 160 : i32
      %add3A_240 = arith.addi %mul3A_189, %add3A_239 : i32
      %get3A_241 = arith.index_cast %select_n3A : i32 to index
      %get3A_242 = arith.index_cast %add3A_240 : i32 to index
      %get3A_243 = tpu.vector_load %arg5[%get3A_241, %get3A_242] {strides = array<i32>} : memref<16x512xf32, #tpu.memory_space<vmem>>, vector<16xf32>,
      %add3A_244 = arith.constant 176 : i32
      %add3A_245 = arith.addi %mul3A_189, %add3A_244 : i32
      %get3A_246 = arith.index_cast %select_n3A : i32 to index
      %get3A_247 = arith.index_cast %add3A_245 : i32 to index
      %get3A_248 = tpu.vector_load %arg5[%get3A_246, %get3A_247] {strides = array<i32>} : memref<16x512xf32, #tpu.memory_space<vmem>>, vector<16xf32>,
      %add3A_249 = arith.constant 192 : i32
      %add3A_250 = arith.addi %mul3A_189, %add3A_249 : i32
      %get3A_251 = arith.index_cast %select_n3A : i32 to index
      %get3A_252 = arith.index_cast %add3A_250 : i32 to index
      %get3A_253 = tpu.vector_load %arg5[%get3A_251, %get3A_252] {strides = array<i32>} : memref<16x512xf32, #tpu.memory_space<vmem>>, vector<16xf32>,
      %add3A_254 = arith.constant 208 : i32
      %add3A_255 = arith.addi %mul3A_189, %add3A_254 : i32
      %get3A_256 = arith.index_cast %select_n3A : i32 to index
      %get3A_257 = arith.index_cast %add3A_255 : i32 to index
      %get3A_258 = tpu.vector_load %arg5[%get3A_256, %get3A_257] {strides = array<i32>} : memref<16x512xf32, #tpu.memory_space<vmem>>, vector<16xf32>,
      %add3A_259 = arith.constant 224 : i32
      %add3A_260 = arith.addi %mul3A_189, %add3A_259 : i32
      %get3A_261 = arith.index_cast %select_n3A : i32 to index
      %get3A_262 = arith.index_cast %add3A_260 : i32 to index
      %get3A_263 = tpu.vector_load %arg5[%get3A_261, %get3A_262] {strides = array<i32>} : memref<16x512xf32, #tpu.memory_space<vmem>>, vector<16xf32>,
      %add3A_264 = arith.constant 240 : i32
      %add3A_265 = arith.addi %mul3A_189, %add3A_264 : i32
      %get3A_266 = arith.index_cast %select_n3A : i32 to index
      %get3A_267 = arith.index_cast %add3A_265 : i32 to index
      %get3A_268 = tpu.vector_load %arg5[%get3A_266, %get3A_267] {strides = array<i32>} : memref<16x512xf32, #tpu.memory_space<vmem>>, vector<16xf32>,
      %bitcast_convert_type3A = tpu.bitcast %get3A_193 : vector<16xf32> -> vector<16xi32>
      %shift_right_logical3A = arith.constant 16 : i32
      %shift_right_logical3A_269 = vector.broadcast %shift_right_logical3A : i32 to vector<16xi32>
      %shift_right_logical3A_270 = arith.shrui %bitcast_convert_type3A, %shift_right_logical3A_269 : vector<16xi32>
      %bitcast_convert_type3A_271 = tpu.bitcast %get3A_198 : vector<16xf32> -> vector<16xi32>
      %shift_right_logical3A_272 = arith.constant 16 : i32
      %shift_right_logical3A_273 = vector.broadcast %shift_right_logical3A_272 : i32 to vector<16xi32>
      %shift_right_logical3A_274 = arith.shrui %bitcast_convert_type3A_271, %shift_right_logical3A_273 : vector<16xi32>
      %bitcast_convert_type3A_275 = tpu.bitcast %get3A_203 : vector<16xf32> -> vector<16xi32>
      %shift_right_logical3A_276 = arith.constant 16 : i32
      %shift_right_logical3A_277 = vector.broadcast %shift_right_logical3A_276 : i32 to vector<16xi32>
      %shift_right_logical3A_278 = arith.shrui %bitcast_convert_type3A_275, %shift_right_logical3A_277 : vector<16xi32>
      %bitcast_convert_type3A_279 = tpu.bitcast %get3A_208 : vector<16xf32> -> vector<16xi32>
      %shift_right_logical3A_280 = arith.constant 16 : i32
      %shift_right_logical3A_281 = vector.broadcast %shift_right_logical3A_280 : i32 to vector<16xi32>
      %shift_right_logical3A_282 = arith.shrui %bitcast_convert_type3A_279, %shift_right_logical3A_281 : vector<16xi32>
      %bitcast_convert_type3A_283 = tpu.bitcast %get3A_213 : vector<16xf32> -> vector<16xi32>
      %shift_right_logical3A_284 = arith.constant 16 : i32
      %shift_right_logical3A_285 = vector.broadcast %shift_right_logical3A_284 : i32 to vector<16xi32>
      %shift_right_logical3A_286 = arith.shrui %bitcast_convert_type3A_283, %shift_right_logical3A_285 : vector<16xi32>
      %bitcast_convert_type3A_287 = tpu.bitcast %get3A_218 : vector<16xf32> -> vector<16xi32>
      %shift_right_logical3A_288 = arith.constant 16 : i32
      %shift_right_logical3A_289 = vector.broadcast %shift_right_logical3A_288 : i32 to vector<16xi32>
      %shift_right_logical3A_290 = arith.shrui %bitcast_convert_type3A_287, %shift_right_logical3A_289 : vector<16xi32>
      %bitcast_convert_type3A_291 = tpu.bitcast %get3A_223 : vector<16xf32> -> vector<16xi32>
      %shift_right_logical3A_292 = arith.constant 16 : i32
      %shift_right_logical3A_293 = vector.broadcast %shift_right_logical3A_292 : i32 to vector<16xi32>
      %shift_right_logical3A_294 = arith.shrui %bitcast_convert_type3A_291, %shift_right_logical3A_293 : vector<16xi32>
      %bitcast_convert_type3A_295 = tpu.bitcast %get3A_228 : vector<16xf32> -> vector<16xi32>
      %shift_right_logical3A_296 = arith.constant 16 : i32
      %shift_right_logical3A_297 = vector.broadcast %shift_right_logical3A_296 : i32 to vector<16xi32>
      %shift_right_logical3A_298 = arith.shrui %bitcast_convert_type3A_295, %shift_right_logical3A_297 : vector<16xi32>
      %bitcast_convert_type3A_299 = tpu.bitcast %get3A_233 : vector<16xf32> -> vector<16xi32>
      %shift_right_logical3A_300 = arith.constant 16 : i32
      %shift_right_logical3A_301 = vector.broadcast %shift_right_logical3A_300 : i32 to vector<16xi32>
      %shift_right_logical3A_302 = arith.shrui %bitcast_convert_type3A_299, %shift_right_logical3A_301 : vector<16xi32>
      %bitcast_convert_type3A_303 = tpu.bitcast %get3A_238 : vector<16xf32> -> vector<16xi32>
      %shift_right_logical3A_304 = arith.constant 16 : i32
      %shift_right_logical3A_305 = vector.broadcast %shift_right_logical3A_304 : i32 to vector<16xi32>
      %shift_right_logical3A_306 = arith.shrui %bitcast_convert_type3A_303, %shift_right_logical3A_305 : vector<16xi32>
      %bitcast_convert_type3A_307 = tpu.bitcast %get3A_243 : vector<16xf32> -> vector<16xi32>
      %shift_right_logical3A_308 = arith.constant 16 : i32
      %shift_right_logical3A_309 = vector.broadcast %shift_right_logical3A_308 : i32 to vector<16xi32>
      %shift_right_logical3A_310 = arith.shrui %bitcast_convert_type3A_307, %shift_right_logical3A_309 : vector<16xi32>
      %bitcast_convert_type3A_311 = tpu.bitcast %get3A_248 : vector<16xf32> -> vector<16xi32>
      %shift_right_logical3A_312 = arith.constant 16 : i32
      %shift_right_logical3A_313 = vector.broadcast %shift_right_logical3A_312 : i32 to vector<16xi32>
      %shift_right_logical3A_314 = arith.shrui %bitcast_convert_type3A_311, %shift_right_logical3A_313 : vector<16xi32>
      %bitcast_convert_type3A_315 = tpu.bitcast %get3A_253 : vector<16xf32> -> vector<16xi32>
      %shift_right_logical3A_316 = arith.constant 16 : i32
      %shift_right_logical3A_317 = vector.broadcast %shift_right_logical3A_316 : i32 to vector<16xi32>
      %shift_right_logical3A_318 = arith.shrui %bitcast_convert_type3A_315, %shift_right_logical3A_317 : vector<16xi32>
      %bitcast_convert_type3A_319 = tpu.bitcast %get3A_258 : vector<16xf32> -> vector<16xi32>
      %shift_right_logical3A_320 = arith.constant 16 : i32
      %shift_right_logical3A_321 = vector.broadcast %shift_right_logical3A_320 : i32 to vector<16xi32>
      %shift_right_logical3A_322 = arith.shrui %bitcast_convert_type3A_319, %shift_right_logical3A_321 : vector<16xi32>
      %bitcast_convert_type3A_323 = tpu.bitcast %get3A_263 : vector<16xf32> -> vector<16xi32>
      %shift_right_logical3A_324 = arith.constant 16 : i32
      %shift_right_logical3A_325 = vector.broadcast %shift_right_logical3A_324 : i32 to vector<16xi32>
      %shift_right_logical3A_326 = arith.shrui %bitcast_convert_type3A_323, %shift_right_logical3A_325 : vector<16xi32>
      %bitcast_convert_type3A_327 = tpu.bitcast %get3A_268 : vector<16xf32> -> vector<16xi32>
      %shift_right_logical3A_328 = arith.constant 16 : i32
      %shift_right_logical3A_329 = vector.broadcast %shift_right_logical3A_328 : i32 to vector<16xi32>
      %shift_right_logical3A_330 = arith.shrui %bitcast_convert_type3A_327, %shift_right_logical3A_329 : vector<16xi32>
      %shift_right_logical3A_331 = arith.constant 7 : i32
      %shift_right_logical3A_332 = vector.broadcast %shift_right_logical3A_331 : i32 to vector<16xi32>
      %shift_right_logical3A_333 = arith.shrui %shift_right_logical3A_270, %shift_right_logical3A_332 : vector<16xi32>
      %and3A_334 = arith.constant 127 : i32
      %and3A_335 = vector.broadcast %and3A_334 : i32 to vector<16xi32>
      %and3A_336 = arith.andi %shift_right_logical3A_270, %and3A_335 : vector<16xi32>
      tpu.vector_store_idx %arg6[%shift_right_logical3A_333, %and3A_336], %broadcast_in_dim3A_21 {add = true} : memref<256x128xi32, #tpu.memory_space<vmem>>[vector<16xi32>, vector<16xi32>], vector<16xi32>,
      %shift_right_logical3A_337 = arith.constant 7 : i32
      %shift_right_logical3A_338 = vector.broadcast %shift_right_logical3A_337 : i32 to vector<16xi32>
      %shift_right_logical3A_339 = arith.shrui %shift_right_logical3A_274, %shift_right_logical3A_338 : vector<16xi32>
      %and3A_340 = arith.constant 127 : i32
      %and3A_341 = vector.broadcast %and3A_340 : i32 to vector<16xi32>
      %and3A_342 = arith.andi %shift_right_logical3A_274, %and3A_341 : vector<16xi32>
      tpu.vector_store_idx %arg6[%shift_right_logical3A_339, %and3A_342], %broadcast_in_dim3A_21 {add = true} : memref<256x128xi32, #tpu.memory_space<vmem>>[vector<16xi32>, vector<16xi32>], vector<16xi32>,
      %shift_right_logical3A_343 = arith.constant 7 : i32
      %shift_right_logical3A_344 = vector.broadcast %shift_right_logical3A_343 : i32 to vector<16xi32>
      %shift_right_logical3A_345 = arith.shrui %shift_right_logical3A_278, %shift_right_logical3A_344 : vector<16xi32>
      %and3A_346 = arith.constant 127 : i32
      %and3A_347 = vector.broadcast %and3A_346 : i32 to vector<16xi32>
      %and3A_348 = arith.andi %shift_right_logical3A_278, %and3A_347 : vector<16xi32>
      tpu.vector_store_idx %arg6[%shift_right_logical3A_345, %and3A_348], %broadcast_in_dim3A_21 {add = true} : memref<256x128xi32, #tpu.memory_space<vmem>>[vector<16xi32>, vector<16xi32>], vector<16xi32>,
      %shift_right_logical3A_349 = arith.constant 7 : i32
      %shift_right_logical3A_350 = vector.broadcast %shift_right_logical3A_349 : i32 to vector<16xi32>
      %shift_right_logical3A_351 = arith.shrui %shift_right_logical3A_282, %shift_right_logical3A_350 : vector<16xi32>
      %and3A_352 = arith.constant 127 : i32
      %and3A_353 = vector.broadcast %and3A_352 : i32 to vector<16xi32>
      %and3A_354 = arith.andi %shift_right_logical3A_282, %and3A_353 : vector<16xi32>
      tpu.vector_store_idx %arg6[%shift_right_logical3A_351, %and3A_354], %broadcast_in_dim3A_21 {add = true} : memref<256x128xi32, #tpu.memory_space<vmem>>[vector<16xi32>, vector<16xi32>], vector<16xi32>,
      %shift_right_logical3A_355 = arith.constant 7 : i32
      %shift_right_logical3A_356 = vector.broadcast %shift_right_logical3A_355 : i32 to vector<16xi32>
      %shift_right_logical3A_357 = arith.shrui %shift_right_logical3A_286, %shift_right_logical3A_356 : vector<16xi32>
      %and3A_358 = arith.constant 127 : i32
      %and3A_359 = vector.broadcast %and3A_358 : i32 to vector<16xi32>
      %and3A_360 = arith.andi %shift_right_logical3A_286, %and3A_359 : vector<16xi32>
      tpu.vector_store_idx %arg6[%shift_right_logical3A_357, %and3A_360], %broadcast_in_dim3A_21 {add = true} : memref<256x128xi32, #tpu.memory_space<vmem>>[vector<16xi32>, vector<16xi32>], vector<16xi32>,
      %shift_right_logical3A_361 = arith.constant 7 : i32
      %shift_right_logical3A_362 = vector.broadcast %shift_right_logical3A_361 : i32 to vector<16xi32>
      %shift_right_logical3A_363 = arith.shrui %shift_right_logical3A_290, %shift_right_logical3A_362 : vector<16xi32>
      %and3A_364 = arith.constant 127 : i32
      %and3A_365 = vector.broadcast %and3A_364 : i32 to vector<16xi32>
      %and3A_366 = arith.andi %shift_right_logical3A_290, %and3A_365 : vector<16xi32>
      tpu.vector_store_idx %arg6[%shift_right_logical3A_363, %and3A_366], %broadcast_in_dim3A_21 {add = true} : memref<256x128xi32, #tpu.memory_space<vmem>>[vector<16xi32>, vector<16xi32>], vector<16xi32>,
      %shift_right_logical3A_367 = arith.constant 7 : i32
      %shift_right_logical3A_368 = vector.broadcast %shift_right_logical3A_367 : i32 to vector<16xi32>
      %shift_right_logical3A_369 = arith.shrui %shift_right_logical3A_294, %shift_right_logical3A_368 : vector<16xi32>
      %and3A_370 = arith.constant 127 : i32
      %and3A_371 = vector.broadcast %and3A_370 : i32 to vector<16xi32>
      %and3A_372 = arith.andi %shift_right_logical3A_294, %and3A_371 : vector<16xi32>
      tpu.vector_store_idx %arg6[%shift_right_logical3A_369, %and3A_372], %broadcast_in_dim3A_21 {add = true} : memref<256x128xi32, #tpu.memory_space<vmem>>[vector<16xi32>, vector<16xi32>], vector<16xi32>,
      %shift_right_logical3A_373 = arith.constant 7 : i32
      %shift_right_logical3A_374 = vector.broadcast %shift_right_logical3A_373 : i32 to vector<16xi32>
      %shift_right_logical3A_375 = arith.shrui %shift_right_logical3A_298, %shift_right_logical3A_374 : vector<16xi32>
      %and3A_376 = arith.constant 127 : i32
      %and3A_377 = vector.broadcast %and3A_376 : i32 to vector<16xi32>
      %and3A_378 = arith.andi %shift_right_logical3A_298, %and3A_377 : vector<16xi32>
      tpu.vector_store_idx %arg6[%shift_right_logical3A_375, %and3A_378], %broadcast_in_dim3A_21 {add = true} : memref<256x128xi32, #tpu.memory_space<vmem>>[vector<16xi32>, vector<16xi32>], vector<16xi32>,
      %shift_right_logical3A_379 = arith.constant 7 : i32
      %shift_right_logical3A_380 = vector.broadcast %shift_right_logical3A_379 : i32 to vector<16xi32>
      %shift_right_logical3A_381 = arith.shrui %shift_right_logical3A_302, %shift_right_logical3A_380 : vector<16xi32>
      %and3A_382 = arith.constant 127 : i32
      %and3A_383 = vector.broadcast %and3A_382 : i32 to vector<16xi32>
      %and3A_384 = arith.andi %shift_right_logical3A_302, %and3A_383 : vector<16xi32>
      tpu.vector_store_idx %arg6[%shift_right_logical3A_381, %and3A_384], %broadcast_in_dim3A_21 {add = true} : memref<256x128xi32, #tpu.memory_space<vmem>>[vector<16xi32>, vector<16xi32>], vector<16xi32>,
      %shift_right_logical3A_385 = arith.constant 7 : i32
      %shift_right_logical3A_386 = vector.broadcast %shift_right_logical3A_385 : i32 to vector<16xi32>
      %shift_right_logical3A_387 = arith.shrui %shift_right_logical3A_306, %shift_right_logical3A_386 : vector<16xi32>
      %and3A_388 = arith.constant 127 : i32
      %and3A_389 = vector.broadcast %and3A_388 : i32 to vector<16xi32>
      %and3A_390 = arith.andi %shift_right_logical3A_306, %and3A_389 : vector<16xi32>
      tpu.vector_store_idx %arg6[%shift_right_logical3A_387, %and3A_390], %broadcast_in_dim3A_21 {add = true} : memref<256x128xi32, #tpu.memory_space<vmem>>[vector<16xi32>, vector<16xi32>], vector<16xi32>,
      %shift_right_logical3A_391 = arith.constant 7 : i32
      %shift_right_logical3A_392 = vector.broadcast %shift_right_logical3A_391 : i32 to vector<16xi32>
      %shift_right_logical3A_393 = arith.shrui %shift_right_logical3A_310, %shift_right_logical3A_392 : vector<16xi32>
      %and3A_394 = arith.constant 127 : i32
      %and3A_395 = vector.broadcast %and3A_394 : i32 to vector<16xi32>
      %and3A_396 = arith.andi %shift_right_logical3A_310, %and3A_395 : vector<16xi32>
      tpu.vector_store_idx %arg6[%shift_right_logical3A_393, %and3A_396], %broadcast_in_dim3A_21 {add = true} : memref<256x128xi32, #tpu.memory_space<vmem>>[vector<16xi32>, vector<16xi32>], vector<16xi32>,
      %shift_right_logical3A_397 = arith.constant 7 : i32
      %shift_right_logical3A_398 = vector.broadcast %shift_right_logical3A_397 : i32 to vector<16xi32>
      %shift_right_logical3A_399 = arith.shrui %shift_right_logical3A_314, %shift_right_logical3A_398 : vector<16xi32>
      %and3A_400 = arith.constant 127 : i32
      %and3A_401 = vector.broadcast %and3A_400 : i32 to vector<16xi32>
      %and3A_402 = arith.andi %shift_right_logical3A_314, %and3A_401 : vector<16xi32>
      tpu.vector_store_idx %arg6[%shift_right_logical3A_399, %and3A_402], %broadcast_in_dim3A_21 {add = true} : memref<256x128xi32, #tpu.memory_space<vmem>>[vector<16xi32>, vector<16xi32>], vector<16xi32>,
      %shift_right_logical3A_403 = arith.constant 7 : i32
      %shift_right_logical3A_404 = vector.broadcast %shift_right_logical3A_403 : i32 to vector<16xi32>
      %shift_right_logical3A_405 = arith.shrui %shift_right_logical3A_318, %shift_right_logical3A_404 : vector<16xi32>
      %and3A_406 = arith.constant 127 : i32
      %and3A_407 = vector.broadcast %and3A_406 : i32 to vector<16xi32>
      %and3A_408 = arith.andi %shift_right_logical3A_318, %and3A_407 : vector<16xi32>
      tpu.vector_store_idx %arg6[%shift_right_logical3A_405, %and3A_408], %broadcast_in_dim3A_21 {add = true} : memref<256x128xi32, #tpu.memory_space<vmem>>[vector<16xi32>, vector<16xi32>], vector<16xi32>,
      %shift_right_logical3A_409 = arith.constant 7 : i32
      %shift_right_logical3A_410 = vector.broadcast %shift_right_logical3A_409 : i32 to vector<16xi32>
      %shift_right_logical3A_411 = arith.shrui %shift_right_logical3A_322, %shift_right_logical3A_410 : vector<16xi32>
      %and3A_412 = arith.constant 127 : i32
      %and3A_413 = vector.broadcast %and3A_412 : i32 to vector<16xi32>
      %and3A_414 = arith.andi %shift_right_logical3A_322, %and3A_413 : vector<16xi32>
      tpu.vector_store_idx %arg6[%shift_right_logical3A_411, %and3A_414], %broadcast_in_dim3A_21 {add = true} : memref<256x128xi32, #tpu.memory_space<vmem>>[vector<16xi32>, vector<16xi32>], vector<16xi32>,
      %shift_right_logical3A_415 = arith.constant 7 : i32
      %shift_right_logical3A_416 = vector.broadcast %shift_right_logical3A_415 : i32 to vector<16xi32>
      %shift_right_logical3A_417 = arith.shrui %shift_right_logical3A_326, %shift_right_logical3A_416 : vector<16xi32>
      %and3A_418 = arith.constant 127 : i32
      %and3A_419 = vector.broadcast %and3A_418 : i32 to vector<16xi32>
      %and3A_420 = arith.andi %shift_right_logical3A_326, %and3A_419 : vector<16xi32>
      tpu.vector_store_idx %arg6[%shift_right_logical3A_417, %and3A_420], %broadcast_in_dim3A_21 {add = true} : memref<256x128xi32, #tpu.memory_space<vmem>>[vector<16xi32>, vector<16xi32>], vector<16xi32>,
      %shift_right_logical3A_421 = arith.constant 7 : i32
      %shift_right_logical3A_422 = vector.broadcast %shift_right_logical3A_421 : i32 to vector<16xi32>
      %shift_right_logical3A_423 = arith.shrui %shift_right_logical3A_330, %shift_right_logical3A_422 : vector<16xi32>
      %and3A_424 = arith.constant 127 : i32
      %and3A_425 = vector.broadcast %and3A_424 : i32 to vector<16xi32>
      %and3A_426 = arith.andi %shift_right_logical3A_330, %and3A_425 : vector<16xi32>
      tpu.vector_store_idx %arg6[%shift_right_logical3A_423, %and3A_426], %broadcast_in_dim3A_21 {add = true} : memref<256x128xi32, #tpu.memory_space<vmem>>[vector<16xi32>, vector<16xi32>], vector<16xi32>,
    }
    %scan3A_92 = arith.constant 32 : i32
    %add3A_93 = arith.constant 64 : i32
    %add3A_94 = arith.addi %mul3A_2, %add3A_93 : i32
    %dma_wait3A_95 = arith.constant 0 : i32
    %dma_wait3A_96 = tpu.memref_slice %arg2[%add3A_94, %dma_wait3A_95] : memref<4096x512xf32, #tpu.memory_space<hbm>> -> memref<16x512xf32, #tpu.memory_space<hbm>>
    %dma_wait3A_97 = arith.constant 0 : i32
    %dma_wait3A_98 = tpu.memref_slice %arg2[%add3A_94, %dma_wait3A_97] : memref<4096x512xf32, #tpu.memory_space<hbm>> -> memref<16x512xf32, #tpu.memory_space<hbm>>
    tpu.wait_dma2 semaphore(%arg7 : memref<!tpu.dma_semaphore, #tpu.memory_space<semaphore_mem>>) src(%dma_wait3A_98 : memref<16x512xf32, #tpu.memory_space<hbm>>) dst(%arg4 : memref<16x512xf32, #tpu.memory_space<vmem>>)
    %add3A_99 = arith.constant 96 : i32
    %add3A_100 = arith.addi %mul3A_2, %add3A_99 : i32
    %dma_start3A_101 = arith.constant 0 : i32
    %dma_start3A_102 = tpu.memref_slice %arg2[%add3A_100, %dma_start3A_101] : memref<4096x512xf32, #tpu.memory_space<hbm>> -> memref<16x512xf32, #tpu.memory_space<hbm>>
    %dma_start3A_103 = arith.constant 0 : i32
    %dma_start3A_104 = tpu.memref_slice %arg2[%add3A_100, %dma_start3A_103] : memref<4096x512xf32, #tpu.memory_space<hbm>> -> memref<16x512xf32, #tpu.memory_space<hbm>>
    tpu.enqueue_dma source(%dma_start3A_104 : memref<16x512xf32, #tpu.memory_space<hbm>>) target(%arg4 : memref<16x512xf32, #tpu.memory_space<vmem>>) target_semaphore(%arg7 : memref<!tpu.dma_semaphore, #tpu.memory_space<semaphore_mem>>)
    %scan3A_105 = arith.constant 0 : i32
    %scan3A_106 = arith.constant 0 : i32
    %scan3A_107 = arith.constant 32 : i32
    %scan3A_108 = arith.addi %scan3A_106, %scan3A_107 : i32
    %scan3A_109 = arith.constant 1 : i32
    scf.for %scan3A_153 = %scan3A_106 to %scan3A_108 step %scan3A_109  : i32 {
      %mul3A_154 = arith.constant 16 : i32
      %mul3A_155 = arith.muli %scan3A_153, %mul3A_154 : i32
      %jit3A = arith.constant 32 : i32
      %div3A = arith.divsi %mul3A_155, %jit3A : i32
      %sign3A = arith.constant 0 : i32
      %sign3A_156 = arith.cmpi sgt, %mul3A_155, %sign3A : i32
      %sign3A_157 = arith.extui %sign3A_156 : i1 to i32
      %sign3A_158 = arith.constant 0 : i32
      %sign3A_159 = arith.cmpi slt, %mul3A_155, %sign3A_158 : i32
      %sign3A_160 = arith.extui %sign3A_159 : i1 to i32
      %sign3A_161 = arith.subi %sign3A_157, %sign3A_160 : i32
      %sign3A_162 = arith.constant 0 : i32
      %sign3A_163 = arith.cmpi sgt, %jit3A, %sign3A_162 : i32
      %sign3A_164 = arith.extui %sign3A_163 : i1 to i32
      %sign3A_165 = arith.constant 0 : i32
      %sign3A_166 = arith.cmpi slt, %jit3A, %sign3A_165 : i32
      %sign3A_167 = arith.extui %sign3A_166 : i1 to i32
      %sign3A_168 = arith.subi %sign3A_164, %sign3A_167 : i32
      %ne3A = arith.cmpi ne, %sign3A_161, %sign3A_168 : i32
      %rem3A = arith.remsi %mul3A_155, %jit3A : i32
      %ne3A_169 = arith.constant 0 : i32
      %ne3A_170 = arith.cmpi ne, %rem3A, %ne3A_169 : i32
      %and3A = arith.andi %ne3A, %ne3A_170 : i1
      %sub3A = arith.constant 1 : i32
      %sub3A_171 = arith.subi %div3A, %sub3A : i32
      %select_n3A = arith.select %and3A, %sub3A_171, %div3A : i32
      %mul3A_172 = arith.constant 16 : i32
      %mul3A_173 = arith.muli %scan3A_153, %mul3A_172 : i32
      %jit3A_174 = arith.constant 32 : i32
      %eq3A = arith.constant 0 : i32
      %eq3A_175 = arith.cmpi eq, %jit3A_174, %eq3A : i32
      %jit3A_176 = arith.constant 1 : i32
      %select_n3A_177 = arith.select %eq3A_175, %jit3A_176, %jit3A_174 : i32
      %rem3A_178 = arith.remsi %mul3A_173, %select_n3A_177 : i32
      %ne3A_179 = arith.constant 0 : i32
      %ne3A_180 = arith.cmpi ne, %rem3A_178, %ne3A_179 : i32
      %lt3A = arith.constant 0 : i32
      %lt3A_181 = arith.cmpi slt, %rem3A_178, %lt3A : i32
      %lt3A_182 = arith.constant 0 : i32
      %lt3A_183 = arith.cmpi slt, %select_n3A_177, %lt3A_182 : i32
      %ne3A_184 = arith.xori %lt3A_181, %lt3A_183 : i1
      %and3A_185 = arith.andi %ne3A_184, %ne3A_180 : i1
      %add3A_186 = arith.addi %rem3A_178, %select_n3A_177 : i32
      %select_n3A_187 = arith.select %and3A_185, %add3A_186, %rem3A_178 : i32
      %mul3A_188 = arith.constant 16 : i32
      %mul3A_189 = arith.muli %select_n3A_187, %mul3A_188 : i32
      %add3A_190 = arith.constant 0 : i32
      %add3A_191 = arith.addi %mul3A_189, %add3A_190 : i32
      %get3A = arith.index_cast %select_n3A : i32 to index
      %get3A_192 = arith.index_cast %add3A_191 : i32 to index
      %get3A_193 = tpu.vector_load %arg4[%get3A, %get3A_192] {strides = array<i32>} : memref<16x512xf32, #tpu.memory_space<vmem>>, vector<16xf32>,
      %add3A_194 = arith.constant 16 : i32
      %add3A_195 = arith.addi %mul3A_189, %add3A_194 : i32
      %get3A_196 = arith.index_cast %select_n3A : i32 to index
      %get3A_197 = arith.index_cast %add3A_195 : i32 to index
      %get3A_198 = tpu.vector_load %arg4[%get3A_196, %get3A_197] {strides = array<i32>} : memref<16x512xf32, #tpu.memory_space<vmem>>, vector<16xf32>,
      %add3A_199 = arith.constant 32 : i32
      %add3A_200 = arith.addi %mul3A_189, %add3A_199 : i32
      %get3A_201 = arith.index_cast %select_n3A : i32 to index
      %get3A_202 = arith.index_cast %add3A_200 : i32 to index
      %get3A_203 = tpu.vector_load %arg4[%get3A_201, %get3A_202] {strides = array<i32>} : memref<16x512xf32, #tpu.memory_space<vmem>>, vector<16xf32>,
      %add3A_204 = arith.constant 48 : i32
      %add3A_205 = arith.addi %mul3A_189, %add3A_204 : i32
      %get3A_206 = arith.index_cast %select_n3A : i32 to index
      %get3A_207 = arith.index_cast %add3A_205 : i32 to index
      %get3A_208 = tpu.vector_load %arg4[%get3A_206, %get3A_207] {strides = array<i32>} : memref<16x512xf32, #tpu.memory_space<vmem>>, vector<16xf32>,
      %add3A_209 = arith.constant 64 : i32
      %add3A_210 = arith.addi %mul3A_189, %add3A_209 : i32
      %get3A_211 = arith.index_cast %select_n3A : i32 to index
      %get3A_212 = arith.index_cast %add3A_210 : i32 to index
      %get3A_213 = tpu.vector_load %arg4[%get3A_211, %get3A_212] {strides = array<i32>} : memref<16x512xf32, #tpu.memory_space<vmem>>, vector<16xf32>,
      %add3A_214 = arith.constant 80 : i32
      %add3A_215 = arith.addi %mul3A_189, %add3A_214 : i32
      %get3A_216 = arith.index_cast %select_n3A : i32 to index
      %get3A_217 = arith.index_cast %add3A_215 : i32 to index
      %get3A_218 = tpu.vector_load %arg4[%get3A_216, %get3A_217] {strides = array<i32>} : memref<16x512xf32, #tpu.memory_space<vmem>>, vector<16xf32>,
      %add3A_219 = arith.constant 96 : i32
      %add3A_220 = arith.addi %mul3A_189, %add3A_219 : i32
      %get3A_221 = arith.index_cast %select_n3A : i32 to index
      %get3A_222 = arith.index_cast %add3A_220 : i32 to index
      %get3A_223 = tpu.vector_load %arg4[%get3A_221, %get3A_222] {strides = array<i32>} : memref<16x512xf32, #tpu.memory_space<vmem>>, vector<16xf32>,
      %add3A_224 = arith.constant 112 : i32
      %add3A_225 = arith.addi %mul3A_189, %add3A_224 : i32
      %get3A_226 = arith.index_cast %select_n3A : i32 to index
      %get3A_227 = arith.index_cast %add3A_225 : i32 to index
      %get3A_228 = tpu.vector_load %arg4[%get3A_226, %get3A_227] {strides = array<i32>} : memref<16x512xf32, #tpu.memory_space<vmem>>, vector<16xf32>,
      %add3A_229 = arith.constant 128 : i32
      %add3A_230 = arith.addi %mul3A_189, %add3A_229 : i32
      %get3A_231 = arith.index_cast %select_n3A : i32 to index
      %get3A_232 = arith.index_cast %add3A_230 : i32 to index
      %get3A_233 = tpu.vector_load %arg4[%get3A_231, %get3A_232] {strides = array<i32>} : memref<16x512xf32, #tpu.memory_space<vmem>>, vector<16xf32>,
      %add3A_234 = arith.constant 144 : i32
      %add3A_235 = arith.addi %mul3A_189, %add3A_234 : i32
      %get3A_236 = arith.index_cast %select_n3A : i32 to index
      %get3A_237 = arith.index_cast %add3A_235 : i32 to index
      %get3A_238 = tpu.vector_load %arg4[%get3A_236, %get3A_237] {strides = array<i32>} : memref<16x512xf32, #tpu.memory_space<vmem>>, vector<16xf32>,
      %add3A_239 = arith.constant 160 : i32
      %add3A_240 = arith.addi %mul3A_189, %add3A_239 : i32
      %get3A_241 = arith.index_cast %select_n3A : i32 to index
      %get3A_242 = arith.index_cast %add3A_240 : i32 to index
      %get3A_243 = tpu.vector_load %arg4[%get3A_241, %get3A_242] {strides = array<i32>} : memref<16x512xf32, #tpu.memory_space<vmem>>, vector<16xf32>,
      %add3A_244 = arith.constant 176 : i32
      %add3A_245 = arith.addi %mul3A_189, %add3A_244 : i32
      %get3A_246 = arith.index_cast %select_n3A : i32 to index
      %get3A_247 = arith.index_cast %add3A_245 : i32 to index
      %get3A_248 = tpu.vector_load %arg4[%get3A_246, %get3A_247] {strides = array<i32>} : memref<16x512xf32, #tpu.memory_space<vmem>>, vector<16xf32>,
      %add3A_249 = arith.constant 192 : i32
      %add3A_250 = arith.addi %mul3A_189, %add3A_249 : i32
      %get3A_251 = arith.index_cast %select_n3A : i32 to index
      %get3A_252 = arith.index_cast %add3A_250 : i32 to index
      %get3A_253 = tpu.vector_load %arg4[%get3A_251, %get3A_252] {strides = array<i32>} : memref<16x512xf32, #tpu.memory_space<vmem>>, vector<16xf32>,
      %add3A_254 = arith.constant 208 : i32
      %add3A_255 = arith.addi %mul3A_189, %add3A_254 : i32
      %get3A_256 = arith.index_cast %select_n3A : i32 to index
      %get3A_257 = arith.index_cast %add3A_255 : i32 to index
      %get3A_258 = tpu.vector_load %arg4[%get3A_256, %get3A_257] {strides = array<i32>} : memref<16x512xf32, #tpu.memory_space<vmem>>, vector<16xf32>,
      %add3A_259 = arith.constant 224 : i32
      %add3A_260 = arith.addi %mul3A_189, %add3A_259 : i32
      %get3A_261 = arith.index_cast %select_n3A : i32 to index
      %get3A_262 = arith.index_cast %add3A_260 : i32 to index
      %get3A_263 = tpu.vector_load %arg4[%get3A_261, %get3A_262] {strides = array<i32>} : memref<16x512xf32, #tpu.memory_space<vmem>>, vector<16xf32>,
      %add3A_264 = arith.constant 240 : i32
      %add3A_265 = arith.addi %mul3A_189, %add3A_264 : i32
      %get3A_266 = arith.index_cast %select_n3A : i32 to index
      %get3A_267 = arith.index_cast %add3A_265 : i32 to index
      %get3A_268 = tpu.vector_load %arg4[%get3A_266, %get3A_267] {strides = array<i32>} : memref<16x512xf32, #tpu.memory_space<vmem>>, vector<16xf32>,
      %bitcast_convert_type3A = tpu.bitcast %get3A_193 : vector<16xf32> -> vector<16xi32>
      %shift_right_logical3A = arith.constant 16 : i32
      %shift_right_logical3A_269 = vector.broadcast %shift_right_logical3A : i32 to vector<16xi32>
      %shift_right_logical3A_270 = arith.shrui %bitcast_convert_type3A, %shift_right_logical3A_269 : vector<16xi32>
      %bitcast_convert_type3A_271 = tpu.bitcast %get3A_198 : vector<16xf32> -> vector<16xi32>
      %shift_right_logical3A_272 = arith.constant 16 : i32
      %shift_right_logical3A_273 = vector.broadcast %shift_right_logical3A_272 : i32 to vector<16xi32>
      %shift_right_logical3A_274 = arith.shrui %bitcast_convert_type3A_271, %shift_right_logical3A_273 : vector<16xi32>
      %bitcast_convert_type3A_275 = tpu.bitcast %get3A_203 : vector<16xf32> -> vector<16xi32>
      %shift_right_logical3A_276 = arith.constant 16 : i32
      %shift_right_logical3A_277 = vector.broadcast %shift_right_logical3A_276 : i32 to vector<16xi32>
      %shift_right_logical3A_278 = arith.shrui %bitcast_convert_type3A_275, %shift_right_logical3A_277 : vector<16xi32>
      %bitcast_convert_type3A_279 = tpu.bitcast %get3A_208 : vector<16xf32> -> vector<16xi32>
      %shift_right_logical3A_280 = arith.constant 16 : i32
      %shift_right_logical3A_281 = vector.broadcast %shift_right_logical3A_280 : i32 to vector<16xi32>
      %shift_right_logical3A_282 = arith.shrui %bitcast_convert_type3A_279, %shift_right_logical3A_281 : vector<16xi32>
      %bitcast_convert_type3A_283 = tpu.bitcast %get3A_213 : vector<16xf32> -> vector<16xi32>
      %shift_right_logical3A_284 = arith.constant 16 : i32
      %shift_right_logical3A_285 = vector.broadcast %shift_right_logical3A_284 : i32 to vector<16xi32>
      %shift_right_logical3A_286 = arith.shrui %bitcast_convert_type3A_283, %shift_right_logical3A_285 : vector<16xi32>
      %bitcast_convert_type3A_287 = tpu.bitcast %get3A_218 : vector<16xf32> -> vector<16xi32>
      %shift_right_logical3A_288 = arith.constant 16 : i32
      %shift_right_logical3A_289 = vector.broadcast %shift_right_logical3A_288 : i32 to vector<16xi32>
      %shift_right_logical3A_290 = arith.shrui %bitcast_convert_type3A_287, %shift_right_logical3A_289 : vector<16xi32>
      %bitcast_convert_type3A_291 = tpu.bitcast %get3A_223 : vector<16xf32> -> vector<16xi32>
      %shift_right_logical3A_292 = arith.constant 16 : i32
      %shift_right_logical3A_293 = vector.broadcast %shift_right_logical3A_292 : i32 to vector<16xi32>
      %shift_right_logical3A_294 = arith.shrui %bitcast_convert_type3A_291, %shift_right_logical3A_293 : vector<16xi32>
      %bitcast_convert_type3A_295 = tpu.bitcast %get3A_228 : vector<16xf32> -> vector<16xi32>
      %shift_right_logical3A_296 = arith.constant 16 : i32
      %shift_right_logical3A_297 = vector.broadcast %shift_right_logical3A_296 : i32 to vector<16xi32>
      %shift_right_logical3A_298 = arith.shrui %bitcast_convert_type3A_295, %shift_right_logical3A_297 : vector<16xi32>
      %bitcast_convert_type3A_299 = tpu.bitcast %get3A_233 : vector<16xf32> -> vector<16xi32>
      %shift_right_logical3A_300 = arith.constant 16 : i32
      %shift_right_logical3A_301 = vector.broadcast %shift_right_logical3A_300 : i32 to vector<16xi32>
      %shift_right_logical3A_302 = arith.shrui %bitcast_convert_type3A_299, %shift_right_logical3A_301 : vector<16xi32>
      %bitcast_convert_type3A_303 = tpu.bitcast %get3A_238 : vector<16xf32> -> vector<16xi32>
      %shift_right_logical3A_304 = arith.constant 16 : i32
      %shift_right_logical3A_305 = vector.broadcast %shift_right_logical3A_304 : i32 to vector<16xi32>
      %shift_right_logical3A_306 = arith.shrui %bitcast_convert_type3A_303, %shift_right_logical3A_305 : vector<16xi32>
      %bitcast_convert_type3A_307 = tpu.bitcast %get3A_243 : vector<16xf32> -> vector<16xi32>
      %shift_right_logical3A_308 = arith.constant 16 : i32
      %shift_right_logical3A_309 = vector.broadcast %shift_right_logical3A_308 : i32 to vector<16xi32>
      %shift_right_logical3A_310 = arith.shrui %bitcast_convert_type3A_307, %shift_right_logical3A_309 : vector<16xi32>
      %bitcast_convert_type3A_311 = tpu.bitcast %get3A_248 : vector<16xf32> -> vector<16xi32>
      %shift_right_logical3A_312 = arith.constant 16 : i32
      %shift_right_logical3A_313 = vector.broadcast %shift_right_logical3A_312 : i32 to vector<16xi32>
      %shift_right_logical3A_314 = arith.shrui %bitcast_convert_type3A_311, %shift_right_logical3A_313 : vector<16xi32>
      %bitcast_convert_type3A_315 = tpu.bitcast %get3A_253 : vector<16xf32> -> vector<16xi32>
      %shift_right_logical3A_316 = arith.constant 16 : i32
      %shift_right_logical3A_317 = vector.broadcast %shift_right_logical3A_316 : i32 to vector<16xi32>
      %shift_right_logical3A_318 = arith.shrui %bitcast_convert_type3A_315, %shift_right_logical3A_317 : vector<16xi32>
      %bitcast_convert_type3A_319 = tpu.bitcast %get3A_258 : vector<16xf32> -> vector<16xi32>
      %shift_right_logical3A_320 = arith.constant 16 : i32
      %shift_right_logical3A_321 = vector.broadcast %shift_right_logical3A_320 : i32 to vector<16xi32>
      %shift_right_logical3A_322 = arith.shrui %bitcast_convert_type3A_319, %shift_right_logical3A_321 : vector<16xi32>
      %bitcast_convert_type3A_323 = tpu.bitcast %get3A_263 : vector<16xf32> -> vector<16xi32>
      %shift_right_logical3A_324 = arith.constant 16 : i32
      %shift_right_logical3A_325 = vector.broadcast %shift_right_logical3A_324 : i32 to vector<16xi32>
      %shift_right_logical3A_326 = arith.shrui %bitcast_convert_type3A_323, %shift_right_logical3A_325 : vector<16xi32>
      %bitcast_convert_type3A_327 = tpu.bitcast %get3A_268 : vector<16xf32> -> vector<16xi32>
      %shift_right_logical3A_328 = arith.constant 16 : i32
      %shift_right_logical3A_329 = vector.broadcast %shift_right_logical3A_328 : i32 to vector<16xi32>
      %shift_right_logical3A_330 = arith.shrui %bitcast_convert_type3A_327, %shift_right_logical3A_329 : vector<16xi32>
      %shift_right_logical3A_331 = arith.constant 7 : i32
      %shift_right_logical3A_332 = vector.broadcast %shift_right_logical3A_331 : i32 to vector<16xi32>
      %shift_right_logical3A_333 = arith.shrui %shift_right_logical3A_270, %shift_right_logical3A_332 : vector<16xi32>
      %and3A_334 = arith.constant 127 : i32
      %and3A_335 = vector.broadcast %and3A_334 : i32 to vector<16xi32>
      %and3A_336 = arith.andi %shift_right_logical3A_270, %and3A_335 : vector<16xi32>
      tpu.vector_store_idx %arg6[%shift_right_logical3A_333, %and3A_336], %broadcast_in_dim3A_21 {add = true} : memref<256x128xi32, #tpu.memory_space<vmem>>[vector<16xi32>, vector<16xi32>], vector<16xi32>,
      %shift_right_logical3A_337 = arith.constant 7 : i32
      %shift_right_logical3A_338 = vector.broadcast %shift_right_logical3A_337 : i32 to vector<16xi32>
      %shift_right_logical3A_339 = arith.shrui %shift_right_logical3A_274, %shift_right_logical3A_338 : vector<16xi32>
      %and3A_340 = arith.constant 127 : i32
      %and3A_341 = vector.broadcast %and3A_340 : i32 to vector<16xi32>
      %and3A_342 = arith.andi %shift_right_logical3A_274, %and3A_341 : vector<16xi32>
      tpu.vector_store_idx %arg6[%shift_right_logical3A_339, %and3A_342], %broadcast_in_dim3A_21 {add = true} : memref<256x128xi32, #tpu.memory_space<vmem>>[vector<16xi32>, vector<16xi32>], vector<16xi32>,
      %shift_right_logical3A_343 = arith.constant 7 : i32
      %shift_right_logical3A_344 = vector.broadcast %shift_right_logical3A_343 : i32 to vector<16xi32>
      %shift_right_logical3A_345 = arith.shrui %shift_right_logical3A_278, %shift_right_logical3A_344 : vector<16xi32>
      %and3A_346 = arith.constant 127 : i32
      %and3A_347 = vector.broadcast %and3A_346 : i32 to vector<16xi32>
      %and3A_348 = arith.andi %shift_right_logical3A_278, %and3A_347 : vector<16xi32>
      tpu.vector_store_idx %arg6[%shift_right_logical3A_345, %and3A_348], %broadcast_in_dim3A_21 {add = true} : memref<256x128xi32, #tpu.memory_space<vmem>>[vector<16xi32>, vector<16xi32>], vector<16xi32>,
      %shift_right_logical3A_349 = arith.constant 7 : i32
      %shift_right_logical3A_350 = vector.broadcast %shift_right_logical3A_349 : i32 to vector<16xi32>
      %shift_right_logical3A_351 = arith.shrui %shift_right_logical3A_282, %shift_right_logical3A_350 : vector<16xi32>
      %and3A_352 = arith.constant 127 : i32
      %and3A_353 = vector.broadcast %and3A_352 : i32 to vector<16xi32>
      %and3A_354 = arith.andi %shift_right_logical3A_282, %and3A_353 : vector<16xi32>
      tpu.vector_store_idx %arg6[%shift_right_logical3A_351, %and3A_354], %broadcast_in_dim3A_21 {add = true} : memref<256x128xi32, #tpu.memory_space<vmem>>[vector<16xi32>, vector<16xi32>], vector<16xi32>,
      %shift_right_logical3A_355 = arith.constant 7 : i32
      %shift_right_logical3A_356 = vector.broadcast %shift_right_logical3A_355 : i32 to vector<16xi32>
      %shift_right_logical3A_357 = arith.shrui %shift_right_logical3A_286, %shift_right_logical3A_356 : vector<16xi32>
      %and3A_358 = arith.constant 127 : i32
      %and3A_359 = vector.broadcast %and3A_358 : i32 to vector<16xi32>
      %and3A_360 = arith.andi %shift_right_logical3A_286, %and3A_359 : vector<16xi32>
      tpu.vector_store_idx %arg6[%shift_right_logical3A_357, %and3A_360], %broadcast_in_dim3A_21 {add = true} : memref<256x128xi32, #tpu.memory_space<vmem>>[vector<16xi32>, vector<16xi32>], vector<16xi32>,
      %shift_right_logical3A_361 = arith.constant 7 : i32
      %shift_right_logical3A_362 = vector.broadcast %shift_right_logical3A_361 : i32 to vector<16xi32>
      %shift_right_logical3A_363 = arith.shrui %shift_right_logical3A_290, %shift_right_logical3A_362 : vector<16xi32>
      %and3A_364 = arith.constant 127 : i32
      %and3A_365 = vector.broadcast %and3A_364 : i32 to vector<16xi32>
      %and3A_366 = arith.andi %shift_right_logical3A_290, %and3A_365 : vector<16xi32>
      tpu.vector_store_idx %arg6[%shift_right_logical3A_363, %and3A_366], %broadcast_in_dim3A_21 {add = true} : memref<256x128xi32, #tpu.memory_space<vmem>>[vector<16xi32>, vector<16xi32>], vector<16xi32>,
      %shift_right_logical3A_367 = arith.constant 7 : i32
      %shift_right_logical3A_368 = vector.broadcast %shift_right_logical3A_367 : i32 to vector<16xi32>
      %shift_right_logical3A_369 = arith.shrui %shift_right_logical3A_294, %shift_right_logical3A_368 : vector<16xi32>
      %and3A_370 = arith.constant 127 : i32
      %and3A_371 = vector.broadcast %and3A_370 : i32 to vector<16xi32>
      %and3A_372 = arith.andi %shift_right_logical3A_294, %and3A_371 : vector<16xi32>
      tpu.vector_store_idx %arg6[%shift_right_logical3A_369, %and3A_372], %broadcast_in_dim3A_21 {add = true} : memref<256x128xi32, #tpu.memory_space<vmem>>[vector<16xi32>, vector<16xi32>], vector<16xi32>,
      %shift_right_logical3A_373 = arith.constant 7 : i32
      %shift_right_logical3A_374 = vector.broadcast %shift_right_logical3A_373 : i32 to vector<16xi32>
      %shift_right_logical3A_375 = arith.shrui %shift_right_logical3A_298, %shift_right_logical3A_374 : vector<16xi32>
      %and3A_376 = arith.constant 127 : i32
      %and3A_377 = vector.broadcast %and3A_376 : i32 to vector<16xi32>
      %and3A_378 = arith.andi %shift_right_logical3A_298, %and3A_377 : vector<16xi32>
      tpu.vector_store_idx %arg6[%shift_right_logical3A_375, %and3A_378], %broadcast_in_dim3A_21 {add = true} : memref<256x128xi32, #tpu.memory_space<vmem>>[vector<16xi32>, vector<16xi32>], vector<16xi32>,
      %shift_right_logical3A_379 = arith.constant 7 : i32
      %shift_right_logical3A_380 = vector.broadcast %shift_right_logical3A_379 : i32 to vector<16xi32>
      %shift_right_logical3A_381 = arith.shrui %shift_right_logical3A_302, %shift_right_logical3A_380 : vector<16xi32>
      %and3A_382 = arith.constant 127 : i32
      %and3A_383 = vector.broadcast %and3A_382 : i32 to vector<16xi32>
      %and3A_384 = arith.andi %shift_right_logical3A_302, %and3A_383 : vector<16xi32>
      tpu.vector_store_idx %arg6[%shift_right_logical3A_381, %and3A_384], %broadcast_in_dim3A_21 {add = true} : memref<256x128xi32, #tpu.memory_space<vmem>>[vector<16xi32>, vector<16xi32>], vector<16xi32>,
      %shift_right_logical3A_385 = arith.constant 7 : i32
      %shift_right_logical3A_386 = vector.broadcast %shift_right_logical3A_385 : i32 to vector<16xi32>
      %shift_right_logical3A_387 = arith.shrui %shift_right_logical3A_306, %shift_right_logical3A_386 : vector<16xi32>
      %and3A_388 = arith.constant 127 : i32
      %and3A_389 = vector.broadcast %and3A_388 : i32 to vector<16xi32>
      %and3A_390 = arith.andi %shift_right_logical3A_306, %and3A_389 : vector<16xi32>
      tpu.vector_store_idx %arg6[%shift_right_logical3A_387, %and3A_390], %broadcast_in_dim3A_21 {add = true} : memref<256x128xi32, #tpu.memory_space<vmem>>[vector<16xi32>, vector<16xi32>], vector<16xi32>,
      %shift_right_logical3A_391 = arith.constant 7 : i32
      %shift_right_logical3A_392 = vector.broadcast %shift_right_logical3A_391 : i32 to vector<16xi32>
      %shift_right_logical3A_393 = arith.shrui %shift_right_logical3A_310, %shift_right_logical3A_392 : vector<16xi32>
      %and3A_394 = arith.constant 127 : i32
      %and3A_395 = vector.broadcast %and3A_394 : i32 to vector<16xi32>
      %and3A_396 = arith.andi %shift_right_logical3A_310, %and3A_395 : vector<16xi32>
      tpu.vector_store_idx %arg6[%shift_right_logical3A_393, %and3A_396], %broadcast_in_dim3A_21 {add = true} : memref<256x128xi32, #tpu.memory_space<vmem>>[vector<16xi32>, vector<16xi32>], vector<16xi32>,
      %shift_right_logical3A_397 = arith.constant 7 : i32
      %shift_right_logical3A_398 = vector.broadcast %shift_right_logical3A_397 : i32 to vector<16xi32>
      %shift_right_logical3A_399 = arith.shrui %shift_right_logical3A_314, %shift_right_logical3A_398 : vector<16xi32>
      %and3A_400 = arith.constant 127 : i32
      %and3A_401 = vector.broadcast %and3A_400 : i32 to vector<16xi32>
      %and3A_402 = arith.andi %shift_right_logical3A_314, %and3A_401 : vector<16xi32>
      tpu.vector_store_idx %arg6[%shift_right_logical3A_399, %and3A_402], %broadcast_in_dim3A_21 {add = true} : memref<256x128xi32, #tpu.memory_space<vmem>>[vector<16xi32>, vector<16xi32>], vector<16xi32>,
      %shift_right_logical3A_403 = arith.constant 7 : i32
      %shift_right_logical3A_404 = vector.broadcast %shift_right_logical3A_403 : i32 to vector<16xi32>
      %shift_right_logical3A_405 = arith.shrui %shift_right_logical3A_318, %shift_right_logical3A_404 : vector<16xi32>
      %and3A_406 = arith.constant 127 : i32
      %and3A_407 = vector.broadcast %and3A_406 : i32 to vector<16xi32>
      %and3A_408 = arith.andi %shift_right_logical3A_318, %and3A_407 : vector<16xi32>
      tpu.vector_store_idx %arg6[%shift_right_logical3A_405, %and3A_408], %broadcast_in_dim3A_21 {add = true} : memref<256x128xi32, #tpu.memory_space<vmem>>[vector<16xi32>, vector<16xi32>], vector<16xi32>,
      %shift_right_logical3A_409 = arith.constant 7 : i32
      %shift_right_logical3A_410 = vector.broadcast %shift_right_logical3A_409 : i32 to vector<16xi32>
      %shift_right_logical3A_411 = arith.shrui %shift_right_logical3A_322, %shift_right_logical3A_410 : vector<16xi32>
      %and3A_412 = arith.constant 127 : i32
      %and3A_413 = vector.broadcast %and3A_412 : i32 to vector<16xi32>
      %and3A_414 = arith.andi %shift_right_logical3A_322, %and3A_413 : vector<16xi32>
      tpu.vector_store_idx %arg6[%shift_right_logical3A_411, %and3A_414], %broadcast_in_dim3A_21 {add = true} : memref<256x128xi32, #tpu.memory_space<vmem>>[vector<16xi32>, vector<16xi32>], vector<16xi32>,
      %shift_right_logical3A_415 = arith.constant 7 : i32
      %shift_right_logical3A_416 = vector.broadcast %shift_right_logical3A_415 : i32 to vector<16xi32>
      %shift_right_logical3A_417 = arith.shrui %shift_right_logical3A_326, %shift_right_logical3A_416 : vector<16xi32>
      %and3A_418 = arith.constant 127 : i32
      %and3A_419 = vector.broadcast %and3A_418 : i32 to vector<16xi32>
      %and3A_420 = arith.andi %shift_right_logical3A_326, %and3A_419 : vector<16xi32>
      tpu.vector_store_idx %arg6[%shift_right_logical3A_417, %and3A_420], %broadcast_in_dim3A_21 {add = true} : memref<256x128xi32, #tpu.memory_space<vmem>>[vector<16xi32>, vector<16xi32>], vector<16xi32>,
      %shift_right_logical3A_421 = arith.constant 7 : i32
      %shift_right_logical3A_422 = vector.broadcast %shift_right_logical3A_421 : i32 to vector<16xi32>
      %shift_right_logical3A_423 = arith.shrui %shift_right_logical3A_330, %shift_right_logical3A_422 : vector<16xi32>
      %and3A_424 = arith.constant 127 : i32
      %and3A_425 = vector.broadcast %and3A_424 : i32 to vector<16xi32>
      %and3A_426 = arith.andi %shift_right_logical3A_330, %and3A_425 : vector<16xi32>
      tpu.vector_store_idx %arg6[%shift_right_logical3A_423, %and3A_426], %broadcast_in_dim3A_21 {add = true} : memref<256x128xi32, #tpu.memory_space<vmem>>[vector<16xi32>, vector<16xi32>], vector<16xi32>,
    }
    %scan3A_110 = arith.constant 32 : i32
    %add3A_111 = arith.constant 80 : i32
    %add3A_112 = arith.addi %mul3A_2, %add3A_111 : i32
    %dma_wait3A_113 = arith.constant 0 : i32
    %dma_wait3A_114 = tpu.memref_slice %arg2[%add3A_112, %dma_wait3A_113] : memref<4096x512xf32, #tpu.memory_space<hbm>> -> memref<16x512xf32, #tpu.memory_space<hbm>>
    %dma_wait3A_115 = arith.constant 0 : i32
    %dma_wait3A_116 = tpu.memref_slice %arg2[%add3A_112, %dma_wait3A_115] : memref<4096x512xf32, #tpu.memory_space<hbm>> -> memref<16x512xf32, #tpu.memory_space<hbm>>
    tpu.wait_dma2 semaphore(%arg8 : memref<!tpu.dma_semaphore, #tpu.memory_space<semaphore_mem>>) src(%dma_wait3A_116 : memref<16x512xf32, #tpu.memory_space<hbm>>) dst(%arg5 : memref<16x512xf32, #tpu.memory_space<vmem>>)
    %add3A_117 = arith.constant 112 : i32
    %add3A_118 = arith.addi %mul3A_2, %add3A_117 : i32
    %dma_start3A_119 = arith.constant 0 : i32
    %dma_start3A_120 = tpu.memref_slice %arg2[%add3A_118, %dma_start3A_119] : memref<4096x512xf32, #tpu.memory_space<hbm>> -> memref<16x512xf32, #tpu.memory_space<hbm>>
    %dma_start3A_121 = arith.constant 0 : i32
    %dma_start3A_122 = tpu.memref_slice %arg2[%add3A_118, %dma_start3A_121] : memref<4096x512xf32, #tpu.memory_space<hbm>> -> memref<16x512xf32, #tpu.memory_space<hbm>>
    tpu.enqueue_dma source(%dma_start3A_122 : memref<16x512xf32, #tpu.memory_space<hbm>>) target(%arg5 : memref<16x512xf32, #tpu.memory_space<vmem>>) target_semaphore(%arg8 : memref<!tpu.dma_semaphore, #tpu.memory_space<semaphore_mem>>)
    %scan3A_123 = arith.constant 0 : i32
    %scan3A_124 = arith.constant 0 : i32
    %scan3A_125 = arith.constant 32 : i32
    %scan3A_126 = arith.addi %scan3A_124, %scan3A_125 : i32
    %scan3A_127 = arith.constant 1 : i32
    scf.for %scan3A_153 = %scan3A_124 to %scan3A_126 step %scan3A_127  : i32 {
      %mul3A_154 = arith.constant 16 : i32
      %mul3A_155 = arith.muli %scan3A_153, %mul3A_154 : i32
      %jit3A = arith.constant 32 : i32
      %div3A = arith.divsi %mul3A_155, %jit3A : i32
      %sign3A = arith.constant 0 : i32
      %sign3A_156 = arith.cmpi sgt, %mul3A_155, %sign3A : i32
      %sign3A_157 = arith.extui %sign3A_156 : i1 to i32
      %sign3A_158 = arith.constant 0 : i32
      %sign3A_159 = arith.cmpi slt, %mul3A_155, %sign3A_158 : i32
      %sign3A_160 = arith.extui %sign3A_159 : i1 to i32
      %sign3A_161 = arith.subi %sign3A_157, %sign3A_160 : i32
      %sign3A_162 = arith.constant 0 : i32
      %sign3A_163 = arith.cmpi sgt, %jit3A, %sign3A_162 : i32
      %sign3A_164 = arith.extui %sign3A_163 : i1 to i32
      %sign3A_165 = arith.constant 0 : i32
      %sign3A_166 = arith.cmpi slt, %jit3A, %sign3A_165 : i32
      %sign3A_167 = arith.extui %sign3A_166 : i1 to i32
      %sign3A_168 = arith.subi %sign3A_164, %sign3A_167 : i32
      %ne3A = arith.cmpi ne, %sign3A_161, %sign3A_168 : i32
      %rem3A = arith.remsi %mul3A_155, %jit3A : i32
      %ne3A_169 = arith.constant 0 : i32
      %ne3A_170 = arith.cmpi ne, %rem3A, %ne3A_169 : i32
      %and3A = arith.andi %ne3A, %ne3A_170 : i1
      %sub3A = arith.constant 1 : i32
      %sub3A_171 = arith.subi %div3A, %sub3A : i32
      %select_n3A = arith.select %and3A, %sub3A_171, %div3A : i32
      %mul3A_172 = arith.constant 16 : i32
      %mul3A_173 = arith.muli %scan3A_153, %mul3A_172 : i32
      %jit3A_174 = arith.constant 32 : i32
      %eq3A = arith.constant 0 : i32
      %eq3A_175 = arith.cmpi eq, %jit3A_174, %eq3A : i32
      %jit3A_176 = arith.constant 1 : i32
      %select_n3A_177 = arith.select %eq3A_175, %jit3A_176, %jit3A_174 : i32
      %rem3A_178 = arith.remsi %mul3A_173, %select_n3A_177 : i32
      %ne3A_179 = arith.constant 0 : i32
      %ne3A_180 = arith.cmpi ne, %rem3A_178, %ne3A_179 : i32
      %lt3A = arith.constant 0 : i32
      %lt3A_181 = arith.cmpi slt, %rem3A_178, %lt3A : i32
      %lt3A_182 = arith.constant 0 : i32
      %lt3A_183 = arith.cmpi slt, %select_n3A_177, %lt3A_182 : i32
      %ne3A_184 = arith.xori %lt3A_181, %lt3A_183 : i1
      %and3A_185 = arith.andi %ne3A_184, %ne3A_180 : i1
      %add3A_186 = arith.addi %rem3A_178, %select_n3A_177 : i32
      %select_n3A_187 = arith.select %and3A_185, %add3A_186, %rem3A_178 : i32
      %mul3A_188 = arith.constant 16 : i32
      %mul3A_189 = arith.muli %select_n3A_187, %mul3A_188 : i32
      %add3A_190 = arith.constant 0 : i32
      %add3A_191 = arith.addi %mul3A_189, %add3A_190 : i32
      %get3A = arith.index_cast %select_n3A : i32 to index
      %get3A_192 = arith.index_cast %add3A_191 : i32 to index
      %get3A_193 = tpu.vector_load %arg5[%get3A, %get3A_192] {strides = array<i32>} : memref<16x512xf32, #tpu.memory_space<vmem>>, vector<16xf32>,
      %add3A_194 = arith.constant 16 : i32
      %add3A_195 = arith.addi %mul3A_189, %add3A_194 : i32
      %get3A_196 = arith.index_cast %select_n3A : i32 to index
      %get3A_197 = arith.index_cast %add3A_195 : i32 to index
      %get3A_198 = tpu.vector_load %arg5[%get3A_196, %get3A_197] {strides = array<i32>} : memref<16x512xf32, #tpu.memory_space<vmem>>, vector<16xf32>,
      %add3A_199 = arith.constant 32 : i32
      %add3A_200 = arith.addi %mul3A_189, %add3A_199 : i32
      %get3A_201 = arith.index_cast %select_n3A : i32 to index
      %get3A_202 = arith.index_cast %add3A_200 : i32 to index
      %get3A_203 = tpu.vector_load %arg5[%get3A_201, %get3A_202] {strides = array<i32>} : memref<16x512xf32, #tpu.memory_space<vmem>>, vector<16xf32>,
      %add3A_204 = arith.constant 48 : i32
      %add3A_205 = arith.addi %mul3A_189, %add3A_204 : i32
      %get3A_206 = arith.index_cast %select_n3A : i32 to index
      %get3A_207 = arith.index_cast %add3A_205 : i32 to index
      %get3A_208 = tpu.vector_load %arg5[%get3A_206, %get3A_207] {strides = array<i32>} : memref<16x512xf32, #tpu.memory_space<vmem>>, vector<16xf32>,
      %add3A_209 = arith.constant 64 : i32
      %add3A_210 = arith.addi %mul3A_189, %add3A_209 : i32
      %get3A_211 = arith.index_cast %select_n3A : i32 to index
      %get3A_212 = arith.index_cast %add3A_210 : i32 to index
      %get3A_213 = tpu.vector_load %arg5[%get3A_211, %get3A_212] {strides = array<i32>} : memref<16x512xf32, #tpu.memory_space<vmem>>, vector<16xf32>,
      %add3A_214 = arith.constant 80 : i32
      %add3A_215 = arith.addi %mul3A_189, %add3A_214 : i32
      %get3A_216 = arith.index_cast %select_n3A : i32 to index
      %get3A_217 = arith.index_cast %add3A_215 : i32 to index
      %get3A_218 = tpu.vector_load %arg5[%get3A_216, %get3A_217] {strides = array<i32>} : memref<16x512xf32, #tpu.memory_space<vmem>>, vector<16xf32>,
      %add3A_219 = arith.constant 96 : i32
      %add3A_220 = arith.addi %mul3A_189, %add3A_219 : i32
      %get3A_221 = arith.index_cast %select_n3A : i32 to index
      %get3A_222 = arith.index_cast %add3A_220 : i32 to index
      %get3A_223 = tpu.vector_load %arg5[%get3A_221, %get3A_222] {strides = array<i32>} : memref<16x512xf32, #tpu.memory_space<vmem>>, vector<16xf32>,
      %add3A_224 = arith.constant 112 : i32
      %add3A_225 = arith.addi %mul3A_189, %add3A_224 : i32
      %get3A_226 = arith.index_cast %select_n3A : i32 to index
      %get3A_227 = arith.index_cast %add3A_225 : i32 to index
      %get3A_228 = tpu.vector_load %arg5[%get3A_226, %get3A_227] {strides = array<i32>} : memref<16x512xf32, #tpu.memory_space<vmem>>, vector<16xf32>,
      %add3A_229 = arith.constant 128 : i32
      %add3A_230 = arith.addi %mul3A_189, %add3A_229 : i32
      %get3A_231 = arith.index_cast %select_n3A : i32 to index
      %get3A_232 = arith.index_cast %add3A_230 : i32 to index
      %get3A_233 = tpu.vector_load %arg5[%get3A_231, %get3A_232] {strides = array<i32>} : memref<16x512xf32, #tpu.memory_space<vmem>>, vector<16xf32>,
      %add3A_234 = arith.constant 144 : i32
      %add3A_235 = arith.addi %mul3A_189, %add3A_234 : i32
      %get3A_236 = arith.index_cast %select_n3A : i32 to index
      %get3A_237 = arith.index_cast %add3A_235 : i32 to index
      %get3A_238 = tpu.vector_load %arg5[%get3A_236, %get3A_237] {strides = array<i32>} : memref<16x512xf32, #tpu.memory_space<vmem>>, vector<16xf32>,
      %add3A_239 = arith.constant 160 : i32
      %add3A_240 = arith.addi %mul3A_189, %add3A_239 : i32
      %get3A_241 = arith.index_cast %select_n3A : i32 to index
      %get3A_242 = arith.index_cast %add3A_240 : i32 to index
      %get3A_243 = tpu.vector_load %arg5[%get3A_241, %get3A_242] {strides = array<i32>} : memref<16x512xf32, #tpu.memory_space<vmem>>, vector<16xf32>,
      %add3A_244 = arith.constant 176 : i32
      %add3A_245 = arith.addi %mul3A_189, %add3A_244 : i32
      %get3A_246 = arith.index_cast %select_n3A : i32 to index
      %get3A_247 = arith.index_cast %add3A_245 : i32 to index
      %get3A_248 = tpu.vector_load %arg5[%get3A_246, %get3A_247] {strides = array<i32>} : memref<16x512xf32, #tpu.memory_space<vmem>>, vector<16xf32>,
      %add3A_249 = arith.constant 192 : i32
      %add3A_250 = arith.addi %mul3A_189, %add3A_249 : i32
      %get3A_251 = arith.index_cast %select_n3A : i32 to index
      %get3A_252 = arith.index_cast %add3A_250 : i32 to index
      %get3A_253 = tpu.vector_load %arg5[%get3A_251, %get3A_252] {strides = array<i32>} : memref<16x512xf32, #tpu.memory_space<vmem>>, vector<16xf32>,
      %add3A_254 = arith.constant 208 : i32
      %add3A_255 = arith.addi %mul3A_189, %add3A_254 : i32
      %get3A_256 = arith.index_cast %select_n3A : i32 to index
      %get3A_257 = arith.index_cast %add3A_255 : i32 to index
      %get3A_258 = tpu.vector_load %arg5[%get3A_256, %get3A_257] {strides = array<i32>} : memref<16x512xf32, #tpu.memory_space<vmem>>, vector<16xf32>,
      %add3A_259 = arith.constant 224 : i32
      %add3A_260 = arith.addi %mul3A_189, %add3A_259 : i32
      %get3A_261 = arith.index_cast %select_n3A : i32 to index
      %get3A_262 = arith.index_cast %add3A_260 : i32 to index
      %get3A_263 = tpu.vector_load %arg5[%get3A_261, %get3A_262] {strides = array<i32>} : memref<16x512xf32, #tpu.memory_space<vmem>>, vector<16xf32>,
      %add3A_264 = arith.constant 240 : i32
      %add3A_265 = arith.addi %mul3A_189, %add3A_264 : i32
      %get3A_266 = arith.index_cast %select_n3A : i32 to index
      %get3A_267 = arith.index_cast %add3A_265 : i32 to index
      %get3A_268 = tpu.vector_load %arg5[%get3A_266, %get3A_267] {strides = array<i32>} : memref<16x512xf32, #tpu.memory_space<vmem>>, vector<16xf32>,
      %bitcast_convert_type3A = tpu.bitcast %get3A_193 : vector<16xf32> -> vector<16xi32>
      %shift_right_logical3A = arith.constant 16 : i32
      %shift_right_logical3A_269 = vector.broadcast %shift_right_logical3A : i32 to vector<16xi32>
      %shift_right_logical3A_270 = arith.shrui %bitcast_convert_type3A, %shift_right_logical3A_269 : vector<16xi32>
      %bitcast_convert_type3A_271 = tpu.bitcast %get3A_198 : vector<16xf32> -> vector<16xi32>
      %shift_right_logical3A_272 = arith.constant 16 : i32
      %shift_right_logical3A_273 = vector.broadcast %shift_right_logical3A_272 : i32 to vector<16xi32>
      %shift_right_logical3A_274 = arith.shrui %bitcast_convert_type3A_271, %shift_right_logical3A_273 : vector<16xi32>
      %bitcast_convert_type3A_275 = tpu.bitcast %get3A_203 : vector<16xf32> -> vector<16xi32>
      %shift_right_logical3A_276 = arith.constant 16 : i32
      %shift_right_logical3A_277 = vector.broadcast %shift_right_logical3A_276 : i32 to vector<16xi32>
      %shift_right_logical3A_278 = arith.shrui %bitcast_convert_type3A_275, %shift_right_logical3A_277 : vector<16xi32>
      %bitcast_convert_type3A_279 = tpu.bitcast %get3A_208 : vector<16xf32> -> vector<16xi32>
      %shift_right_logical3A_280 = arith.constant 16 : i32
      %shift_right_logical3A_281 = vector.broadcast %shift_right_logical3A_280 : i32 to vector<16xi32>
      %shift_right_logical3A_282 = arith.shrui %bitcast_convert_type3A_279, %shift_right_logical3A_281 : vector<16xi32>
      %bitcast_convert_type3A_283 = tpu.bitcast %get3A_213 : vector<16xf32> -> vector<16xi32>
      %shift_right_logical3A_284 = arith.constant 16 : i32
      %shift_right_logical3A_285 = vector.broadcast %shift_right_logical3A_284 : i32 to vector<16xi32>
      %shift_right_logical3A_286 = arith.shrui %bitcast_convert_type3A_283, %shift_right_logical3A_285 : vector<16xi32>
      %bitcast_convert_type3A_287 = tpu.bitcast %get3A_218 : vector<16xf32> -> vector<16xi32>
      %shift_right_logical3A_288 = arith.constant 16 : i32
      %shift_right_logical3A_289 = vector.broadcast %shift_right_logical3A_288 : i32 to vector<16xi32>
      %shift_right_logical3A_290 = arith.shrui %bitcast_convert_type3A_287, %shift_right_logical3A_289 : vector<16xi32>
      %bitcast_convert_type3A_291 = tpu.bitcast %get3A_223 : vector<16xf32> -> vector<16xi32>
      %shift_right_logical3A_292 = arith.constant 16 : i32
      %shift_right_logical3A_293 = vector.broadcast %shift_right_logical3A_292 : i32 to vector<16xi32>
      %shift_right_logical3A_294 = arith.shrui %bitcast_convert_type3A_291, %shift_right_logical3A_293 : vector<16xi32>
      %bitcast_convert_type3A_295 = tpu.bitcast %get3A_228 : vector<16xf32> -> vector<16xi32>
      %shift_right_logical3A_296 = arith.constant 16 : i32
      %shift_right_logical3A_297 = vector.broadcast %shift_right_logical3A_296 : i32 to vector<16xi32>
      %shift_right_logical3A_298 = arith.shrui %bitcast_convert_type3A_295, %shift_right_logical3A_297 : vector<16xi32>
      %bitcast_convert_type3A_299 = tpu.bitcast %get3A_233 : vector<16xf32> -> vector<16xi32>
      %shift_right_logical3A_300 = arith.constant 16 : i32
      %shift_right_logical3A_301 = vector.broadcast %shift_right_logical3A_300 : i32 to vector<16xi32>
      %shift_right_logical3A_302 = arith.shrui %bitcast_convert_type3A_299, %shift_right_logical3A_301 : vector<16xi32>
      %bitcast_convert_type3A_303 = tpu.bitcast %get3A_238 : vector<16xf32> -> vector<16xi32>
      %shift_right_logical3A_304 = arith.constant 16 : i32
      %shift_right_logical3A_305 = vector.broadcast %shift_right_logical3A_304 : i32 to vector<16xi32>
      %shift_right_logical3A_306 = arith.shrui %bitcast_convert_type3A_303, %shift_right_logical3A_305 : vector<16xi32>
      %bitcast_convert_type3A_307 = tpu.bitcast %get3A_243 : vector<16xf32> -> vector<16xi32>
      %shift_right_logical3A_308 = arith.constant 16 : i32
      %shift_right_logical3A_309 = vector.broadcast %shift_right_logical3A_308 : i32 to vector<16xi32>
      %shift_right_logical3A_310 = arith.shrui %bitcast_convert_type3A_307, %shift_right_logical3A_309 : vector<16xi32>
      %bitcast_convert_type3A_311 = tpu.bitcast %get3A_248 : vector<16xf32> -> vector<16xi32>
      %shift_right_logical3A_312 = arith.constant 16 : i32
      %shift_right_logical3A_313 = vector.broadcast %shift_right_logical3A_312 : i32 to vector<16xi32>
      %shift_right_logical3A_314 = arith.shrui %bitcast_convert_type3A_311, %shift_right_logical3A_313 : vector<16xi32>
      %bitcast_convert_type3A_315 = tpu.bitcast %get3A_253 : vector<16xf32> -> vector<16xi32>
      %shift_right_logical3A_316 = arith.constant 16 : i32
      %shift_right_logical3A_317 = vector.broadcast %shift_right_logical3A_316 : i32 to vector<16xi32>
      %shift_right_logical3A_318 = arith.shrui %bitcast_convert_type3A_315, %shift_right_logical3A_317 : vector<16xi32>
      %bitcast_convert_type3A_319 = tpu.bitcast %get3A_258 : vector<16xf32> -> vector<16xi32>
      %shift_right_logical3A_320 = arith.constant 16 : i32
      %shift_right_logical3A_321 = vector.broadcast %shift_right_logical3A_320 : i32 to vector<16xi32>
      %shift_right_logical3A_322 = arith.shrui %bitcast_convert_type3A_319, %shift_right_logical3A_321 : vector<16xi32>
      %bitcast_convert_type3A_323 = tpu.bitcast %get3A_263 : vector<16xf32> -> vector<16xi32>
      %shift_right_logical3A_324 = arith.constant 16 : i32
      %shift_right_logical3A_325 = vector.broadcast %shift_right_logical3A_324 : i32 to vector<16xi32>
      %shift_right_logical3A_326 = arith.shrui %bitcast_convert_type3A_323, %shift_right_logical3A_325 : vector<16xi32>
      %bitcast_convert_type3A_327 = tpu.bitcast %get3A_268 : vector<16xf32> -> vector<16xi32>
      %shift_right_logical3A_328 = arith.constant 16 : i32
      %shift_right_logical3A_329 = vector.broadcast %shift_right_logical3A_328 : i32 to vector<16xi32>
      %shift_right_logical3A_330 = arith.shrui %bitcast_convert_type3A_327, %shift_right_logical3A_329 : vector<16xi32>
      %shift_right_logical3A_331 = arith.constant 7 : i32
      %shift_right_logical3A_332 = vector.broadcast %shift_right_logical3A_331 : i32 to vector<16xi32>
      %shift_right_logical3A_333 = arith.shrui %shift_right_logical3A_270, %shift_right_logical3A_332 : vector<16xi32>
      %and3A_334 = arith.constant 127 : i32
      %and3A_335 = vector.broadcast %and3A_334 : i32 to vector<16xi32>
      %and3A_336 = arith.andi %shift_right_logical3A_270, %and3A_335 : vector<16xi32>
      tpu.vector_store_idx %arg6[%shift_right_logical3A_333, %and3A_336], %broadcast_in_dim3A_21 {add = true} : memref<256x128xi32, #tpu.memory_space<vmem>>[vector<16xi32>, vector<16xi32>], vector<16xi32>,
      %shift_right_logical3A_337 = arith.constant 7 : i32
      %shift_right_logical3A_338 = vector.broadcast %shift_right_logical3A_337 : i32 to vector<16xi32>
      %shift_right_logical3A_339 = arith.shrui %shift_right_logical3A_274, %shift_right_logical3A_338 : vector<16xi32>
      %and3A_340 = arith.constant 127 : i32
      %and3A_341 = vector.broadcast %and3A_340 : i32 to vector<16xi32>
      %and3A_342 = arith.andi %shift_right_logical3A_274, %and3A_341 : vector<16xi32>
      tpu.vector_store_idx %arg6[%shift_right_logical3A_339, %and3A_342], %broadcast_in_dim3A_21 {add = true} : memref<256x128xi32, #tpu.memory_space<vmem>>[vector<16xi32>, vector<16xi32>], vector<16xi32>,
      %shift_right_logical3A_343 = arith.constant 7 : i32
      %shift_right_logical3A_344 = vector.broadcast %shift_right_logical3A_343 : i32 to vector<16xi32>
      %shift_right_logical3A_345 = arith.shrui %shift_right_logical3A_278, %shift_right_logical3A_344 : vector<16xi32>
      %and3A_346 = arith.constant 127 : i32
      %and3A_347 = vector.broadcast %and3A_346 : i32 to vector<16xi32>
      %and3A_348 = arith.andi %shift_right_logical3A_278, %and3A_347 : vector<16xi32>
      tpu.vector_store_idx %arg6[%shift_right_logical3A_345, %and3A_348], %broadcast_in_dim3A_21 {add = true} : memref<256x128xi32, #tpu.memory_space<vmem>>[vector<16xi32>, vector<16xi32>], vector<16xi32>,
      %shift_right_logical3A_349 = arith.constant 7 : i32
      %shift_right_logical3A_350 = vector.broadcast %shift_right_logical3A_349 : i32 to vector<16xi32>
      %shift_right_logical3A_351 = arith.shrui %shift_right_logical3A_282, %shift_right_logical3A_350 : vector<16xi32>
      %and3A_352 = arith.constant 127 : i32
      %and3A_353 = vector.broadcast %and3A_352 : i32 to vector<16xi32>
      %and3A_354 = arith.andi %shift_right_logical3A_282, %and3A_353 : vector<16xi32>
      tpu.vector_store_idx %arg6[%shift_right_logical3A_351, %and3A_354], %broadcast_in_dim3A_21 {add = true} : memref<256x128xi32, #tpu.memory_space<vmem>>[vector<16xi32>, vector<16xi32>], vector<16xi32>,
      %shift_right_logical3A_355 = arith.constant 7 : i32
      %shift_right_logical3A_356 = vector.broadcast %shift_right_logical3A_355 : i32 to vector<16xi32>
      %shift_right_logical3A_357 = arith.shrui %shift_right_logical3A_286, %shift_right_logical3A_356 : vector<16xi32>
      %and3A_358 = arith.constant 127 : i32
      %and3A_359 = vector.broadcast %and3A_358 : i32 to vector<16xi32>
      %and3A_360 = arith.andi %shift_right_logical3A_286, %and3A_359 : vector<16xi32>
      tpu.vector_store_idx %arg6[%shift_right_logical3A_357, %and3A_360], %broadcast_in_dim3A_21 {add = true} : memref<256x128xi32, #tpu.memory_space<vmem>>[vector<16xi32>, vector<16xi32>], vector<16xi32>,
      %shift_right_logical3A_361 = arith.constant 7 : i32
      %shift_right_logical3A_362 = vector.broadcast %shift_right_logical3A_361 : i32 to vector<16xi32>
      %shift_right_logical3A_363 = arith.shrui %shift_right_logical3A_290, %shift_right_logical3A_362 : vector<16xi32>
      %and3A_364 = arith.constant 127 : i32
      %and3A_365 = vector.broadcast %and3A_364 : i32 to vector<16xi32>
      %and3A_366 = arith.andi %shift_right_logical3A_290, %and3A_365 : vector<16xi32>
      tpu.vector_store_idx %arg6[%shift_right_logical3A_363, %and3A_366], %broadcast_in_dim3A_21 {add = true} : memref<256x128xi32, #tpu.memory_space<vmem>>[vector<16xi32>, vector<16xi32>], vector<16xi32>,
      %shift_right_logical3A_367 = arith.constant 7 : i32
      %shift_right_logical3A_368 = vector.broadcast %shift_right_logical3A_367 : i32 to vector<16xi32>
      %shift_right_logical3A_369 = arith.shrui %shift_right_logical3A_294, %shift_right_logical3A_368 : vector<16xi32>
      %and3A_370 = arith.constant 127 : i32
      %and3A_371 = vector.broadcast %and3A_370 : i32 to vector<16xi32>
      %and3A_372 = arith.andi %shift_right_logical3A_294, %and3A_371 : vector<16xi32>
      tpu.vector_store_idx %arg6[%shift_right_logical3A_369, %and3A_372], %broadcast_in_dim3A_21 {add = true} : memref<256x128xi32, #tpu.memory_space<vmem>>[vector<16xi32>, vector<16xi32>], vector<16xi32>,
      %shift_right_logical3A_373 = arith.constant 7 : i32
      %shift_right_logical3A_374 = vector.broadcast %shift_right_logical3A_373 : i32 to vector<16xi32>
      %shift_right_logical3A_375 = arith.shrui %shift_right_logical3A_298, %shift_right_logical3A_374 : vector<16xi32>
      %and3A_376 = arith.constant 127 : i32
      %and3A_377 = vector.broadcast %and3A_376 : i32 to vector<16xi32>
      %and3A_378 = arith.andi %shift_right_logical3A_298, %and3A_377 : vector<16xi32>
      tpu.vector_store_idx %arg6[%shift_right_logical3A_375, %and3A_378], %broadcast_in_dim3A_21 {add = true} : memref<256x128xi32, #tpu.memory_space<vmem>>[vector<16xi32>, vector<16xi32>], vector<16xi32>,
      %shift_right_logical3A_379 = arith.constant 7 : i32
      %shift_right_logical3A_380 = vector.broadcast %shift_right_logical3A_379 : i32 to vector<16xi32>
      %shift_right_logical3A_381 = arith.shrui %shift_right_logical3A_302, %shift_right_logical3A_380 : vector<16xi32>
      %and3A_382 = arith.constant 127 : i32
      %and3A_383 = vector.broadcast %and3A_382 : i32 to vector<16xi32>
      %and3A_384 = arith.andi %shift_right_logical3A_302, %and3A_383 : vector<16xi32>
      tpu.vector_store_idx %arg6[%shift_right_logical3A_381, %and3A_384], %broadcast_in_dim3A_21 {add = true} : memref<256x128xi32, #tpu.memory_space<vmem>>[vector<16xi32>, vector<16xi32>], vector<16xi32>,
      %shift_right_logical3A_385 = arith.constant 7 : i32
      %shift_right_logical3A_386 = vector.broadcast %shift_right_logical3A_385 : i32 to vector<16xi32>
      %shift_right_logical3A_387 = arith.shrui %shift_right_logical3A_306, %shift_right_logical3A_386 : vector<16xi32>
      %and3A_388 = arith.constant 127 : i32
      %and3A_389 = vector.broadcast %and3A_388 : i32 to vector<16xi32>
      %and3A_390 = arith.andi %shift_right_logical3A_306, %and3A_389 : vector<16xi32>
      tpu.vector_store_idx %arg6[%shift_right_logical3A_387, %and3A_390], %broadcast_in_dim3A_21 {add = true} : memref<256x128xi32, #tpu.memory_space<vmem>>[vector<16xi32>, vector<16xi32>], vector<16xi32>,
      %shift_right_logical3A_391 = arith.constant 7 : i32
      %shift_right_logical3A_392 = vector.broadcast %shift_right_logical3A_391 : i32 to vector<16xi32>
      %shift_right_logical3A_393 = arith.shrui %shift_right_logical3A_310, %shift_right_logical3A_392 : vector<16xi32>
      %and3A_394 = arith.constant 127 : i32
      %and3A_395 = vector.broadcast %and3A_394 : i32 to vector<16xi32>
      %and3A_396 = arith.andi %shift_right_logical3A_310, %and3A_395 : vector<16xi32>
      tpu.vector_store_idx %arg6[%shift_right_logical3A_393, %and3A_396], %broadcast_in_dim3A_21 {add = true} : memref<256x128xi32, #tpu.memory_space<vmem>>[vector<16xi32>, vector<16xi32>], vector<16xi32>,
      %shift_right_logical3A_397 = arith.constant 7 : i32
      %shift_right_logical3A_398 = vector.broadcast %shift_right_logical3A_397 : i32 to vector<16xi32>
      %shift_right_logical3A_399 = arith.shrui %shift_right_logical3A_314, %shift_right_logical3A_398 : vector<16xi32>
      %and3A_400 = arith.constant 127 : i32
      %and3A_401 = vector.broadcast %and3A_400 : i32 to vector<16xi32>
      %and3A_402 = arith.andi %shift_right_logical3A_314, %and3A_401 : vector<16xi32>
      tpu.vector_store_idx %arg6[%shift_right_logical3A_399, %and3A_402], %broadcast_in_dim3A_21 {add = true} : memref<256x128xi32, #tpu.memory_space<vmem>>[vector<16xi32>, vector<16xi32>], vector<16xi32>,
      %shift_right_logical3A_403 = arith.constant 7 : i32
      %shift_right_logical3A_404 = vector.broadcast %shift_right_logical3A_403 : i32 to vector<16xi32>
      %shift_right_logical3A_405 = arith.shrui %shift_right_logical3A_318, %shift_right_logical3A_404 : vector<16xi32>
      %and3A_406 = arith.constant 127 : i32
      %and3A_407 = vector.broadcast %and3A_406 : i32 to vector<16xi32>
      %and3A_408 = arith.andi %shift_right_logical3A_318, %and3A_407 : vector<16xi32>
      tpu.vector_store_idx %arg6[%shift_right_logical3A_405, %and3A_408], %broadcast_in_dim3A_21 {add = true} : memref<256x128xi32, #tpu.memory_space<vmem>>[vector<16xi32>, vector<16xi32>], vector<16xi32>,
      %shift_right_logical3A_409 = arith.constant 7 : i32
      %shift_right_logical3A_410 = vector.broadcast %shift_right_logical3A_409 : i32 to vector<16xi32>
      %shift_right_logical3A_411 = arith.shrui %shift_right_logical3A_322, %shift_right_logical3A_410 : vector<16xi32>
      %and3A_412 = arith.constant 127 : i32
      %and3A_413 = vector.broadcast %and3A_412 : i32 to vector<16xi32>
      %and3A_414 = arith.andi %shift_right_logical3A_322, %and3A_413 : vector<16xi32>
      tpu.vector_store_idx %arg6[%shift_right_logical3A_411, %and3A_414], %broadcast_in_dim3A_21 {add = true} : memref<256x128xi32, #tpu.memory_space<vmem>>[vector<16xi32>, vector<16xi32>], vector<16xi32>,
      %shift_right_logical3A_415 = arith.constant 7 : i32
      %shift_right_logical3A_416 = vector.broadcast %shift_right_logical3A_415 : i32 to vector<16xi32>
      %shift_right_logical3A_417 = arith.shrui %shift_right_logical3A_326, %shift_right_logical3A_416 : vector<16xi32>
      %and3A_418 = arith.constant 127 : i32
      %and3A_419 = vector.broadcast %and3A_418 : i32 to vector<16xi32>
      %and3A_420 = arith.andi %shift_right_logical3A_326, %and3A_419 : vector<16xi32>
      tpu.vector_store_idx %arg6[%shift_right_logical3A_417, %and3A_420], %broadcast_in_dim3A_21 {add = true} : memref<256x128xi32, #tpu.memory_space<vmem>>[vector<16xi32>, vector<16xi32>], vector<16xi32>,
      %shift_right_logical3A_421 = arith.constant 7 : i32
      %shift_right_logical3A_422 = vector.broadcast %shift_right_logical3A_421 : i32 to vector<16xi32>
      %shift_right_logical3A_423 = arith.shrui %shift_right_logical3A_330, %shift_right_logical3A_422 : vector<16xi32>
      %and3A_424 = arith.constant 127 : i32
      %and3A_425 = vector.broadcast %and3A_424 : i32 to vector<16xi32>
      %and3A_426 = arith.andi %shift_right_logical3A_330, %and3A_425 : vector<16xi32>
      tpu.vector_store_idx %arg6[%shift_right_logical3A_423, %and3A_426], %broadcast_in_dim3A_21 {add = true} : memref<256x128xi32, #tpu.memory_space<vmem>>[vector<16xi32>, vector<16xi32>], vector<16xi32>,
    }
    %scan3A_128 = arith.constant 32 : i32
    %add3A_129 = arith.constant 96 : i32
    %add3A_130 = arith.addi %mul3A_2, %add3A_129 : i32
    %dma_wait3A_131 = arith.constant 0 : i32
    %dma_wait3A_132 = tpu.memref_slice %arg2[%add3A_130, %dma_wait3A_131] : memref<4096x512xf32, #tpu.memory_space<hbm>> -> memref<16x512xf32, #tpu.memory_space<hbm>>
    %dma_wait3A_133 = arith.constant 0 : i32
    %dma_wait3A_134 = tpu.memref_slice %arg2[%add3A_130, %dma_wait3A_133] : memref<4096x512xf32, #tpu.memory_space<hbm>> -> memref<16x512xf32, #tpu.memory_space<hbm>>
    tpu.wait_dma2 semaphore(%arg7 : memref<!tpu.dma_semaphore, #tpu.memory_space<semaphore_mem>>) src(%dma_wait3A_134 : memref<16x512xf32, #tpu.memory_space<hbm>>) dst(%arg4 : memref<16x512xf32, #tpu.memory_space<vmem>>)
    %scan3A_135 = arith.constant 0 : i32
    %scan3A_136 = arith.constant 0 : i32
    %scan3A_137 = arith.constant 32 : i32
    %scan3A_138 = arith.addi %scan3A_136, %scan3A_137 : i32
    %scan3A_139 = arith.constant 1 : i32
    scf.for %scan3A_153 = %scan3A_136 to %scan3A_138 step %scan3A_139  : i32 {
      %mul3A_154 = arith.constant 16 : i32
      %mul3A_155 = arith.muli %scan3A_153, %mul3A_154 : i32
      %jit3A = arith.constant 32 : i32
      %div3A = arith.divsi %mul3A_155, %jit3A : i32
      %sign3A = arith.constant 0 : i32
      %sign3A_156 = arith.cmpi sgt, %mul3A_155, %sign3A : i32
      %sign3A_157 = arith.extui %sign3A_156 : i1 to i32
      %sign3A_158 = arith.constant 0 : i32
      %sign3A_159 = arith.cmpi slt, %mul3A_155, %sign3A_158 : i32
      %sign3A_160 = arith.extui %sign3A_159 : i1 to i32
      %sign3A_161 = arith.subi %sign3A_157, %sign3A_160 : i32
      %sign3A_162 = arith.constant 0 : i32
      %sign3A_163 = arith.cmpi sgt, %jit3A, %sign3A_162 : i32
      %sign3A_164 = arith.extui %sign3A_163 : i1 to i32
      %sign3A_165 = arith.constant 0 : i32
      %sign3A_166 = arith.cmpi slt, %jit3A, %sign3A_165 : i32
      %sign3A_167 = arith.extui %sign3A_166 : i1 to i32
      %sign3A_168 = arith.subi %sign3A_164, %sign3A_167 : i32
      %ne3A = arith.cmpi ne, %sign3A_161, %sign3A_168 : i32
      %rem3A = arith.remsi %mul3A_155, %jit3A : i32
      %ne3A_169 = arith.constant 0 : i32
      %ne3A_170 = arith.cmpi ne, %rem3A, %ne3A_169 : i32
      %and3A = arith.andi %ne3A, %ne3A_170 : i1
      %sub3A = arith.constant 1 : i32
      %sub3A_171 = arith.subi %div3A, %sub3A : i32
      %select_n3A = arith.select %and3A, %sub3A_171, %div3A : i32
      %mul3A_172 = arith.constant 16 : i32
      %mul3A_173 = arith.muli %scan3A_153, %mul3A_172 : i32
      %jit3A_174 = arith.constant 32 : i32
      %eq3A = arith.constant 0 : i32
      %eq3A_175 = arith.cmpi eq, %jit3A_174, %eq3A : i32
      %jit3A_176 = arith.constant 1 : i32
      %select_n3A_177 = arith.select %eq3A_175, %jit3A_176, %jit3A_174 : i32
      %rem3A_178 = arith.remsi %mul3A_173, %select_n3A_177 : i32
      %ne3A_179 = arith.constant 0 : i32
      %ne3A_180 = arith.cmpi ne, %rem3A_178, %ne3A_179 : i32
      %lt3A = arith.constant 0 : i32
      %lt3A_181 = arith.cmpi slt, %rem3A_178, %lt3A : i32
      %lt3A_182 = arith.constant 0 : i32
      %lt3A_183 = arith.cmpi slt, %select_n3A_177, %lt3A_182 : i32
      %ne3A_184 = arith.xori %lt3A_181, %lt3A_183 : i1
      %and3A_185 = arith.andi %ne3A_184, %ne3A_180 : i1
      %add3A_186 = arith.addi %rem3A_178, %select_n3A_177 : i32
      %select_n3A_187 = arith.select %and3A_185, %add3A_186, %rem3A_178 : i32
      %mul3A_188 = arith.constant 16 : i32
      %mul3A_189 = arith.muli %select_n3A_187, %mul3A_188 : i32
      %add3A_190 = arith.constant 0 : i32
      %add3A_191 = arith.addi %mul3A_189, %add3A_190 : i32
      %get3A = arith.index_cast %select_n3A : i32 to index
      %get3A_192 = arith.index_cast %add3A_191 : i32 to index
      %get3A_193 = tpu.vector_load %arg4[%get3A, %get3A_192] {strides = array<i32>} : memref<16x512xf32, #tpu.memory_space<vmem>>, vector<16xf32>,
      %add3A_194 = arith.constant 16 : i32
      %add3A_195 = arith.addi %mul3A_189, %add3A_194 : i32
      %get3A_196 = arith.index_cast %select_n3A : i32 to index
      %get3A_197 = arith.index_cast %add3A_195 : i32 to index
      %get3A_198 = tpu.vector_load %arg4[%get3A_196, %get3A_197] {strides = array<i32>} : memref<16x512xf32, #tpu.memory_space<vmem>>, vector<16xf32>,
      %add3A_199 = arith.constant 32 : i32
      %add3A_200 = arith.addi %mul3A_189, %add3A_199 : i32
      %get3A_201 = arith.index_cast %select_n3A : i32 to index
      %get3A_202 = arith.index_cast %add3A_200 : i32 to index
      %get3A_203 = tpu.vector_load %arg4[%get3A_201, %get3A_202] {strides = array<i32>} : memref<16x512xf32, #tpu.memory_space<vmem>>, vector<16xf32>,
      %add3A_204 = arith.constant 48 : i32
      %add3A_205 = arith.addi %mul3A_189, %add3A_204 : i32
      %get3A_206 = arith.index_cast %select_n3A : i32 to index
      %get3A_207 = arith.index_cast %add3A_205 : i32 to index
      %get3A_208 = tpu.vector_load %arg4[%get3A_206, %get3A_207] {strides = array<i32>} : memref<16x512xf32, #tpu.memory_space<vmem>>, vector<16xf32>,
      %add3A_209 = arith.constant 64 : i32
      %add3A_210 = arith.addi %mul3A_189, %add3A_209 : i32
      %get3A_211 = arith.index_cast %select_n3A : i32 to index
      %get3A_212 = arith.index_cast %add3A_210 : i32 to index
      %get3A_213 = tpu.vector_load %arg4[%get3A_211, %get3A_212] {strides = array<i32>} : memref<16x512xf32, #tpu.memory_space<vmem>>, vector<16xf32>,
      %add3A_214 = arith.constant 80 : i32
      %add3A_215 = arith.addi %mul3A_189, %add3A_214 : i32
      %get3A_216 = arith.index_cast %select_n3A : i32 to index
      %get3A_217 = arith.index_cast %add3A_215 : i32 to index
      %get3A_218 = tpu.vector_load %arg4[%get3A_216, %get3A_217] {strides = array<i32>} : memref<16x512xf32, #tpu.memory_space<vmem>>, vector<16xf32>,
      %add3A_219 = arith.constant 96 : i32
      %add3A_220 = arith.addi %mul3A_189, %add3A_219 : i32
      %get3A_221 = arith.index_cast %select_n3A : i32 to index
      %get3A_222 = arith.index_cast %add3A_220 : i32 to index
      %get3A_223 = tpu.vector_load %arg4[%get3A_221, %get3A_222] {strides = array<i32>} : memref<16x512xf32, #tpu.memory_space<vmem>>, vector<16xf32>,
      %add3A_224 = arith.constant 112 : i32
      %add3A_225 = arith.addi %mul3A_189, %add3A_224 : i32
      %get3A_226 = arith.index_cast %select_n3A : i32 to index
      %get3A_227 = arith.index_cast %add3A_225 : i32 to index
      %get3A_228 = tpu.vector_load %arg4[%get3A_226, %get3A_227] {strides = array<i32>} : memref<16x512xf32, #tpu.memory_space<vmem>>, vector<16xf32>,
      %add3A_229 = arith.constant 128 : i32
      %add3A_230 = arith.addi %mul3A_189, %add3A_229 : i32
      %get3A_231 = arith.index_cast %select_n3A : i32 to index
      %get3A_232 = arith.index_cast %add3A_230 : i32 to index
      %get3A_233 = tpu.vector_load %arg4[%get3A_231, %get3A_232] {strides = array<i32>} : memref<16x512xf32, #tpu.memory_space<vmem>>, vector<16xf32>,
      %add3A_234 = arith.constant 144 : i32
      %add3A_235 = arith.addi %mul3A_189, %add3A_234 : i32
      %get3A_236 = arith.index_cast %select_n3A : i32 to index
      %get3A_237 = arith.index_cast %add3A_235 : i32 to index
      %get3A_238 = tpu.vector_load %arg4[%get3A_236, %get3A_237] {strides = array<i32>} : memref<16x512xf32, #tpu.memory_space<vmem>>, vector<16xf32>,
      %add3A_239 = arith.constant 160 : i32
      %add3A_240 = arith.addi %mul3A_189, %add3A_239 : i32
      %get3A_241 = arith.index_cast %select_n3A : i32 to index
      %get3A_242 = arith.index_cast %add3A_240 : i32 to index
      %get3A_243 = tpu.vector_load %arg4[%get3A_241, %get3A_242] {strides = array<i32>} : memref<16x512xf32, #tpu.memory_space<vmem>>, vector<16xf32>,
      %add3A_244 = arith.constant 176 : i32
      %add3A_245 = arith.addi %mul3A_189, %add3A_244 : i32
      %get3A_246 = arith.index_cast %select_n3A : i32 to index
      %get3A_247 = arith.index_cast %add3A_245 : i32 to index
      %get3A_248 = tpu.vector_load %arg4[%get3A_246, %get3A_247] {strides = array<i32>} : memref<16x512xf32, #tpu.memory_space<vmem>>, vector<16xf32>,
      %add3A_249 = arith.constant 192 : i32
      %add3A_250 = arith.addi %mul3A_189, %add3A_249 : i32
      %get3A_251 = arith.index_cast %select_n3A : i32 to index
      %get3A_252 = arith.index_cast %add3A_250 : i32 to index
      %get3A_253 = tpu.vector_load %arg4[%get3A_251, %get3A_252] {strides = array<i32>} : memref<16x512xf32, #tpu.memory_space<vmem>>, vector<16xf32>,
      %add3A_254 = arith.constant 208 : i32
      %add3A_255 = arith.addi %mul3A_189, %add3A_254 : i32
      %get3A_256 = arith.index_cast %select_n3A : i32 to index
      %get3A_257 = arith.index_cast %add3A_255 : i32 to index
      %get3A_258 = tpu.vector_load %arg4[%get3A_256, %get3A_257] {strides = array<i32>} : memref<16x512xf32, #tpu.memory_space<vmem>>, vector<16xf32>,
      %add3A_259 = arith.constant 224 : i32
      %add3A_260 = arith.addi %mul3A_189, %add3A_259 : i32
      %get3A_261 = arith.index_cast %select_n3A : i32 to index
      %get3A_262 = arith.index_cast %add3A_260 : i32 to index
      %get3A_263 = tpu.vector_load %arg4[%get3A_261, %get3A_262] {strides = array<i32>} : memref<16x512xf32, #tpu.memory_space<vmem>>, vector<16xf32>,
      %add3A_264 = arith.constant 240 : i32
      %add3A_265 = arith.addi %mul3A_189, %add3A_264 : i32
      %get3A_266 = arith.index_cast %select_n3A : i32 to index
      %get3A_267 = arith.index_cast %add3A_265 : i32 to index
      %get3A_268 = tpu.vector_load %arg4[%get3A_266, %get3A_267] {strides = array<i32>} : memref<16x512xf32, #tpu.memory_space<vmem>>, vector<16xf32>,
      %bitcast_convert_type3A = tpu.bitcast %get3A_193 : vector<16xf32> -> vector<16xi32>
      %shift_right_logical3A = arith.constant 16 : i32
      %shift_right_logical3A_269 = vector.broadcast %shift_right_logical3A : i32 to vector<16xi32>
      %shift_right_logical3A_270 = arith.shrui %bitcast_convert_type3A, %shift_right_logical3A_269 : vector<16xi32>
      %bitcast_convert_type3A_271 = tpu.bitcast %get3A_198 : vector<16xf32> -> vector<16xi32>
      %shift_right_logical3A_272 = arith.constant 16 : i32
      %shift_right_logical3A_273 = vector.broadcast %shift_right_logical3A_272 : i32 to vector<16xi32>
      %shift_right_logical3A_274 = arith.shrui %bitcast_convert_type3A_271, %shift_right_logical3A_273 : vector<16xi32>
      %bitcast_convert_type3A_275 = tpu.bitcast %get3A_203 : vector<16xf32> -> vector<16xi32>
      %shift_right_logical3A_276 = arith.constant 16 : i32
      %shift_right_logical3A_277 = vector.broadcast %shift_right_logical3A_276 : i32 to vector<16xi32>
      %shift_right_logical3A_278 = arith.shrui %bitcast_convert_type3A_275, %shift_right_logical3A_277 : vector<16xi32>
      %bitcast_convert_type3A_279 = tpu.bitcast %get3A_208 : vector<16xf32> -> vector<16xi32>
      %shift_right_logical3A_280 = arith.constant 16 : i32
      %shift_right_logical3A_281 = vector.broadcast %shift_right_logical3A_280 : i32 to vector<16xi32>
      %shift_right_logical3A_282 = arith.shrui %bitcast_convert_type3A_279, %shift_right_logical3A_281 : vector<16xi32>
      %bitcast_convert_type3A_283 = tpu.bitcast %get3A_213 : vector<16xf32> -> vector<16xi32>
      %shift_right_logical3A_284 = arith.constant 16 : i32
      %shift_right_logical3A_285 = vector.broadcast %shift_right_logical3A_284 : i32 to vector<16xi32>
      %shift_right_logical3A_286 = arith.shrui %bitcast_convert_type3A_283, %shift_right_logical3A_285 : vector<16xi32>
      %bitcast_convert_type3A_287 = tpu.bitcast %get3A_218 : vector<16xf32> -> vector<16xi32>
      %shift_right_logical3A_288 = arith.constant 16 : i32
      %shift_right_logical3A_289 = vector.broadcast %shift_right_logical3A_288 : i32 to vector<16xi32>
      %shift_right_logical3A_290 = arith.shrui %bitcast_convert_type3A_287, %shift_right_logical3A_289 : vector<16xi32>
      %bitcast_convert_type3A_291 = tpu.bitcast %get3A_223 : vector<16xf32> -> vector<16xi32>
      %shift_right_logical3A_292 = arith.constant 16 : i32
      %shift_right_logical3A_293 = vector.broadcast %shift_right_logical3A_292 : i32 to vector<16xi32>
      %shift_right_logical3A_294 = arith.shrui %bitcast_convert_type3A_291, %shift_right_logical3A_293 : vector<16xi32>
      %bitcast_convert_type3A_295 = tpu.bitcast %get3A_228 : vector<16xf32> -> vector<16xi32>
      %shift_right_logical3A_296 = arith.constant 16 : i32
      %shift_right_logical3A_297 = vector.broadcast %shift_right_logical3A_296 : i32 to vector<16xi32>
      %shift_right_logical3A_298 = arith.shrui %bitcast_convert_type3A_295, %shift_right_logical3A_297 : vector<16xi32>
      %bitcast_convert_type3A_299 = tpu.bitcast %get3A_233 : vector<16xf32> -> vector<16xi32>
      %shift_right_logical3A_300 = arith.constant 16 : i32
      %shift_right_logical3A_301 = vector.broadcast %shift_right_logical3A_300 : i32 to vector<16xi32>
      %shift_right_logical3A_302 = arith.shrui %bitcast_convert_type3A_299, %shift_right_logical3A_301 : vector<16xi32>
      %bitcast_convert_type3A_303 = tpu.bitcast %get3A_238 : vector<16xf32> -> vector<16xi32>
      %shift_right_logical3A_304 = arith.constant 16 : i32
      %shift_right_logical3A_305 = vector.broadcast %shift_right_logical3A_304 : i32 to vector<16xi32>
      %shift_right_logical3A_306 = arith.shrui %bitcast_convert_type3A_303, %shift_right_logical3A_305 : vector<16xi32>
      %bitcast_convert_type3A_307 = tpu.bitcast %get3A_243 : vector<16xf32> -> vector<16xi32>
      %shift_right_logical3A_308 = arith.constant 16 : i32
      %shift_right_logical3A_309 = vector.broadcast %shift_right_logical3A_308 : i32 to vector<16xi32>
      %shift_right_logical3A_310 = arith.shrui %bitcast_convert_type3A_307, %shift_right_logical3A_309 : vector<16xi32>
      %bitcast_convert_type3A_311 = tpu.bitcast %get3A_248 : vector<16xf32> -> vector<16xi32>
      %shift_right_logical3A_312 = arith.constant 16 : i32
      %shift_right_logical3A_313 = vector.broadcast %shift_right_logical3A_312 : i32 to vector<16xi32>
      %shift_right_logical3A_314 = arith.shrui %bitcast_convert_type3A_311, %shift_right_logical3A_313 : vector<16xi32>
      %bitcast_convert_type3A_315 = tpu.bitcast %get3A_253 : vector<16xf32> -> vector<16xi32>
      %shift_right_logical3A_316 = arith.constant 16 : i32
      %shift_right_logical3A_317 = vector.broadcast %shift_right_logical3A_316 : i32 to vector<16xi32>
      %shift_right_logical3A_318 = arith.shrui %bitcast_convert_type3A_315, %shift_right_logical3A_317 : vector<16xi32>
      %bitcast_convert_type3A_319 = tpu.bitcast %get3A_258 : vector<16xf32> -> vector<16xi32>
      %shift_right_logical3A_320 = arith.constant 16 : i32
      %shift_right_logical3A_321 = vector.broadcast %shift_right_logical3A_320 : i32 to vector<16xi32>
      %shift_right_logical3A_322 = arith.shrui %bitcast_convert_type3A_319, %shift_right_logical3A_321 : vector<16xi32>
      %bitcast_convert_type3A_323 = tpu.bitcast %get3A_263 : vector<16xf32> -> vector<16xi32>
      %shift_right_logical3A_324 = arith.constant 16 : i32
      %shift_right_logical3A_325 = vector.broadcast %shift_right_logical3A_324 : i32 to vector<16xi32>
      %shift_right_logical3A_326 = arith.shrui %bitcast_convert_type3A_323, %shift_right_logical3A_325 : vector<16xi32>
      %bitcast_convert_type3A_327 = tpu.bitcast %get3A_268 : vector<16xf32> -> vector<16xi32>
      %shift_right_logical3A_328 = arith.constant 16 : i32
      %shift_right_logical3A_329 = vector.broadcast %shift_right_logical3A_328 : i32 to vector<16xi32>
      %shift_right_logical3A_330 = arith.shrui %bitcast_convert_type3A_327, %shift_right_logical3A_329 : vector<16xi32>
      %shift_right_logical3A_331 = arith.constant 7 : i32
      %shift_right_logical3A_332 = vector.broadcast %shift_right_logical3A_331 : i32 to vector<16xi32>
      %shift_right_logical3A_333 = arith.shrui %shift_right_logical3A_270, %shift_right_logical3A_332 : vector<16xi32>
      %and3A_334 = arith.constant 127 : i32
      %and3A_335 = vector.broadcast %and3A_334 : i32 to vector<16xi32>
      %and3A_336 = arith.andi %shift_right_logical3A_270, %and3A_335 : vector<16xi32>
      tpu.vector_store_idx %arg6[%shift_right_logical3A_333, %and3A_336], %broadcast_in_dim3A_21 {add = true} : memref<256x128xi32, #tpu.memory_space<vmem>>[vector<16xi32>, vector<16xi32>], vector<16xi32>,
      %shift_right_logical3A_337 = arith.constant 7 : i32
      %shift_right_logical3A_338 = vector.broadcast %shift_right_logical3A_337 : i32 to vector<16xi32>
      %shift_right_logical3A_339 = arith.shrui %shift_right_logical3A_274, %shift_right_logical3A_338 : vector<16xi32>
      %and3A_340 = arith.constant 127 : i32
      %and3A_341 = vector.broadcast %and3A_340 : i32 to vector<16xi32>
      %and3A_342 = arith.andi %shift_right_logical3A_274, %and3A_341 : vector<16xi32>
      tpu.vector_store_idx %arg6[%shift_right_logical3A_339, %and3A_342], %broadcast_in_dim3A_21 {add = true} : memref<256x128xi32, #tpu.memory_space<vmem>>[vector<16xi32>, vector<16xi32>], vector<16xi32>,
      %shift_right_logical3A_343 = arith.constant 7 : i32
      %shift_right_logical3A_344 = vector.broadcast %shift_right_logical3A_343 : i32 to vector<16xi32>
      %shift_right_logical3A_345 = arith.shrui %shift_right_logical3A_278, %shift_right_logical3A_344 : vector<16xi32>
      %and3A_346 = arith.constant 127 : i32
      %and3A_347 = vector.broadcast %and3A_346 : i32 to vector<16xi32>
      %and3A_348 = arith.andi %shift_right_logical3A_278, %and3A_347 : vector<16xi32>
      tpu.vector_store_idx %arg6[%shift_right_logical3A_345, %and3A_348], %broadcast_in_dim3A_21 {add = true} : memref<256x128xi32, #tpu.memory_space<vmem>>[vector<16xi32>, vector<16xi32>], vector<16xi32>,
      %shift_right_logical3A_349 = arith.constant 7 : i32
      %shift_right_logical3A_350 = vector.broadcast %shift_right_logical3A_349 : i32 to vector<16xi32>
      %shift_right_logical3A_351 = arith.shrui %shift_right_logical3A_282, %shift_right_logical3A_350 : vector<16xi32>
      %and3A_352 = arith.constant 127 : i32
      %and3A_353 = vector.broadcast %and3A_352 : i32 to vector<16xi32>
      %and3A_354 = arith.andi %shift_right_logical3A_282, %and3A_353 : vector<16xi32>
      tpu.vector_store_idx %arg6[%shift_right_logical3A_351, %and3A_354], %broadcast_in_dim3A_21 {add = true} : memref<256x128xi32, #tpu.memory_space<vmem>>[vector<16xi32>, vector<16xi32>], vector<16xi32>,
      %shift_right_logical3A_355 = arith.constant 7 : i32
      %shift_right_logical3A_356 = vector.broadcast %shift_right_logical3A_355 : i32 to vector<16xi32>
      %shift_right_logical3A_357 = arith.shrui %shift_right_logical3A_286, %shift_right_logical3A_356 : vector<16xi32>
      %and3A_358 = arith.constant 127 : i32
      %and3A_359 = vector.broadcast %and3A_358 : i32 to vector<16xi32>
      %and3A_360 = arith.andi %shift_right_logical3A_286, %and3A_359 : vector<16xi32>
      tpu.vector_store_idx %arg6[%shift_right_logical3A_357, %and3A_360], %broadcast_in_dim3A_21 {add = true} : memref<256x128xi32, #tpu.memory_space<vmem>>[vector<16xi32>, vector<16xi32>], vector<16xi32>,
      %shift_right_logical3A_361 = arith.constant 7 : i32
      %shift_right_logical3A_362 = vector.broadcast %shift_right_logical3A_361 : i32 to vector<16xi32>
      %shift_right_logical3A_363 = arith.shrui %shift_right_logical3A_290, %shift_right_logical3A_362 : vector<16xi32>
      %and3A_364 = arith.constant 127 : i32
      %and3A_365 = vector.broadcast %and3A_364 : i32 to vector<16xi32>
      %and3A_366 = arith.andi %shift_right_logical3A_290, %and3A_365 : vector<16xi32>
      tpu.vector_store_idx %arg6[%shift_right_logical3A_363, %and3A_366], %broadcast_in_dim3A_21 {add = true} : memref<256x128xi32, #tpu.memory_space<vmem>>[vector<16xi32>, vector<16xi32>], vector<16xi32>,
      %shift_right_logical3A_367 = arith.constant 7 : i32
      %shift_right_logical3A_368 = vector.broadcast %shift_right_logical3A_367 : i32 to vector<16xi32>
      %shift_right_logical3A_369 = arith.shrui %shift_right_logical3A_294, %shift_right_logical3A_368 : vector<16xi32>
      %and3A_370 = arith.constant 127 : i32
      %and3A_371 = vector.broadcast %and3A_370 : i32 to vector<16xi32>
      %and3A_372 = arith.andi %shift_right_logical3A_294, %and3A_371 : vector<16xi32>
      tpu.vector_store_idx %arg6[%shift_right_logical3A_369, %and3A_372], %broadcast_in_dim3A_21 {add = true} : memref<256x128xi32, #tpu.memory_space<vmem>>[vector<16xi32>, vector<16xi32>], vector<16xi32>,
      %shift_right_logical3A_373 = arith.constant 7 : i32
      %shift_right_logical3A_374 = vector.broadcast %shift_right_logical3A_373 : i32 to vector<16xi32>
      %shift_right_logical3A_375 = arith.shrui %shift_right_logical3A_298, %shift_right_logical3A_374 : vector<16xi32>
      %and3A_376 = arith.constant 127 : i32
      %and3A_377 = vector.broadcast %and3A_376 : i32 to vector<16xi32>
      %and3A_378 = arith.andi %shift_right_logical3A_298, %and3A_377 : vector<16xi32>
      tpu.vector_store_idx %arg6[%shift_right_logical3A_375, %and3A_378], %broadcast_in_dim3A_21 {add = true} : memref<256x128xi32, #tpu.memory_space<vmem>>[vector<16xi32>, vector<16xi32>], vector<16xi32>,
      %shift_right_logical3A_379 = arith.constant 7 : i32
      %shift_right_logical3A_380 = vector.broadcast %shift_right_logical3A_379 : i32 to vector<16xi32>
      %shift_right_logical3A_381 = arith.shrui %shift_right_logical3A_302, %shift_right_logical3A_380 : vector<16xi32>
      %and3A_382 = arith.constant 127 : i32
      %and3A_383 = vector.broadcast %and3A_382 : i32 to vector<16xi32>
      %and3A_384 = arith.andi %shift_right_logical3A_302, %and3A_383 : vector<16xi32>
      tpu.vector_store_idx %arg6[%shift_right_logical3A_381, %and3A_384], %broadcast_in_dim3A_21 {add = true} : memref<256x128xi32, #tpu.memory_space<vmem>>[vector<16xi32>, vector<16xi32>], vector<16xi32>,
      %shift_right_logical3A_385 = arith.constant 7 : i32
      %shift_right_logical3A_386 = vector.broadcast %shift_right_logical3A_385 : i32 to vector<16xi32>
      %shift_right_logical3A_387 = arith.shrui %shift_right_logical3A_306, %shift_right_logical3A_386 : vector<16xi32>
      %and3A_388 = arith.constant 127 : i32
      %and3A_389 = vector.broadcast %and3A_388 : i32 to vector<16xi32>
      %and3A_390 = arith.andi %shift_right_logical3A_306, %and3A_389 : vector<16xi32>
      tpu.vector_store_idx %arg6[%shift_right_logical3A_387, %and3A_390], %broadcast_in_dim3A_21 {add = true} : memref<256x128xi32, #tpu.memory_space<vmem>>[vector<16xi32>, vector<16xi32>], vector<16xi32>,
      %shift_right_logical3A_391 = arith.constant 7 : i32
      %shift_right_logical3A_392 = vector.broadcast %shift_right_logical3A_391 : i32 to vector<16xi32>
      %shift_right_logical3A_393 = arith.shrui %shift_right_logical3A_310, %shift_right_logical3A_392 : vector<16xi32>
      %and3A_394 = arith.constant 127 : i32
      %and3A_395 = vector.broadcast %and3A_394 : i32 to vector<16xi32>
      %and3A_396 = arith.andi %shift_right_logical3A_310, %and3A_395 : vector<16xi32>
      tpu.vector_store_idx %arg6[%shift_right_logical3A_393, %and3A_396], %broadcast_in_dim3A_21 {add = true} : memref<256x128xi32, #tpu.memory_space<vmem>>[vector<16xi32>, vector<16xi32>], vector<16xi32>,
      %shift_right_logical3A_397 = arith.constant 7 : i32
      %shift_right_logical3A_398 = vector.broadcast %shift_right_logical3A_397 : i32 to vector<16xi32>
      %shift_right_logical3A_399 = arith.shrui %shift_right_logical3A_314, %shift_right_logical3A_398 : vector<16xi32>
      %and3A_400 = arith.constant 127 : i32
      %and3A_401 = vector.broadcast %and3A_400 : i32 to vector<16xi32>
      %and3A_402 = arith.andi %shift_right_logical3A_314, %and3A_401 : vector<16xi32>
      tpu.vector_store_idx %arg6[%shift_right_logical3A_399, %and3A_402], %broadcast_in_dim3A_21 {add = true} : memref<256x128xi32, #tpu.memory_space<vmem>>[vector<16xi32>, vector<16xi32>], vector<16xi32>,
      %shift_right_logical3A_403 = arith.constant 7 : i32
      %shift_right_logical3A_404 = vector.broadcast %shift_right_logical3A_403 : i32 to vector<16xi32>
      %shift_right_logical3A_405 = arith.shrui %shift_right_logical3A_318, %shift_right_logical3A_404 : vector<16xi32>
      %and3A_406 = arith.constant 127 : i32
      %and3A_407 = vector.broadcast %and3A_406 : i32 to vector<16xi32>
      %and3A_408 = arith.andi %shift_right_logical3A_318, %and3A_407 : vector<16xi32>
      tpu.vector_store_idx %arg6[%shift_right_logical3A_405, %and3A_408], %broadcast_in_dim3A_21 {add = true} : memref<256x128xi32, #tpu.memory_space<vmem>>[vector<16xi32>, vector<16xi32>], vector<16xi32>,
      %shift_right_logical3A_409 = arith.constant 7 : i32
      %shift_right_logical3A_410 = vector.broadcast %shift_right_logical3A_409 : i32 to vector<16xi32>
      %shift_right_logical3A_411 = arith.shrui %shift_right_logical3A_322, %shift_right_logical3A_410 : vector<16xi32>
      %and3A_412 = arith.constant 127 : i32
      %and3A_413 = vector.broadcast %and3A_412 : i32 to vector<16xi32>
      %and3A_414 = arith.andi %shift_right_logical3A_322, %and3A_413 : vector<16xi32>
      tpu.vector_store_idx %arg6[%shift_right_logical3A_411, %and3A_414], %broadcast_in_dim3A_21 {add = true} : memref<256x128xi32, #tpu.memory_space<vmem>>[vector<16xi32>, vector<16xi32>], vector<16xi32>,
      %shift_right_logical3A_415 = arith.constant 7 : i32
      %shift_right_logical3A_416 = vector.broadcast %shift_right_logical3A_415 : i32 to vector<16xi32>
      %shift_right_logical3A_417 = arith.shrui %shift_right_logical3A_326, %shift_right_logical3A_416 : vector<16xi32>
      %and3A_418 = arith.constant 127 : i32
      %and3A_419 = vector.broadcast %and3A_418 : i32 to vector<16xi32>
      %and3A_420 = arith.andi %shift_right_logical3A_326, %and3A_419 : vector<16xi32>
      tpu.vector_store_idx %arg6[%shift_right_logical3A_417, %and3A_420], %broadcast_in_dim3A_21 {add = true} : memref<256x128xi32, #tpu.memory_space<vmem>>[vector<16xi32>, vector<16xi32>], vector<16xi32>,
      %shift_right_logical3A_421 = arith.constant 7 : i32
      %shift_right_logical3A_422 = vector.broadcast %shift_right_logical3A_421 : i32 to vector<16xi32>
      %shift_right_logical3A_423 = arith.shrui %shift_right_logical3A_330, %shift_right_logical3A_422 : vector<16xi32>
      %and3A_424 = arith.constant 127 : i32
      %and3A_425 = vector.broadcast %and3A_424 : i32 to vector<16xi32>
      %and3A_426 = arith.andi %shift_right_logical3A_330, %and3A_425 : vector<16xi32>
      tpu.vector_store_idx %arg6[%shift_right_logical3A_423, %and3A_426], %broadcast_in_dim3A_21 {add = true} : memref<256x128xi32, #tpu.memory_space<vmem>>[vector<16xi32>, vector<16xi32>], vector<16xi32>,
    }
    %scan3A_140 = arith.constant 32 : i32
    %add3A_141 = arith.constant 112 : i32
    %add3A_142 = arith.addi %mul3A_2, %add3A_141 : i32
    %dma_wait3A_143 = arith.constant 0 : i32
    %dma_wait3A_144 = tpu.memref_slice %arg2[%add3A_142, %dma_wait3A_143] : memref<4096x512xf32, #tpu.memory_space<hbm>> -> memref<16x512xf32, #tpu.memory_space<hbm>>
    %dma_wait3A_145 = arith.constant 0 : i32
    %dma_wait3A_146 = tpu.memref_slice %arg2[%add3A_142, %dma_wait3A_145] : memref<4096x512xf32, #tpu.memory_space<hbm>> -> memref<16x512xf32, #tpu.memory_space<hbm>>
    tpu.wait_dma2 semaphore(%arg8 : memref<!tpu.dma_semaphore, #tpu.memory_space<semaphore_mem>>) src(%dma_wait3A_146 : memref<16x512xf32, #tpu.memory_space<hbm>>) dst(%arg5 : memref<16x512xf32, #tpu.memory_space<vmem>>)
    %scan3A_147 = arith.constant 0 : i32
    %scan3A_148 = arith.constant 0 : i32
    %scan3A_149 = arith.constant 32 : i32
    %scan3A_150 = arith.addi %scan3A_148, %scan3A_149 : i32
    %scan3A_151 = arith.constant 1 : i32
    scf.for %scan3A_153 = %scan3A_148 to %scan3A_150 step %scan3A_151  : i32 {
      %mul3A_154 = arith.constant 16 : i32
      %mul3A_155 = arith.muli %scan3A_153, %mul3A_154 : i32
      %jit3A = arith.constant 32 : i32
      %div3A = arith.divsi %mul3A_155, %jit3A : i32
      %sign3A = arith.constant 0 : i32
      %sign3A_156 = arith.cmpi sgt, %mul3A_155, %sign3A : i32
      %sign3A_157 = arith.extui %sign3A_156 : i1 to i32
      %sign3A_158 = arith.constant 0 : i32
      %sign3A_159 = arith.cmpi slt, %mul3A_155, %sign3A_158 : i32
      %sign3A_160 = arith.extui %sign3A_159 : i1 to i32
      %sign3A_161 = arith.subi %sign3A_157, %sign3A_160 : i32
      %sign3A_162 = arith.constant 0 : i32
      %sign3A_163 = arith.cmpi sgt, %jit3A, %sign3A_162 : i32
      %sign3A_164 = arith.extui %sign3A_163 : i1 to i32
      %sign3A_165 = arith.constant 0 : i32
      %sign3A_166 = arith.cmpi slt, %jit3A, %sign3A_165 : i32
      %sign3A_167 = arith.extui %sign3A_166 : i1 to i32
      %sign3A_168 = arith.subi %sign3A_164, %sign3A_167 : i32
      %ne3A = arith.cmpi ne, %sign3A_161, %sign3A_168 : i32
      %rem3A = arith.remsi %mul3A_155, %jit3A : i32
      %ne3A_169 = arith.constant 0 : i32
      %ne3A_170 = arith.cmpi ne, %rem3A, %ne3A_169 : i32
      %and3A = arith.andi %ne3A, %ne3A_170 : i1
      %sub3A = arith.constant 1 : i32
      %sub3A_171 = arith.subi %div3A, %sub3A : i32
      %select_n3A = arith.select %and3A, %sub3A_171, %div3A : i32
      %mul3A_172 = arith.constant 16 : i32
      %mul3A_173 = arith.muli %scan3A_153, %mul3A_172 : i32
      %jit3A_174 = arith.constant 32 : i32
      %eq3A = arith.constant 0 : i32
      %eq3A_175 = arith.cmpi eq, %jit3A_174, %eq3A : i32
      %jit3A_176 = arith.constant 1 : i32
      %select_n3A_177 = arith.select %eq3A_175, %jit3A_176, %jit3A_174 : i32
      %rem3A_178 = arith.remsi %mul3A_173, %select_n3A_177 : i32
      %ne3A_179 = arith.constant 0 : i32
      %ne3A_180 = arith.cmpi ne, %rem3A_178, %ne3A_179 : i32
      %lt3A = arith.constant 0 : i32
      %lt3A_181 = arith.cmpi slt, %rem3A_178, %lt3A : i32
      %lt3A_182 = arith.constant 0 : i32
      %lt3A_183 = arith.cmpi slt, %select_n3A_177, %lt3A_182 : i32
      %ne3A_184 = arith.xori %lt3A_181, %lt3A_183 : i1
      %and3A_185 = arith.andi %ne3A_184, %ne3A_180 : i1
      %add3A_186 = arith.addi %rem3A_178, %select_n3A_177 : i32
      %select_n3A_187 = arith.select %and3A_185, %add3A_186, %rem3A_178 : i32
      %mul3A_188 = arith.constant 16 : i32
      %mul3A_189 = arith.muli %select_n3A_187, %mul3A_188 : i32
      %add3A_190 = arith.constant 0 : i32
      %add3A_191 = arith.addi %mul3A_189, %add3A_190 : i32
      %get3A = arith.index_cast %select_n3A : i32 to index
      %get3A_192 = arith.index_cast %add3A_191 : i32 to index
      %get3A_193 = tpu.vector_load %arg5[%get3A, %get3A_192] {strides = array<i32>} : memref<16x512xf32, #tpu.memory_space<vmem>>, vector<16xf32>,
      %add3A_194 = arith.constant 16 : i32
      %add3A_195 = arith.addi %mul3A_189, %add3A_194 : i32
      %get3A_196 = arith.index_cast %select_n3A : i32 to index
      %get3A_197 = arith.index_cast %add3A_195 : i32 to index
      %get3A_198 = tpu.vector_load %arg5[%get3A_196, %get3A_197] {strides = array<i32>} : memref<16x512xf32, #tpu.memory_space<vmem>>, vector<16xf32>,
      %add3A_199 = arith.constant 32 : i32
      %add3A_200 = arith.addi %mul3A_189, %add3A_199 : i32
      %get3A_201 = arith.index_cast %select_n3A : i32 to index
      %get3A_202 = arith.index_cast %add3A_200 : i32 to index
      %get3A_203 = tpu.vector_load %arg5[%get3A_201, %get3A_202] {strides = array<i32>} : memref<16x512xf32, #tpu.memory_space<vmem>>, vector<16xf32>,
      %add3A_204 = arith.constant 48 : i32
      %add3A_205 = arith.addi %mul3A_189, %add3A_204 : i32
      %get3A_206 = arith.index_cast %select_n3A : i32 to index
      %get3A_207 = arith.index_cast %add3A_205 : i32 to index
      %get3A_208 = tpu.vector_load %arg5[%get3A_206, %get3A_207] {strides = array<i32>} : memref<16x512xf32, #tpu.memory_space<vmem>>, vector<16xf32>,
      %add3A_209 = arith.constant 64 : i32
      %add3A_210 = arith.addi %mul3A_189, %add3A_209 : i32
      %get3A_211 = arith.index_cast %select_n3A : i32 to index
      %get3A_212 = arith.index_cast %add3A_210 : i32 to index
      %get3A_213 = tpu.vector_load %arg5[%get3A_211, %get3A_212] {strides = array<i32>} : memref<16x512xf32, #tpu.memory_space<vmem>>, vector<16xf32>,
      %add3A_214 = arith.constant 80 : i32
      %add3A_215 = arith.addi %mul3A_189, %add3A_214 : i32
      %get3A_216 = arith.index_cast %select_n3A : i32 to index
      %get3A_217 = arith.index_cast %add3A_215 : i32 to index
      %get3A_218 = tpu.vector_load %arg5[%get3A_216, %get3A_217] {strides = array<i32>} : memref<16x512xf32, #tpu.memory_space<vmem>>, vector<16xf32>,
      %add3A_219 = arith.constant 96 : i32
      %add3A_220 = arith.addi %mul3A_189, %add3A_219 : i32
      %get3A_221 = arith.index_cast %select_n3A : i32 to index
      %get3A_222 = arith.index_cast %add3A_220 : i32 to index
      %get3A_223 = tpu.vector_load %arg5[%get3A_221, %get3A_222] {strides = array<i32>} : memref<16x512xf32, #tpu.memory_space<vmem>>, vector<16xf32>,
      %add3A_224 = arith.constant 112 : i32
      %add3A_225 = arith.addi %mul3A_189, %add3A_224 : i32
      %get3A_226 = arith.index_cast %select_n3A : i32 to index
      %get3A_227 = arith.index_cast %add3A_225 : i32 to index
      %get3A_228 = tpu.vector_load %arg5[%get3A_226, %get3A_227] {strides = array<i32>} : memref<16x512xf32, #tpu.memory_space<vmem>>, vector<16xf32>,
      %add3A_229 = arith.constant 128 : i32
      %add3A_230 = arith.addi %mul3A_189, %add3A_229 : i32
      %get3A_231 = arith.index_cast %select_n3A : i32 to index
      %get3A_232 = arith.index_cast %add3A_230 : i32 to index
      %get3A_233 = tpu.vector_load %arg5[%get3A_231, %get3A_232] {strides = array<i32>} : memref<16x512xf32, #tpu.memory_space<vmem>>, vector<16xf32>,
      %add3A_234 = arith.constant 144 : i32
      %add3A_235 = arith.addi %mul3A_189, %add3A_234 : i32
      %get3A_236 = arith.index_cast %select_n3A : i32 to index
      %get3A_237 = arith.index_cast %add3A_235 : i32 to index
      %get3A_238 = tpu.vector_load %arg5[%get3A_236, %get3A_237] {strides = array<i32>} : memref<16x512xf32, #tpu.memory_space<vmem>>, vector<16xf32>,
      %add3A_239 = arith.constant 160 : i32
      %add3A_240 = arith.addi %mul3A_189, %add3A_239 : i32
      %get3A_241 = arith.index_cast %select_n3A : i32 to index
      %get3A_242 = arith.index_cast %add3A_240 : i32 to index
      %get3A_243 = tpu.vector_load %arg5[%get3A_241, %get3A_242] {strides = array<i32>} : memref<16x512xf32, #tpu.memory_space<vmem>>, vector<16xf32>,
      %add3A_244 = arith.constant 176 : i32
      %add3A_245 = arith.addi %mul3A_189, %add3A_244 : i32
      %get3A_246 = arith.index_cast %select_n3A : i32 to index
      %get3A_247 = arith.index_cast %add3A_245 : i32 to index
      %get3A_248 = tpu.vector_load %arg5[%get3A_246, %get3A_247] {strides = array<i32>} : memref<16x512xf32, #tpu.memory_space<vmem>>, vector<16xf32>,
      %add3A_249 = arith.constant 192 : i32
      %add3A_250 = arith.addi %mul3A_189, %add3A_249 : i32
      %get3A_251 = arith.index_cast %select_n3A : i32 to index
      %get3A_252 = arith.index_cast %add3A_250 : i32 to index
      %get3A_253 = tpu.vector_load %arg5[%get3A_251, %get3A_252] {strides = array<i32>} : memref<16x512xf32, #tpu.memory_space<vmem>>, vector<16xf32>,
      %add3A_254 = arith.constant 208 : i32
      %add3A_255 = arith.addi %mul3A_189, %add3A_254 : i32
      %get3A_256 = arith.index_cast %select_n3A : i32 to index
      %get3A_257 = arith.index_cast %add3A_255 : i32 to index
      %get3A_258 = tpu.vector_load %arg5[%get3A_256, %get3A_257] {strides = array<i32>} : memref<16x512xf32, #tpu.memory_space<vmem>>, vector<16xf32>,
      %add3A_259 = arith.constant 224 : i32
      %add3A_260 = arith.addi %mul3A_189, %add3A_259 : i32
      %get3A_261 = arith.index_cast %select_n3A : i32 to index
      %get3A_262 = arith.index_cast %add3A_260 : i32 to index
      %get3A_263 = tpu.vector_load %arg5[%get3A_261, %get3A_262] {strides = array<i32>} : memref<16x512xf32, #tpu.memory_space<vmem>>, vector<16xf32>,
      %add3A_264 = arith.constant 240 : i32
      %add3A_265 = arith.addi %mul3A_189, %add3A_264 : i32
      %get3A_266 = arith.index_cast %select_n3A : i32 to index
      %get3A_267 = arith.index_cast %add3A_265 : i32 to index
      %get3A_268 = tpu.vector_load %arg5[%get3A_266, %get3A_267] {strides = array<i32>} : memref<16x512xf32, #tpu.memory_space<vmem>>, vector<16xf32>,
      %bitcast_convert_type3A = tpu.bitcast %get3A_193 : vector<16xf32> -> vector<16xi32>
      %shift_right_logical3A = arith.constant 16 : i32
      %shift_right_logical3A_269 = vector.broadcast %shift_right_logical3A : i32 to vector<16xi32>
      %shift_right_logical3A_270 = arith.shrui %bitcast_convert_type3A, %shift_right_logical3A_269 : vector<16xi32>
      %bitcast_convert_type3A_271 = tpu.bitcast %get3A_198 : vector<16xf32> -> vector<16xi32>
      %shift_right_logical3A_272 = arith.constant 16 : i32
      %shift_right_logical3A_273 = vector.broadcast %shift_right_logical3A_272 : i32 to vector<16xi32>
      %shift_right_logical3A_274 = arith.shrui %bitcast_convert_type3A_271, %shift_right_logical3A_273 : vector<16xi32>
      %bitcast_convert_type3A_275 = tpu.bitcast %get3A_203 : vector<16xf32> -> vector<16xi32>
      %shift_right_logical3A_276 = arith.constant 16 : i32
      %shift_right_logical3A_277 = vector.broadcast %shift_right_logical3A_276 : i32 to vector<16xi32>
      %shift_right_logical3A_278 = arith.shrui %bitcast_convert_type3A_275, %shift_right_logical3A_277 : vector<16xi32>
      %bitcast_convert_type3A_279 = tpu.bitcast %get3A_208 : vector<16xf32> -> vector<16xi32>
      %shift_right_logical3A_280 = arith.constant 16 : i32
      %shift_right_logical3A_281 = vector.broadcast %shift_right_logical3A_280 : i32 to vector<16xi32>
      %shift_right_logical3A_282 = arith.shrui %bitcast_convert_type3A_279, %shift_right_logical3A_281 : vector<16xi32>
      %bitcast_convert_type3A_283 = tpu.bitcast %get3A_213 : vector<16xf32> -> vector<16xi32>
      %shift_right_logical3A_284 = arith.constant 16 : i32
      %shift_right_logical3A_285 = vector.broadcast %shift_right_logical3A_284 : i32 to vector<16xi32>
      %shift_right_logical3A_286 = arith.shrui %bitcast_convert_type3A_283, %shift_right_logical3A_285 : vector<16xi32>
      %bitcast_convert_type3A_287 = tpu.bitcast %get3A_218 : vector<16xf32> -> vector<16xi32>
      %shift_right_logical3A_288 = arith.constant 16 : i32
      %shift_right_logical3A_289 = vector.broadcast %shift_right_logical3A_288 : i32 to vector<16xi32>
      %shift_right_logical3A_290 = arith.shrui %bitcast_convert_type3A_287, %shift_right_logical3A_289 : vector<16xi32>
      %bitcast_convert_type3A_291 = tpu.bitcast %get3A_223 : vector<16xf32> -> vector<16xi32>
      %shift_right_logical3A_292 = arith.constant 16 : i32
      %shift_right_logical3A_293 = vector.broadcast %shift_right_logical3A_292 : i32 to vector<16xi32>
      %shift_right_logical3A_294 = arith.shrui %bitcast_convert_type3A_291, %shift_right_logical3A_293 : vector<16xi32>
      %bitcast_convert_type3A_295 = tpu.bitcast %get3A_228 : vector<16xf32> -> vector<16xi32>
      %shift_right_logical3A_296 = arith.constant 16 : i32
      %shift_right_logical3A_297 = vector.broadcast %shift_right_logical3A_296 : i32 to vector<16xi32>
      %shift_right_logical3A_298 = arith.shrui %bitcast_convert_type3A_295, %shift_right_logical3A_297 : vector<16xi32>
      %bitcast_convert_type3A_299 = tpu.bitcast %get3A_233 : vector<16xf32> -> vector<16xi32>
      %shift_right_logical3A_300 = arith.constant 16 : i32
      %shift_right_logical3A_301 = vector.broadcast %shift_right_logical3A_300 : i32 to vector<16xi32>
      %shift_right_logical3A_302 = arith.shrui %bitcast_convert_type3A_299, %shift_right_logical3A_301 : vector<16xi32>
      %bitcast_convert_type3A_303 = tpu.bitcast %get3A_238 : vector<16xf32> -> vector<16xi32>
      %shift_right_logical3A_304 = arith.constant 16 : i32
      %shift_right_logical3A_305 = vector.broadcast %shift_right_logical3A_304 : i32 to vector<16xi32>
      %shift_right_logical3A_306 = arith.shrui %bitcast_convert_type3A_303, %shift_right_logical3A_305 : vector<16xi32>
      %bitcast_convert_type3A_307 = tpu.bitcast %get3A_243 : vector<16xf32> -> vector<16xi32>
      %shift_right_logical3A_308 = arith.constant 16 : i32
      %shift_right_logical3A_309 = vector.broadcast %shift_right_logical3A_308 : i32 to vector<16xi32>
      %shift_right_logical3A_310 = arith.shrui %bitcast_convert_type3A_307, %shift_right_logical3A_309 : vector<16xi32>
      %bitcast_convert_type3A_311 = tpu.bitcast %get3A_248 : vector<16xf32> -> vector<16xi32>
      %shift_right_logical3A_312 = arith.constant 16 : i32
      %shift_right_logical3A_313 = vector.broadcast %shift_right_logical3A_312 : i32 to vector<16xi32>
      %shift_right_logical3A_314 = arith.shrui %bitcast_convert_type3A_311, %shift_right_logical3A_313 : vector<16xi32>
      %bitcast_convert_type3A_315 = tpu.bitcast %get3A_253 : vector<16xf32> -> vector<16xi32>
      %shift_right_logical3A_316 = arith.constant 16 : i32
      %shift_right_logical3A_317 = vector.broadcast %shift_right_logical3A_316 : i32 to vector<16xi32>
      %shift_right_logical3A_318 = arith.shrui %bitcast_convert_type3A_315, %shift_right_logical3A_317 : vector<16xi32>
      %bitcast_convert_type3A_319 = tpu.bitcast %get3A_258 : vector<16xf32> -> vector<16xi32>
      %shift_right_logical3A_320 = arith.constant 16 : i32
      %shift_right_logical3A_321 = vector.broadcast %shift_right_logical3A_320 : i32 to vector<16xi32>
      %shift_right_logical3A_322 = arith.shrui %bitcast_convert_type3A_319, %shift_right_logical3A_321 : vector<16xi32>
      %bitcast_convert_type3A_323 = tpu.bitcast %get3A_263 : vector<16xf32> -> vector<16xi32>
      %shift_right_logical3A_324 = arith.constant 16 : i32
      %shift_right_logical3A_325 = vector.broadcast %shift_right_logical3A_324 : i32 to vector<16xi32>
      %shift_right_logical3A_326 = arith.shrui %bitcast_convert_type3A_323, %shift_right_logical3A_325 : vector<16xi32>
      %bitcast_convert_type3A_327 = tpu.bitcast %get3A_268 : vector<16xf32> -> vector<16xi32>
      %shift_right_logical3A_328 = arith.constant 16 : i32
      %shift_right_logical3A_329 = vector.broadcast %shift_right_logical3A_328 : i32 to vector<16xi32>
      %shift_right_logical3A_330 = arith.shrui %bitcast_convert_type3A_327, %shift_right_logical3A_329 : vector<16xi32>
      %shift_right_logical3A_331 = arith.constant 7 : i32
      %shift_right_logical3A_332 = vector.broadcast %shift_right_logical3A_331 : i32 to vector<16xi32>
      %shift_right_logical3A_333 = arith.shrui %shift_right_logical3A_270, %shift_right_logical3A_332 : vector<16xi32>
      %and3A_334 = arith.constant 127 : i32
      %and3A_335 = vector.broadcast %and3A_334 : i32 to vector<16xi32>
      %and3A_336 = arith.andi %shift_right_logical3A_270, %and3A_335 : vector<16xi32>
      tpu.vector_store_idx %arg6[%shift_right_logical3A_333, %and3A_336], %broadcast_in_dim3A_21 {add = true} : memref<256x128xi32, #tpu.memory_space<vmem>>[vector<16xi32>, vector<16xi32>], vector<16xi32>,
      %shift_right_logical3A_337 = arith.constant 7 : i32
      %shift_right_logical3A_338 = vector.broadcast %shift_right_logical3A_337 : i32 to vector<16xi32>
      %shift_right_logical3A_339 = arith.shrui %shift_right_logical3A_274, %shift_right_logical3A_338 : vector<16xi32>
      %and3A_340 = arith.constant 127 : i32
      %and3A_341 = vector.broadcast %and3A_340 : i32 to vector<16xi32>
      %and3A_342 = arith.andi %shift_right_logical3A_274, %and3A_341 : vector<16xi32>
      tpu.vector_store_idx %arg6[%shift_right_logical3A_339, %and3A_342], %broadcast_in_dim3A_21 {add = true} : memref<256x128xi32, #tpu.memory_space<vmem>>[vector<16xi32>, vector<16xi32>], vector<16xi32>,
      %shift_right_logical3A_343 = arith.constant 7 : i32
      %shift_right_logical3A_344 = vector.broadcast %shift_right_logical3A_343 : i32 to vector<16xi32>
      %shift_right_logical3A_345 = arith.shrui %shift_right_logical3A_278, %shift_right_logical3A_344 : vector<16xi32>
      %and3A_346 = arith.constant 127 : i32
      %and3A_347 = vector.broadcast %and3A_346 : i32 to vector<16xi32>
      %and3A_348 = arith.andi %shift_right_logical3A_278, %and3A_347 : vector<16xi32>
      tpu.vector_store_idx %arg6[%shift_right_logical3A_345, %and3A_348], %broadcast_in_dim3A_21 {add = true} : memref<256x128xi32, #tpu.memory_space<vmem>>[vector<16xi32>, vector<16xi32>], vector<16xi32>,
      %shift_right_logical3A_349 = arith.constant 7 : i32
      %shift_right_logical3A_350 = vector.broadcast %shift_right_logical3A_349 : i32 to vector<16xi32>
      %shift_right_logical3A_351 = arith.shrui %shift_right_logical3A_282, %shift_right_logical3A_350 : vector<16xi32>
      %and3A_352 = arith.constant 127 : i32
      %and3A_353 = vector.broadcast %and3A_352 : i32 to vector<16xi32>
      %and3A_354 = arith.andi %shift_right_logical3A_282, %and3A_353 : vector<16xi32>
      tpu.vector_store_idx %arg6[%shift_right_logical3A_351, %and3A_354], %broadcast_in_dim3A_21 {add = true} : memref<256x128xi32, #tpu.memory_space<vmem>>[vector<16xi32>, vector<16xi32>], vector<16xi32>,
      %shift_right_logical3A_355 = arith.constant 7 : i32
      %shift_right_logical3A_356 = vector.broadcast %shift_right_logical3A_355 : i32 to vector<16xi32>
      %shift_right_logical3A_357 = arith.shrui %shift_right_logical3A_286, %shift_right_logical3A_356 : vector<16xi32>
      %and3A_358 = arith.constant 127 : i32
      %and3A_359 = vector.broadcast %and3A_358 : i32 to vector<16xi32>
      %and3A_360 = arith.andi %shift_right_logical3A_286, %and3A_359 : vector<16xi32>
      tpu.vector_store_idx %arg6[%shift_right_logical3A_357, %and3A_360], %broadcast_in_dim3A_21 {add = true} : memref<256x128xi32, #tpu.memory_space<vmem>>[vector<16xi32>, vector<16xi32>], vector<16xi32>,
      %shift_right_logical3A_361 = arith.constant 7 : i32
      %shift_right_logical3A_362 = vector.broadcast %shift_right_logical3A_361 : i32 to vector<16xi32>
      %shift_right_logical3A_363 = arith.shrui %shift_right_logical3A_290, %shift_right_logical3A_362 : vector<16xi32>
      %and3A_364 = arith.constant 127 : i32
      %and3A_365 = vector.broadcast %and3A_364 : i32 to vector<16xi32>
      %and3A_366 = arith.andi %shift_right_logical3A_290, %and3A_365 : vector<16xi32>
      tpu.vector_store_idx %arg6[%shift_right_logical3A_363, %and3A_366], %broadcast_in_dim3A_21 {add = true} : memref<256x128xi32, #tpu.memory_space<vmem>>[vector<16xi32>, vector<16xi32>], vector<16xi32>,
      %shift_right_logical3A_367 = arith.constant 7 : i32
      %shift_right_logical3A_368 = vector.broadcast %shift_right_logical3A_367 : i32 to vector<16xi32>
      %shift_right_logical3A_369 = arith.shrui %shift_right_logical3A_294, %shift_right_logical3A_368 : vector<16xi32>
      %and3A_370 = arith.constant 127 : i32
      %and3A_371 = vector.broadcast %and3A_370 : i32 to vector<16xi32>
      %and3A_372 = arith.andi %shift_right_logical3A_294, %and3A_371 : vector<16xi32>
      tpu.vector_store_idx %arg6[%shift_right_logical3A_369, %and3A_372], %broadcast_in_dim3A_21 {add = true} : memref<256x128xi32, #tpu.memory_space<vmem>>[vector<16xi32>, vector<16xi32>], vector<16xi32>,
      %shift_right_logical3A_373 = arith.constant 7 : i32
      %shift_right_logical3A_374 = vector.broadcast %shift_right_logical3A_373 : i32 to vector<16xi32>
      %shift_right_logical3A_375 = arith.shrui %shift_right_logical3A_298, %shift_right_logical3A_374 : vector<16xi32>
      %and3A_376 = arith.constant 127 : i32
      %and3A_377 = vector.broadcast %and3A_376 : i32 to vector<16xi32>
      %and3A_378 = arith.andi %shift_right_logical3A_298, %and3A_377 : vector<16xi32>
      tpu.vector_store_idx %arg6[%shift_right_logical3A_375, %and3A_378], %broadcast_in_dim3A_21 {add = true} : memref<256x128xi32, #tpu.memory_space<vmem>>[vector<16xi32>, vector<16xi32>], vector<16xi32>,
      %shift_right_logical3A_379 = arith.constant 7 : i32
      %shift_right_logical3A_380 = vector.broadcast %shift_right_logical3A_379 : i32 to vector<16xi32>
      %shift_right_logical3A_381 = arith.shrui %shift_right_logical3A_302, %shift_right_logical3A_380 : vector<16xi32>
      %and3A_382 = arith.constant 127 : i32
      %and3A_383 = vector.broadcast %and3A_382 : i32 to vector<16xi32>
      %and3A_384 = arith.andi %shift_right_logical3A_302, %and3A_383 : vector<16xi32>
      tpu.vector_store_idx %arg6[%shift_right_logical3A_381, %and3A_384], %broadcast_in_dim3A_21 {add = true} : memref<256x128xi32, #tpu.memory_space<vmem>>[vector<16xi32>, vector<16xi32>], vector<16xi32>,
      %shift_right_logical3A_385 = arith.constant 7 : i32
      %shift_right_logical3A_386 = vector.broadcast %shift_right_logical3A_385 : i32 to vector<16xi32>
      %shift_right_logical3A_387 = arith.shrui %shift_right_logical3A_306, %shift_right_logical3A_386 : vector<16xi32>
      %and3A_388 = arith.constant 127 : i32
      %and3A_389 = vector.broadcast %and3A_388 : i32 to vector<16xi32>
      %and3A_390 = arith.andi %shift_right_logical3A_306, %and3A_389 : vector<16xi32>
      tpu.vector_store_idx %arg6[%shift_right_logical3A_387, %and3A_390], %broadcast_in_dim3A_21 {add = true} : memref<256x128xi32, #tpu.memory_space<vmem>>[vector<16xi32>, vector<16xi32>], vector<16xi32>,
      %shift_right_logical3A_391 = arith.constant 7 : i32
      %shift_right_logical3A_392 = vector.broadcast %shift_right_logical3A_391 : i32 to vector<16xi32>
      %shift_right_logical3A_393 = arith.shrui %shift_right_logical3A_310, %shift_right_logical3A_392 : vector<16xi32>
      %and3A_394 = arith.constant 127 : i32
      %and3A_395 = vector.broadcast %and3A_394 : i32 to vector<16xi32>
      %and3A_396 = arith.andi %shift_right_logical3A_310, %and3A_395 : vector<16xi32>
      tpu.vector_store_idx %arg6[%shift_right_logical3A_393, %and3A_396], %broadcast_in_dim3A_21 {add = true} : memref<256x128xi32, #tpu.memory_space<vmem>>[vector<16xi32>, vector<16xi32>], vector<16xi32>,
      %shift_right_logical3A_397 = arith.constant 7 : i32
      %shift_right_logical3A_398 = vector.broadcast %shift_right_logical3A_397 : i32 to vector<16xi32>
      %shift_right_logical3A_399 = arith.shrui %shift_right_logical3A_314, %shift_right_logical3A_398 : vector<16xi32>
      %and3A_400 = arith.constant 127 : i32
      %and3A_401 = vector.broadcast %and3A_400 : i32 to vector<16xi32>
      %and3A_402 = arith.andi %shift_right_logical3A_314, %and3A_401 : vector<16xi32>
      tpu.vector_store_idx %arg6[%shift_right_logical3A_399, %and3A_402], %broadcast_in_dim3A_21 {add = true} : memref<256x128xi32, #tpu.memory_space<vmem>>[vector<16xi32>, vector<16xi32>], vector<16xi32>,
      %shift_right_logical3A_403 = arith.constant 7 : i32
      %shift_right_logical3A_404 = vector.broadcast %shift_right_logical3A_403 : i32 to vector<16xi32>
      %shift_right_logical3A_405 = arith.shrui %shift_right_logical3A_318, %shift_right_logical3A_404 : vector<16xi32>
      %and3A_406 = arith.constant 127 : i32
      %and3A_407 = vector.broadcast %and3A_406 : i32 to vector<16xi32>
      %and3A_408 = arith.andi %shift_right_logical3A_318, %and3A_407 : vector<16xi32>
      tpu.vector_store_idx %arg6[%shift_right_logical3A_405, %and3A_408], %broadcast_in_dim3A_21 {add = true} : memref<256x128xi32, #tpu.memory_space<vmem>>[vector<16xi32>, vector<16xi32>], vector<16xi32>,
      %shift_right_logical3A_409 = arith.constant 7 : i32
      %shift_right_logical3A_410 = vector.broadcast %shift_right_logical3A_409 : i32 to vector<16xi32>
      %shift_right_logical3A_411 = arith.shrui %shift_right_logical3A_322, %shift_right_logical3A_410 : vector<16xi32>
      %and3A_412 = arith.constant 127 : i32
      %and3A_413 = vector.broadcast %and3A_412 : i32 to vector<16xi32>
      %and3A_414 = arith.andi %shift_right_logical3A_322, %and3A_413 : vector<16xi32>
      tpu.vector_store_idx %arg6[%shift_right_logical3A_411, %and3A_414], %broadcast_in_dim3A_21 {add = true} : memref<256x128xi32, #tpu.memory_space<vmem>>[vector<16xi32>, vector<16xi32>], vector<16xi32>,
      %shift_right_logical3A_415 = arith.constant 7 : i32
      %shift_right_logical3A_416 = vector.broadcast %shift_right_logical3A_415 : i32 to vector<16xi32>
      %shift_right_logical3A_417 = arith.shrui %shift_right_logical3A_326, %shift_right_logical3A_416 : vector<16xi32>
      %and3A_418 = arith.constant 127 : i32
      %and3A_419 = vector.broadcast %and3A_418 : i32 to vector<16xi32>
      %and3A_420 = arith.andi %shift_right_logical3A_326, %and3A_419 : vector<16xi32>
      tpu.vector_store_idx %arg6[%shift_right_logical3A_417, %and3A_420], %broadcast_in_dim3A_21 {add = true} : memref<256x128xi32, #tpu.memory_space<vmem>>[vector<16xi32>, vector<16xi32>], vector<16xi32>,
      %shift_right_logical3A_421 = arith.constant 7 : i32
      %shift_right_logical3A_422 = vector.broadcast %shift_right_logical3A_421 : i32 to vector<16xi32>
      %shift_right_logical3A_423 = arith.shrui %shift_right_logical3A_330, %shift_right_logical3A_422 : vector<16xi32>
      %and3A_424 = arith.constant 127 : i32
      %and3A_425 = vector.broadcast %and3A_424 : i32 to vector<16xi32>
      %and3A_426 = arith.andi %shift_right_logical3A_330, %and3A_425 : vector<16xi32>
      tpu.vector_store_idx %arg6[%shift_right_logical3A_423, %and3A_426], %broadcast_in_dim3A_21 {add = true} : memref<256x128xi32, #tpu.memory_space<vmem>>[vector<16xi32>, vector<16xi32>], vector<16xi32>,
    }
    %scan3A_152 = arith.constant 32 : i32
    "tpu.region"() ({
      %run_scoped3A = tpu.sem_alloc : memref<!tpu.dma_semaphore, #tpu.memory_space<semaphore_mem>>
      %dma_start3A_153 = arith.constant 0 : i32
      %dma_start3A_154 = arith.constant 0 : i32
      %dma_start3A_155 = tpu.memref_slice %arg3[%add3A, %dma_start3A_153, %dma_start3A_154] : memref<32x256x128xi32, #tpu.memory_space<hbm>> -> memref<1x256x128xi32, #tpu.memory_space<hbm>>
      %dma_start3A_156 = tpu.memref_squeeze %dma_start3A_155 : memref<1x256x128xi32, #tpu.memory_space<hbm>> -> memref<256x128xi32, #tpu.memory_space<hbm>>
      %dma_start3A_157 = arith.constant 0 : i32
      %dma_start3A_158 = arith.constant 0 : i32
      %dma_start3A_159 = tpu.memref_slice %arg3[%add3A, %dma_start3A_157, %dma_start3A_158] : memref<32x256x128xi32, #tpu.memory_space<hbm>> -> memref<1x256x128xi32, #tpu.memory_space<hbm>>
      %dma_start3A_160 = tpu.memref_squeeze %dma_start3A_159 : memref<1x256x128xi32, #tpu.memory_space<hbm>> -> memref<256x128xi32, #tpu.memory_space<hbm>>
      tpu.enqueue_dma source(%arg6 : memref<256x128xi32, #tpu.memory_space<vmem>>) target(%dma_start3A_160 : memref<256x128xi32, #tpu.memory_space<hbm>>) target_semaphore(%run_scoped3A : memref<!tpu.dma_semaphore, #tpu.memory_space<semaphore_mem>>)
      %dma_wait3A_161 = arith.constant 0 : i32
      %dma_wait3A_162 = arith.constant 0 : i32
      %dma_wait3A_163 = tpu.memref_slice %arg3[%add3A, %dma_wait3A_161, %dma_wait3A_162] : memref<32x256x128xi32, #tpu.memory_space<hbm>> -> memref<1x256x128xi32, #tpu.memory_space<hbm>>
      %dma_wait3A_164 = tpu.memref_squeeze %dma_wait3A_163 : memref<1x256x128xi32, #tpu.memory_space<hbm>> -> memref<256x128xi32, #tpu.memory_space<hbm>>
      %dma_wait3A_165 = arith.constant 0 : i32
      %dma_wait3A_166 = arith.constant 0 : i32
      %dma_wait3A_167 = tpu.memref_slice %arg3[%add3A, %dma_wait3A_165, %dma_wait3A_166] : memref<32x256x128xi32, #tpu.memory_space<hbm>> -> memref<1x256x128xi32, #tpu.memory_space<hbm>>
      %dma_wait3A_168 = tpu.memref_squeeze %dma_wait3A_167 : memref<1x256x128xi32, #tpu.memory_space<hbm>> -> memref<256x128xi32, #tpu.memory_space<hbm>>
      tpu.wait_dma2 semaphore(%run_scoped3A : memref<!tpu.dma_semaphore, #tpu.memory_space<semaphore_mem>>) src(%arg6 : memref<256x128xi32, #tpu.memory_space<vmem>>) dst(%dma_wait3A_168 : memref<256x128xi32, #tpu.memory_space<hbm>>)
      tpu.yield
    }) : () -> ()
    return
  }
}

module attributes {stable_mosaic.version = 14 : i64} {
  func.func @_bce_block(%arg0: i32, %arg1: memref<1024x512xf32, #tpu.memory_space<vmem>>, %arg2: memref<1024x512xf32, #tpu.memory_space<vmem>>, %arg3: memref<1024x512xf32, #tpu.memory_space<vmem>>) attributes {dimension_semantics = [#tpu.dimension_semantics<arbitrary>], iteration_bounds = array<i64: 4>, scalar_prefetch = 0 : i64, scratch_operands = 0 : i64, tpu.core_type = #tpu.core_type<tc>, window_params = [{transform_indices = @transform_0, window_bounds = array<i64: 1024, 512>}, {transform_indices = @transform_1, window_bounds = array<i64: 1024, 512>}, {transform_indices = @transform_2, window_bounds = array<i64: 1024, 512>}]} {
    %get3A = arith.constant 0 : index
    %get3A_0 = arith.constant 0 : index
    %get3A_1 = vector.load %arg1[%get3A, %get3A_0] : memref<1024x512xf32, #tpu.memory_space<vmem>>, vector<1024x512xf32>
    %get3A_2 = arith.constant 0 : index
    %get3A_3 = arith.constant 0 : index
    %get3A_4 = vector.load %arg2[%get3A_2, %get3A_3] : memref<1024x512xf32, #tpu.memory_space<vmem>>, vector<1024x512xf32>
    %max3A = arith.constant 0.000000e+00 : f32
    %max3A_5 = vector.broadcast %max3A : f32 to vector<1024x512xf32>
    %max3A_6 = arith.maximumf %get3A_1, %max3A_5 : vector<1024x512xf32>
    %mul3A = arith.mulf %get3A_1, %get3A_4 : vector<1024x512xf32>
    %sub3A = arith.subf %max3A_6, %mul3A : vector<1024x512xf32>
    %abs3A = math.absf %get3A_1 : vector<1024x512xf32>
    %neg3A = arith.constant 0.000000e+00 : f32
    %neg3A_7 = vector.broadcast %neg3A : f32 to vector<1024x512xf32>
    %neg3A_8 = arith.subf %neg3A_7, %abs3A : vector<1024x512xf32>
    %exp3A = math.exp %neg3A_8 : vector<1024x512xf32>
    %log1p3A = math.log1p %exp3A : vector<1024x512xf32>
    %add3A = arith.addf %sub3A, %log1p3A : vector<1024x512xf32>
    %swap3A = arith.constant 0 : index
    %swap3A_9 = arith.constant 0 : index
    %swap3A_10 = vector.load %arg3[%swap3A, %swap3A_9] : memref<1024x512xf32, #tpu.memory_space<vmem>>, vector<1024x512xf32>
    tpu.vector_store %arg3[%swap3A, %swap3A_9], %add3A {strides = array<i32>} : memref<1024x512xf32, #tpu.memory_space<vmem>>, vector<1024x512xf32>,
    return
  }
  func.func @transform_0(%arg0: i32) -> (i32, i32) {
    %c0_i32 = arith.constant 0 : i32
    %c0_i32_0 = arith.constant 0 : i32
    return %arg0, %c0_i32 : i32, i32
  }
  func.func @transform_1(%arg0: i32) -> (i32, i32) {
    %c0_i32 = arith.constant 0 : i32
    %c0_i32_0 = arith.constant 0 : i32
    return %arg0, %c0_i32 : i32, i32
  }
  func.func @transform_2(%arg0: i32) -> (i32, i32) {
    %c0_i32 = arith.constant 0 : i32
    %c0_i32_0 = arith.constant 0 : i32
    return %arg0, %c0_i32 : i32, i32
  }
}

module attributes {stable_mosaic.version = 14 : i64} {
  func.func @_select_body(%arg0: memref<32x256x128xi32, #tpu.memory_space<vmem>>, %arg1: memref<4096x512xf32, #tpu.memory_space<vmem>>, %arg2: memref<1x1xf32, #tpu.memory_space<vmem>>) attributes {dimension_semantics = [], scalar_prefetch = 0 : i64, scratch_operands = 0 : i64, tpu.core_type = #tpu.core_type<tc>} {
    %get3A = arith.constant 0 : index
    %get3A_0 = arith.constant 0 : index
    %get3A_1 = arith.constant 0 : index
    %get3A_2 = vector.load %arg0[%get3A, %get3A_0, %get3A_1] : memref<32x256x128xi32, #tpu.memory_space<vmem>>, vector<32x256x128xi32>
    %convert_element_type3A = arith.sitofp %get3A_2 : vector<32x256x128xi32> to vector<32x256x128xf32>
    %reduce_sum3A = arith.constant dense<0.000000e+00> : vector<256x128xf32>
    %reduce_sum3A_3 = vector.multi_reduction <add>, %convert_element_type3A, %reduce_sum3A [0] : vector<32x256x128xf32> to vector<256x128xf32>
    %iota3A = tpu.iota {dimensions = array<i32: 0>} : vector<256x128xi32>
    %iota3A_4 = tpu.iota {dimensions = array<i32: 1>} : vector<256x128xi32>
    %mul3A = arith.constant 128 : i32
    %mul3A_5 = vector.broadcast %mul3A : i32 to vector<256x128xi32>
    %mul3A_6 = arith.muli %iota3A, %mul3A_5 : vector<256x128xi32>
    %add3A = arith.addi %mul3A_6, %iota3A_4 : vector<256x128xi32>
    %scan3A = arith.constant 5.242880e+05 : f32
    %scan3A_7 = arith.constant 0 : i32
    %scan3A_8 = arith.constant 32768 : i32
    %scan3A_9 = arith.constant 0 : i32
    %scan3A_10 = arith.constant 15 : i32
    %scan3A_11 = arith.addi %scan3A_9, %scan3A_10 : i32
    %scan3A_12 = arith.constant 1 : i32
    %scan3A_13:2 = scf.for %scan3A_48 = %scan3A_9 to %scan3A_11 step %scan3A_12 iter_args(%scan3A_49 = %scan3A_7, %scan3A_50 = %scan3A_8) -> (i32, i32)  : i32 {
      %add3A_51 = arith.addi %scan3A_49, %scan3A_50 : i32
      %jit3A_52 = arith.constant 2 : i32
      %div3A_53 = arith.divsi %add3A_51, %jit3A_52 : i32
      %sign3A = arith.constant 0 : i32
      %sign3A_54 = arith.cmpi sgt, %add3A_51, %sign3A : i32
      %sign3A_55 = arith.extui %sign3A_54 : i1 to i32
      %sign3A_56 = arith.constant 0 : i32
      %sign3A_57 = arith.cmpi slt, %add3A_51, %sign3A_56 : i32
      %sign3A_58 = arith.extui %sign3A_57 : i1 to i32
      %sign3A_59 = arith.subi %sign3A_55, %sign3A_58 : i32
      %sign3A_60 = arith.constant 0 : i32
      %sign3A_61 = arith.cmpi sgt, %jit3A_52, %sign3A_60 : i32
      %sign3A_62 = arith.extui %sign3A_61 : i1 to i32
      %sign3A_63 = arith.constant 0 : i32
      %sign3A_64 = arith.cmpi slt, %jit3A_52, %sign3A_63 : i32
      %sign3A_65 = arith.extui %sign3A_64 : i1 to i32
      %sign3A_66 = arith.subi %sign3A_62, %sign3A_65 : i32
      %ne3A = arith.cmpi ne, %sign3A_59, %sign3A_66 : i32
      %rem3A = arith.remsi %add3A_51, %jit3A_52 : i32
      %ne3A_67 = arith.constant 0 : i32
      %ne3A_68 = arith.cmpi ne, %rem3A, %ne3A_67 : i32
      %and3A = arith.andi %ne3A, %ne3A_68 : i1
      %sub3A_69 = arith.constant 1 : i32
      %sub3A_70 = arith.subi %div3A_53, %sub3A_69 : i32
      %select_n3A_71 = arith.select %and3A, %sub3A_70, %div3A_53 : i32
      %ge3A_72 = vector.broadcast %select_n3A_71 : i32 to vector<256x128xi32>
      %ge3A_73 = arith.cmpi sge, %add3A, %ge3A_72 : vector<256x128xi32>
      %jit3A_74 = arith.constant 0.000000e+00 : f32
      %broadcast_in_dim3A_75 = vector.broadcast %jit3A_74 : f32 to vector<256x128xf32>
      %select_n3A_76 = arith.select %ge3A_73, %reduce_sum3A_3, %broadcast_in_dim3A_75 : vector<256x128xi1>, vector<256x128xf32>
      %reduce_sum3A_77 = vector.shape_cast %select_n3A_76 : vector<256x128xf32> to vector<1x256x128xf32>
      %reduce_sum3A_78 = arith.constant dense<0.000000e+00> : vector<1xf32>
      %reduce_sum3A_79 = vector.multi_reduction <add>, %reduce_sum3A_77, %reduce_sum3A_78 [1, 2] : vector<1x256x128xf32> to vector<1xf32>
      %reduce_sum3A_80 = vector.shape_cast %reduce_sum3A_79 : vector<1xf32> to vector<1x1x1xf32>
      %reduce_sum3A_81 = vector.extract %reduce_sum3A_80[0, 0, 0] : f32 from vector<1x1x1xf32>
      %ge3A_82 = arith.cmpf oge, %reduce_sum3A_81, %scan3A : f32
      %select_n3A_83 = arith.select %ge3A_82, %select_n3A_71, %scan3A_49 : i32
      %select_n3A_84 = arith.select %ge3A_82, %scan3A_50, %select_n3A_71 : i32
      scf.yield %select_n3A_83, %select_n3A_84 : i32, i32
    }
    %shift_left3A = arith.constant 16 : i32
    %shift_left3A_14 = arith.shli %scan3A_13#0, %shift_left3A : i32
    %bitcast_convert_type3A = arith.bitcast %shift_left3A_14 : i32 to f32
    %add3A_15 = arith.constant 1 : i32
    %add3A_16 = arith.addi %scan3A_13#0, %add3A_15 : i32
    %shift_left3A_17 = arith.constant 16 : i32
    %shift_left3A_18 = arith.shli %add3A_16, %shift_left3A_17 : i32
    %bitcast_convert_type3A_19 = arith.bitcast %shift_left3A_18 : i32 to f32
    %get3A_20 = arith.constant 0 : index
    %get3A_21 = arith.constant 0 : index
    %get3A_22 = vector.load %arg1[%get3A_20, %get3A_21] : memref<4096x512xf32, #tpu.memory_space<vmem>>, vector<4096x512xf32>
    %ge3A = vector.broadcast %bitcast_convert_type3A_19 : f32 to vector<4096x512xf32>
    %ge3A_23 = arith.cmpf oge, %get3A_22, %ge3A : vector<4096x512xf32>
    %jit3A = arith.constant 1.000000e+00 : f32
    %jit3A_24 = arith.constant 0.000000e+00 : f32
    %broadcast_in_dim3A = vector.broadcast %jit3A : f32 to vector<4096x512xf32>
    %broadcast_in_dim3A_25 = vector.broadcast %jit3A_24 : f32 to vector<4096x512xf32>
    %select_n3A = arith.select %ge3A_23, %broadcast_in_dim3A, %broadcast_in_dim3A_25 : vector<4096x512xi1>, vector<4096x512xf32>
    %reduce_sum3A_26 = vector.shape_cast %select_n3A : vector<4096x512xf32> to vector<1x4096x512xf32>
    %reduce_sum3A_27 = arith.constant dense<0.000000e+00> : vector<1xf32>
    %reduce_sum3A_28 = vector.multi_reduction <add>, %reduce_sum3A_26, %reduce_sum3A_27 [1, 2] : vector<1x4096x512xf32> to vector<1xf32>
    %reduce_sum3A_29 = vector.shape_cast %reduce_sum3A_28 : vector<1xf32> to vector<1x1x1xf32>
    %reduce_sum3A_30 = vector.extract %reduce_sum3A_29[0, 0, 0] : f32 from vector<1x1x1xf32>
    %jit3A_31 = arith.constant 0.000000e+00 : f32
    %broadcast_in_dim3A_32 = vector.broadcast %jit3A_31 : f32 to vector<4096x512xf32>
    %select_n3A_33 = arith.select %ge3A_23, %get3A_22, %broadcast_in_dim3A_32 : vector<4096x512xi1>, vector<4096x512xf32>
    %reduce_sum3A_34 = vector.shape_cast %select_n3A_33 : vector<4096x512xf32> to vector<1x4096x512xf32>
    %reduce_sum3A_35 = arith.constant dense<0.000000e+00> : vector<1xf32>
    %reduce_sum3A_36 = vector.multi_reduction <add>, %reduce_sum3A_34, %reduce_sum3A_35 [1, 2] : vector<1x4096x512xf32> to vector<1xf32>
    %reduce_sum3A_37 = vector.shape_cast %reduce_sum3A_36 : vector<1xf32> to vector<1x1x1xf32>
    %reduce_sum3A_38 = vector.extract %reduce_sum3A_37[0, 0, 0] : f32 from vector<1x1x1xf32>
    %add3A_39 = arith.addf %bitcast_convert_type3A, %bitcast_convert_type3A_19 : f32
    %mul3A_40 = arith.constant 5.000000e-01 : f32
    %mul3A_41 = arith.mulf %mul3A_40, %add3A_39 : f32
    %sub3A = arith.constant 5.242880e+05 : f32
    %sub3A_42 = arith.subf %sub3A, %reduce_sum3A_30 : f32
    %mul3A_43 = arith.mulf %sub3A_42, %mul3A_41 : f32
    %add3A_44 = arith.addf %reduce_sum3A_38, %mul3A_43 : f32
    %div3A = arith.constant 5.242880e+05 : f32
    %div3A_45 = arith.divf %add3A_44, %div3A : f32
    %reshape3A = vector.broadcast %div3A_45 : f32 to vector<1x1xf32>
    %swap3A = arith.constant 0 : index
    %swap3A_46 = arith.constant 0 : index
    %swap3A_47 = vector.load %arg2[%swap3A, %swap3A_46] : memref<1x1xf32, #tpu.memory_space<vmem>>, vector<1x1xf32>
    tpu.vector_store %arg2[%swap3A, %swap3A_46], %reshape3A {strides = array<i32>} : memref<1x1xf32, #tpu.memory_space<vmem>>, vector<1x1xf32>,
    return
  }
}

</mosaic_0001>

<sc_bundles>
// kernel: kernel.5.cloned.1.call-start
scs
__scs_entry_jumppad:
0x0: {  	(pc) =	sbr.rel $0x88, $3  }
0x1: {  	(tag) =	ssettag $0x0;
	lr =	simm.s32 $0x1  }
0x2: {  	[smem:$0x3F9F] =	sst lr;
	_ =	strace $0xD0000000  }
0x3: {  	_ = 	snop  }
0x4: {  	_ = 	snop  }
0x5: {  	_ = 	snop  }
0x6: {  	_ = 	snop  }
0x7: {  	_ = 	snop  }
__scs_overlays_trampoline_lowered:
0x8: {  	[smem:$0x3FAE] =	sst s0  }
0x9: {  	[smem:$0x3FAF] =	sst s1  }
0xa: {  	[smem:$0x3FB0] =	sst s2  }
0xb: {  	[smem:$0x3FB1] =	sst s3  }
0xc: {  	[smem:$0x3FB2] =	sst s4  }
0xd: {  	[smem:$0x3FB3] =	sst s5  }
0xe: {  	[smem:$0x3FB4] =	sst s6  }
0xf: {  	[smem:$0x3FB5] =	sst s7  }
0x10: {  	[smem:$0x3FB6] =	sst s8  }
0x11: {  	[smem:$0x3FB7] =	sst s9;
	s0 =	simm.s32 @!p0 $0x0  }
0x12: {  	s1 =	sld [smem:$0x3F9D];
	s0 =	simm.s32 @p0 $0x1  }
0x13: {  	[smem:$0x3FB8] =	sst s0;
	s0 =	simm.s32 @!p1 $0x0  }
0x14: {  	s2 =	sld [smem:$0x3F9C];
	s0 =	simm.s32 @p1 $0x1  }
0x15: {  	[smem:$0x3FB9] =	sst s0;
	s0 =	simm.s32 @!p2 $0x0  }
0x16: {  	s3 =	sld [smem:$0x3FDB];
	s0 =	simm.s32 @p2 $0x1  }
0x17: {  	s4 =	simm.s32 $0x1BF5;
	[smem:$0x3FBB] =	sst s0  }
0x18: {  	s0 =	sld [smem:$0x3F9E];
	_ =	swait.ge [sflag:s4], $0x0  }
0x19: {  	s7 =	sld [smem:$0x3F9F]  }
0x1a: {  	s8 =	sadd.s32 $0xFFFFE003, lr  }
0x1b: {  	s9 =	sadd.s32 $0xFFFFFEF7, lr;
	s5 =	simm.s32 $0xFFFFFFFF;
	p2 =	slt.u32 s8, $0xFFFFF086  }
0x1c: {  	p1 =	slt.u32 s9, $0xF7A;
	s5 =	simm.s32 @!p2 $0x0  }
0x1d: {  	s5 =	simm.s32 @p1 $0x1;
	p0 =	seq.s32 s7, s2  }
0x1e: {  	s7 =	smul.u32 @!p0 $0xF7A, s2;
	p2 =	seq.s32 @!p0 s5, $0x0  }
0x1f: {  	s9 =	smul.u32 $0xF7A, s1;
	s8 =	simm.s32 @!p0 $0x1BF5;
	p2 =	por !p2, p0  }
0x20: {  	[sflag:s8] =	ssyncset.s32 @!p0 $0xFFFFF086;
	s6 =	sadd.s32 @!p0 s3, s7;
	s7 =	simm.s32 @!p0 $0x108  }
0x21: {  	s3 =	sadd.s32 s3, s9;
	s6 =	sadd.s32 @!p0 $0x88, s6;
	s7 =	simm.s32 @p2 $0x1082  }
0x22: {  	[simem:s7], [sflag:s8] =	dma.local @!p0 [hbm:s6], $0xF7A  }
0x23: {  	s9 =	sor.u32 $0xD0000000, s2;
	s6 =	simm.s32 $0x108;
	_ =	swait.ge @!p0 [sflag:s8], $0x0  }
0x24: {  	s3 =	sadd.s32 $0x88, s3;
	s6 =	simm.s32 @!p1 $0x1082;
	[sflag:s4] =	ssyncset.s32 $0xFFFFF086  }
0x25: {  	[simem:s6], [sflag:s4] =	dma.local [hbm:s3], $0xF7A  }
0x26: {  	[smem:$0x3F9F] =	sst s1;
	(tag) =	ssettag s2;
	_ =	strace s9  }
0x27: {  	s1 =	sld [smem:$0x3FAF]  }
0x28: {  	s2 =	sld [smem:$0x3FB0]  }
0x29: {  	s4 =	sld [smem:$0x3FB2]  }
0x2a: {  	p0 =	seq.s32 s5, $0x0;
	s5 =	sld [smem:$0x3FB3]  }
0x2b: {  	s6 =	sld [smem:$0x3FB4]  }
0x2c: {  	s7 =	sld [smem:$0x3FB5]  }
0x2d: {  	s3 =	simm.s32 $0x108;
	s8 =	sld [smem:$0x3FB6]  }
0x2e: {  	s3 =	simm.s32 @!p0 $0x1082;
	s9 =	sld [smem:$0x3FB7]  }
0x2f: {  	lr =	sadd.s32 s0, s3;
	s0 =	sld [smem:$0x3FAE]  }
0x30: {  	s3 =	sld [smem:$0x3FB1]  }
0x31: {  	[smem:$0x3FBA] =	sst s10  }
0x32: {  	s10 =	sld [smem:$0x3FB8];
	_ =	sdelay $0x3  }
0x33: {  	p0 =	seq.s32 s10, $0x1;
	s10 =	sld [smem:$0x3FBA];
	_ =	sdelay $0x3  }
0x34: {  	[smem:$0x3FBA] =	sst s10  }
0x35: {  	s10 =	sld [smem:$0x3FB9];
	_ =	sdelay $0x3  }
0x36: {  	p1 =	seq.s32 s10, $0x1;
	s10 =	sld [smem:$0x3FBA];
	_ =	sdelay $0x3  }
0x37: {  	[smem:$0x3FBA] =	sst s10  }
0x38: {  	s10 =	sld [smem:$0x3FBB]  }
0x39: {  	_ = 	snop;
	(pc) =	sbr.ind lr, $3  }
0x3a: {  	_ = 	snop  }
0x3b: {  	_ = 	snop  }
0x3c: {  	p2 =	seq.s32 s10, $0x1;
	s10 =	sld [smem:$0x3FBA]  }
0x3d: {  	_ =	shalt  }
0x3e: {  	_ =	shalt  }
0x3f: {  	_ =	shalt  }
0x40: {  	_ =	shalt  }
0x41: {  	_ =	shalt  }
0x42: {  	_ =	shalt  }
0x43: {  	_ =	shalt  }
0x44: {  	_ =	shalt  }
0x45: {  	_ =	shalt  }
0x46: {  	_ =	shalt  }
0x47: {  	_ =	shalt  }
0x48: {  	_ =	shalt  }
0x49: {  	_ =	shalt  }
0x4a: {  	_ =	shalt  }
0x4b: {  	_ =	shalt  }
0x4c: {  	_ =	shalt  }
0x4d: {  	_ =	shalt  }
0x4e: {  	_ =	shalt  }
0x4f: {  	_ =	shalt  }
0x50: {  	_ =	shalt  }
0x51: {  	_ =	shalt  }
0x52: {  	_ =	shalt  }
0x53: {  	_ =	shalt  }
0x54: {  	_ =	shalt  }
0x55: {  	_ =	shalt  }
0x56: {  	_ =	shalt  }
0x57: {  	_ =	shalt  }
0x58: {  	_ =	shalt  }
0x59: {  	_ =	shalt  }
0x5a: {  	_ =	shalt  }
0x5b: {  	_ =	shalt  }
0x5c: {  	_ =	shalt  }
0x5d: {  	_ =	shalt  }
0x5e: {  	_ =	shalt  }
0x5f: {  	_ =	shalt  }
0x60: {  	_ =	shalt  }
0x61: {  	_ =	shalt  }
0x62: {  	_ =	shalt  }
0x63: {  	_ =	shalt  }
0x64: {  	_ =	shalt  }
0x65: {  	_ =	shalt  }
0x66: {  	_ =	shalt  }
0x67: {  	_ =	shalt  }
0x68: {  	_ =	shalt  }
0x69: {  	_ =	shalt  }
0x6a: {  	_ =	shalt  }
0x6b: {  	_ =	shalt  }
0x6c: {  	_ =	shalt  }
0x6d: {  	_ =	shalt  }
0x6e: {  	_ =	shalt  }
0x6f: {  	_ =	shalt  }
0x70: {  	_ =	shalt  }
0x71: {  	_ =	shalt  }
0x72: {  	_ =	shalt  }
0x73: {  	_ =	shalt  }
0x74: {  	_ =	shalt  }
0x75: {  	_ =	shalt  }
0x76: {  	_ =	shalt  }
0x77: {  	_ =	shalt  }
0x78: {  	_ =	shalt  }
0x79: {  	_ =	shalt  }
0x7a: {  	_ =	shalt  }
0x7b: {  	_ =	shalt  }
0x7c: {  	_ =	shalt  }
0x7d: {  	_ =	shalt  }
0x7e: {  	_ =	shalt  }
0x7f: {  	_ =	shalt  }
0x80: {  	_ =	shalt  }
0x81: {  	_ =	shalt  }
0x82: {  	_ =	shalt  }
0x83: {  	_ =	shalt  }
0x84: {  	_ =	shalt  }
0x85: {  	_ =	shalt  }
0x86: {  	_ =	shalt  }
0x87: {  	_ =	shalt  }
.Lfunc_end0:
.L_simem_size_0:
called_computation_lowered:
.L_overlay_start_0:
0x88: {  	s2 =	sld [smem:$0x3FD9]  }
0x89: {  	s3 =	sld [smem:$0x3FFE];
	_ =	sdelay $0x1  }
0x8a: {  	s1 =	srdreg.scid  }
0x8b: {  	s0 =	sand.u32 $0x1, s1  }
0x8c: {  	s16 =	sshll.u32 s0, $0xA;
	s2 =	sadd.s32 s3, s2  }
0x8d: {  	s2 =	sadd.s32 s2, s16  }
0x8e: {  	[smem:$0x3FC6] =	sst s2  }
0x8f: {  	_ = 	snop  }
0x90: {  	(tm) =	ssettm $0x1  }
0x91: {  	s17 =	sld [smem:$0x3FFB];
	_ =	sdelay $0x3  }
0x92: {  	_ =	strace s17  }
0x93: {  	s2 =	sld [smem:$0x3FFC];
	_ =	sdelay $0x3  }
0x94: {  	_ =	strace s2  }
0x95: {  	s2 =	sld [smem:$0x3FFD];
	_ =	sdelay $0x3  }
0x96: {  	_ =	strace s2  }
0x97: {  	_ =	strace $0x8FFFFFFF  }
0x98: {  	s18 =	sld [smem:$0x3FDB];
	_ =	sdelay $0x1  }
0x99: {  	s19 =	simm.s32 $_scs_section_size  }
0x9a: {  	s4 =	simm.s32 $_size__tile_overlayer_lowered;
	s5 =	simm.s32 $_tile_overlayer_lowered  }
0x9b: {  	s22 =	simm.s32 $0x1BFF;
	s21 =	sshll.u32 s5, $0x1;
	s2 =	sadd.s32 s19, s18  }
0x9c: {  	s6 =	simm.s32 $0x0;
	s20 =	sshll.u32 s4, $0x1;
	s4 =	sadd.s32 s21, s2  }
0x9d: {  	[timem:s6], [sflag:s22] =	dma.local [hbm:s4], s20  }
0x9e: {  	_ =	swait.ge [sflag:s22], s20  }
0x9f: {  	s3 =	ssub.s32 $0x0, s20;
	[sflag:s22] =	ssyncset.done $0x0  }
0xa0: {  	[sflag:s22] =	ssyncadd.s32 s3;
	_ =	sdelay $0x1  }
0xa1: {  	s23 =	simm.s32 $0x1B8B  }
0xa2: {  	_ =	swait.ge [sflag:s23], $0x1  }
0xa3: {  	[sflag:s23] =	ssyncset.done $0x0  }
0xa4: {  	s25 =	simm.s32 $0x1B8E;
	s24 =	sld [smem:$0x3FFE];
	[sflag:s23] =	ssyncadd.s32 $0xFFFFFFFF  }
0xa5: {  	s26 =	simm.s32 $execute0_lowered;
	[smem:$0x3FD2] =	sst s25  }
0xa6: {  	s4 =	sshll.u32 s26, $0x1;
	_ =	strace $0x80000046;
	[dreg:$0x1] =	wrdreg $0xFFFFFFFF  }
0xa7: {  	s28 =	simm.s32 $_size_execute0_lowered;
	s2 =	sadd.s32 s2, s4;
	[dreg:$0x0] =	wrdreg $0x0  }
0xa8: {  	s4 =	sshll.u32 s28, $0x1;
	[dreg:$0x2] =	wrdreg s2  }
0xa9: {  	[dreg:$0x3] =	wrdreg s4  }
0xaa: {  	[dreg:$0x4] =	wrdreg $0xC0  }
0xab: {  	_ =	task [dreg:s6], $0x5FFFF  }
0xac: {  	[dreg:$0x1] =	wrdreg $0xFFFFFFFF  }
0xad: {  	[dreg:$0x0] =	wrdreg $0x60  }
0xae: {  	[dreg:$0x2] =	wrdreg s24  }
0xaf: {  	[dreg:$0x3] =	wrdreg $0x9  }
0xb0: {  	_ =	task.clear_ibuf [dreg:s6], $0x4FFFF;
	_ =	strace $0x90000046  }
0xb1: {  	s29 =	simm.s32 $0x9;
	_ =	strace $0x80000048  }
0xb2: {  	_ =	swait.ge [sflag:s29], $0x1  }
0xb3: {  	[sflag:s29] =	ssyncadd.s32 $0xFFFFFFFF  }
0xb4: {  	_ =	strace $0x90000048  }
0xb5: {  	_ =	sfence  }
0xb6: {  	s30 =	sld [smem:$0x0];
	_ =	sdelay $0x2  }
0xb7: {  	s31 =	sshll.u32 s1, $0xD;
	s1 =	sshrl.u32 s1, $0x2  }
0xb8: {  	s3 =	sand.u32 $0x4000, s31;
	s1 =	sadd.s32 s1, s30  }
0xb9: {  	s0 =	sor.u32 s3, s0;
	s1 =	sshll.u32 s1, $0x11  }
0xba: {  	s0 =	sor.u32 s1, s0  }
0xbb: {  	s0 =	sadd.s32 $0x8F2B, s0  }
0xbc: {  	[sflag:s0] =	ssyncadd.remote.s32 $0x1  }
0xbd: {  	_ =	sfence.sel $0xFFFF  }
0xbe: {  	[dreg:$0x0] =	wrdreg $0xFFFFFFFF;
	(pc) =	sbr.abs _section_cstart, $3  }
0xbf: {  	[dreg:$0x1] =	wrdreg $0xFFFFFFFF  }
0xc0: {  	_ =	task.clear_ibuf [dreg:s6], $0x2FFFF;
	_ =	strace $0x9FFFFFFF  }
0xc1: {  	(tm) =	ssettm $0x7FFFFFFF  }
tec
execute0_lowered:
.L_overlay_start_1:
0x0: {  	(tag) =	ssettag $0x1  }
0x1: {  	s3 =	rddreg [dreg:$0x0]  }
0x2: {  	s0 =	rddreg [dreg:$0x1];
	s4 =	srdreg.scid  }
0x3: {  	s1 =	stileid.u32;
	s2 =	simm.s32 $0x0;
	s13 =	simm.s32 $0x2000  }
0x4: {  	s14 =	simm.s32 $0x1;
	s15 =	simm.s32 $0x4000;
	s16 =	simm.s32 $0x2  }
0x5: {  	s17 =	simm.s32 $0x3;
	s4 =	sand.u32 $0x1, s4;
	s5 =	sshll.u32 s1, $0x1  }
0x6: {  	s18 =	simm.s32 $0x0;
	[smem:$0x7FF] =	sst s2;
	s5 =	sor.u32 s4, s5  }
0x7: {  	_ =	strace $0x80000047;
	s4 =	ssub.s32 $0x2, s4;
	s6 =	sshll.u32 s5, $0xD  }
0x8: {  	s5 =	sshll.u32 s5, $0xC;
	s31 =	sshrl.u32 s4, $0x1;
	s10 =	sadd.s32 s6, s3  }
0x9: {  	s11 =	sadd.s32 s5, s3;
	s12 =	ssub.s32 s4, s31;
	s3 =	sadd.s32 $0xC00, s10  }
0xa: {  	s4 =	sadd.s32 $0x1000, s10;
	s5 =	sadd.s32 $0x1400, s10;
	s6 =	sadd.s32 $0x1800, s10  }
0xb: {  	s7 =	sadd.s32 $0x1C00, s10;
	s8 =	sadd.s32 $0x2000, s10;
	s9 =	sadd.s32 $0x2400, s10  }
0xc: {  	v0 =	vimm.s32 $0x0;
	v1 =	vimm.s32 $0x1;
	s10 =	sadd.s32 $0x2800, s10;
	s11 =	sadd.s32 $0x40C00, s11;
	s12 =	smax.u32 s12, $0x1  }
.LBB2_1:
0xd: {  	[tilespmem:s2], [sflag:$0x1] =	stream.linear.gather [hbm4b:s3+s2], $0x2000, $0x38;
	[tilespmem:$0xC000] =	vst v63  }
0xe: {  	s19 =	simm.s32 $0x0;
	s20 =	simm.s32 $0x200  }
0xf: {  	[tilespmem:s13], [sflag:$0x2] =	stream.linear.gather [hbm4b:s4+s2], $0x2000, $0x38;
	[tilespmem:$0xC000] =	vst v63  }
.LBB2_2:
0x10: {  	p0 =	sne.s32 s20, $0x1FE00;
	[tilespmem:s19+$0x4070] =	vst v0  }
0x11: {  	[tilespmem:s19+$0x4000] =	vst v0  }
0x12: {  	[tilespmem:s19+$0x4010] =	vst v0  }
.Ltmp0:
0x13: {  	[tilespmem:s19+$0x4020] =	vst v0;
	(pc) =	sbr.rel @p0 .LBB2_2-.Ltmp0, $4  }
0x14: {  	[tilespmem:s19+$0x4030] =	vst v0  }
0x15: {  	[tilespmem:s19+$0x4040] =	vst v0  }
0x16: {  	[tilespmem:s19+$0x4050] =	vst v0  }
0x17: {  	[tilespmem:s19+$0x4060] =	vst v0;
	s19 =	sshra.s32 s20, $0x2;
	s20 =	sadd.s32 $0x200, s20  }
0x18: {  	[tilespmem:s19+$0x4070] =	vst v0  }
0x19: {  	[tilespmem:s19+$0x4000] =	vst v0  }
0x1a: {  	[tilespmem:s19+$0x4010] =	vst v0  }
0x1b: {  	[tilespmem:s19+$0x4020] =	vst v0  }
0x1c: {  	[tilespmem:s19+$0x4030] =	vst v0  }
0x1d: {  	[tilespmem:s19+$0x4040] =	vst v0  }
0x1e: {  	[tilespmem:s19+$0x4050] =	vst v0  }
0x1f: {  	[tilespmem:s19+$0x4060] =	vst v0;
	s31 =	simm.s32 $0x0;
	s20 =	simm.s32 $0x0  }
0x20: {  	s21 =	simm.s32 $0x0;
	_ =	swait.ge [sflag:s14], $0x2000;
	s19 =	sand.u32 $0x2000, s31  }
0x21: {  	s20 =	sand.u32 $0x1000, s20;
	[sflag:s14] =	ssyncset.done $0x0;
	s19 =	sshrl.u32 s19, $0x2  }
0x22: {  	s21 =	sand.u32 $0x380, s21;
	[sflag:s14] =	ssyncadd.s32 $0xFFFFE000;
	s19 =	sor.u32 s19, s20  }
0x23: {  	[tilespmem:s31], [sflag:$0x1] =	stream.linear.gather [hbm4b:s5+s31], $0x2000, $0x38;
	[tilespmem:$0xC000] =	vst v63  }
0x24: {  	s19 =	sor.u32 s21, s19  }
0x25: {  	v2 =	vld [tilespmem:s19+$0x60]  }
0x26: {  	v3 =	vld [tilespmem:s19+$0x50]  }
0x27: {  	v4 =	vld [tilespmem:s19+$0x40]  }
0x28: {  	v5 =	vld [tilespmem:s19+$0x30]  }
0x29: {  	v6 =	vld [tilespmem:s19+$0x20]  }
0x2a: {  	v7 =	vld [tilespmem:s19+$0x10]  }
0x2b: {  	v8 =	vld [tilespmem:s19+$0x0]  }
0x2c: {  	v9 =	vld [tilespmem:s19+$0x70]  }
0x2d: {  	v10 =	vld [tilespmem:s19+$0x400]  }
0x2e: {  	v11 =	vld [tilespmem:s19+$0x410]  }
0x2f: {  	v12 =	vld [tilespmem:s19+$0x420]  }
0x30: {  	v13 =	vld [tilespmem:s19+$0x430];
	v8 =	vshrl.u32 v8, $0x10  }
0x31: {  	v14 =	vld [tilespmem:s19+$0x440];
	v7 =	vshrl.u32 v7, $0x10  }
0x32: {  	v15 =	vld [tilespmem:s19+$0x450];
	v6 =	vshrl.u32 v6, $0x10  }
0x33: {  	v16 =	vld [tilespmem:s19+$0x460];
	v5 =	vshrl.u32 v5, $0x10  }
0x34: {  	v17 =	vld [tilespmem:s19+$0x470];
	v4 =	vshrl.u32 v4, $0x10  }
0x35: {  	v3 =	vshrl.u32 v3, $0x10;
	[tilespmem:v8+s15+$0x0] =	vst.idx.add.s32.msk $0xffff, v1  }
0x36: {  	v2 =	vshrl.u32 v2, $0x10;
	[tilespmem:v7+s15+$0x0] =	vst.idx.add.s32.msk $0xffff, v1  }
0x37: {  	v7 =	vshrl.u32 v9, $0x10;
	[tilespmem:v6+s15+$0x0] =	vst.idx.add.s32.msk $0xffff, v1  }
0x38: {  	v6 =	vshrl.u32 v10, $0x10;
	[tilespmem:v5+s15+$0x0] =	vst.idx.add.s32.msk $0xffff, v1  }
0x39: {  	v5 =	vshrl.u32 v11, $0x10;
	[tilespmem:v4+s15+$0x0] =	vst.idx.add.s32.msk $0xffff, v1  }
0x3a: {  	v4 =	vshrl.u32 v12, $0x10;
	[tilespmem:v3+s15+$0x0] =	vst.idx.add.s32.msk $0xffff, v1  }
0x3b: {  	v63 =	vshrl.u32 v13, $0x10;
	[tilespmem:v2+s15+$0x0] =	vst.idx.add.s32.msk $0xffff, v1  }
0x3c: {  	[tilespmem:v7+s15+$0x0] =	vst.idx.add.s32.msk $0xffff, v1  }
0x3d: {  	v2 =	vshrl.u32 v14, $0x10;
	[tilespmem:v6+s15+$0x0] =	vst.idx.add.s32.msk $0xffff, v1  }
0x3e: {  	[tilespmem:v5+s15+$0x0] =	vst.idx.add.s32.msk $0xffff, v1;
	v5 =	vshrl.u32 v15, $0x10  }
0x3f: {  	v3 =	vshrl.u32 v16, $0x10;
	[tilespmem:v4+s15+$0x0] =	vst.idx.add.s32.msk $0xffff, v1  }
0x40: {  	s21 =	simm.s32 $0x1;
	s19 =	simm.s32 $0x2000;
	v4 =	vshrl.u32 v17, $0x10;
	[tilespmem:v63+s15+$0x0] =	vst.idx.add.s32.msk $0xffff, v1  }
.LBB2_4:
0x41: {  	s22 =	sand.u32 $0x2000, s19  }
0x42: {  	s23 =	sshll.u32 s21, $0x8;
	[tilespmem:v2+s15+$0x0] =	vst.idx.add.s32.msk $0xffff, v1;
	s24 =	smov.u32 s21;
	s20 =	sadd.s32 $0x1, s21  }
0x43: {  	s23 =	sand.u32 $0x1000, s23;
	s24 =	sshll.u32 s24, $0x6;
	s22 =	sshrl.u32 s22, $0x2;
	[tilespmem:v5+s15+$0x0] =	vst.idx.add.s32.msk $0xffff, v1  }
0x44: {  	p0 =	sne.s32 s21, $0x1F;
	s24 =	sand.u32 $0x380, s24;
	s22 =	sor.u32 s22, s23;
	[tilespmem:v3+s15+$0x0] =	vst.idx.add.s32.msk $0xffff, v1  }
0x45: {  	s21 =	sor.u32 s24, s22;
	[tilespmem:v4+s15+$0x0] =	vst.idx.add.s32.msk $0xffff, v1  }
0x46: {  	v2 =	vld [tilespmem:s21+$0x60]  }
0x47: {  	v3 =	vld [tilespmem:s21+$0x50]  }
0x48: {  	v4 =	vld [tilespmem:s21+$0x40]  }
0x49: {  	v5 =	vld [tilespmem:s21+$0x30]  }
0x4a: {  	v6 =	vld [tilespmem:s21+$0x20]  }
0x4b: {  	v7 =	vld [tilespmem:s21+$0x10]  }
0x4c: {  	v8 =	vld [tilespmem:s21+$0x0]  }
0x4d: {  	v9 =	vld [tilespmem:s21+$0x70]  }
0x4e: {  	v10 =	vld [tilespmem:s21+$0x400];
	v5 =	vshrl.u32 v5, $0x10  }
0x4f: {  	v4 =	vshrl.u32 v4, $0x10;
	v11 =	vld [tilespmem:s21+$0x410]  }
0x50: {  	v3 =	vshrl.u32 v3, $0x10;
	v12 =	vld [tilespmem:s21+$0x420]  }
0x51: {  	v14 =	vshrl.u32 v2, $0x10;
	v6 =	vshrl.u32 v6, $0x10;
	v13 =	vld [tilespmem:s21+$0x430];
	v8 =	vshrl.u32 v8, $0x10  }
0x52: {  	v7 =	vshrl.u32 v7, $0x10;
	v2 =	vld [tilespmem:s21+$0x440];
	v9 =	vshrl.u32 v9, $0x10  }
0x53: {  	v15 =	vld [tilespmem:s21+$0x450];
	v10 =	vshrl.u32 v10, $0x10  }
0x54: {  	v16 =	vld [tilespmem:s21+$0x460];
	v11 =	vshrl.u32 v11, $0x10  }
0x55: {  	v17 =	vld [tilespmem:s21+$0x470]  }
0x56: {  	[tilespmem:v8+s15+$0x0] =	vst.idx.add.s32.msk $0xffff, v1  }
0x57: {  	v8 =	vshrl.u32 v12, $0x10;
	[tilespmem:v7+s15+$0x0] =	vst.idx.add.s32.msk $0xffff, v1  }
0x58: {  	[tilespmem:v6+s15+$0x0] =	vst.idx.add.s32.msk $0xffff, v1  }
0x59: {  	v6 =	vshrl.u32 v13, $0x10;
	[tilespmem:v5+s15+$0x0] =	vst.idx.add.s32.msk $0xffff, v1  }
0x5a: {  	v2 =	vshrl.u32 v2, $0x10;
	[tilespmem:v4+s15+$0x0] =	vst.idx.add.s32.msk $0xffff, v1  }
0x5b: {  	[tilespmem:v3+s15+$0x0] =	vst.idx.add.s32.msk $0xffff, v1  }
0x5c: {  	[tilespmem:v14+s15+$0x0] =	vst.idx.add.s32.msk $0xffff, v1  }
.Ltmp1:
0x5d: {  	v5 =	vshrl.u32 v15, $0x10;
	[tilespmem:v9+s15+$0x0] =	vst.idx.add.s32.msk $0xffff, v1;
	(pc) =	sbr.rel @p0 .LBB2_4-.Ltmp1, $4  }
0x5e: {  	v3 =	vshrl.u32 v16, $0x10;
	[tilespmem:v10+s15+$0x0] =	vst.idx.add.s32.msk $0xffff, v1  }
0x5f: {  	v4 =	vshrl.u32 v17, $0x10;
	[tilespmem:v11+s15+$0x0] =	vst.idx.add.s32.msk $0xffff, v1  }
0x60: {  	[tilespmem:v8+s15+$0x0] =	vst.idx.add.s32.msk $0xffff, v1  }
0x61: {  	s19 =	sadd.s32 $0x2000, s19;
	s21 =	smov.u32 s20;
	[tilespmem:v6+s15+$0x0] =	vst.idx.add.s32.msk $0xffff, v1  }
0x62: {  	_ =	sdelay $0x3  }
0x63: {  	[tilespmem:v2+s15+$0x0] =	vst.idx.add.s32.msk $0xffff, v1  }
0x64: {  	[tilespmem:v5+s15+$0x0] =	vst.idx.add.s32.msk $0xffff, v1  }
0x65: {  	[tilespmem:v3+s15+$0x0] =	vst.idx.add.s32.msk $0xffff, v1  }
0x66: {  	[tilespmem:v4+s15+$0x0] =	vst.idx.add.s32.msk $0xffff, v1  }
0x67: {  	_ =	swait.ge [sflag:s16], $0x2000  }
0x68: {  	[sflag:s16] =	ssyncset.done $0x0  }
0x69: {  	s19 =	simm.s32 $0x0;
	[sflag:s16] =	ssyncadd.s32 $0xFFFFE000  }
0x6a: {  	[tilespmem:s13], [sflag:$0x2] =	stream.linear.gather [hbm4b:s6+s19], $0x2000, $0x38;
	[tilespmem:$0xC000] =	vst v63  }
0x6b: {  	s20 =	simm.s32 $0x0;
	s19 =	sand.u32 $0x2000, s19  }
0x6c: {  	s21 =	simm.s32 $0x0;
	s20 =	sand.u32 $0x1000, s20;
	s19 =	sshrl.u32 s19, $0x2  }
0x6d: {  	s21 =	sand.u32 $0x380, s21;
	s19 =	sor.u32 s19, s20  }
0x6e: {  	s19 =	sor.u32 s21, s19  }
0x6f: {  	v2 =	vld [tilespmem:s19+$0x2060]  }
0x70: {  	v3 =	vld [tilespmem:s19+$0x2050]  }
0x71: {  	v4 =	vld [tilespmem:s19+$0x2040]  }
0x72: {  	v5 =	vld [tilespmem:s19+$0x2030]  }
0x73: {  	v6 =	vld [tilespmem:s19+$0x2020]  }
0x74: {  	v7 =	vld [tilespmem:s19+$0x2010]  }
0x75: {  	v8 =	vld [tilespmem:s19+$0x2000]  }
0x76: {  	v9 =	vld [tilespmem:s19+$0x2070]  }
0x77: {  	v10 =	vld [tilespmem:s19+$0x2400]  }
0x78: {  	v11 =	vld [tilespmem:s19+$0x2410]  }
0x79: {  	v12 =	vld [tilespmem:s19+$0x2420]  }
0x7a: {  	v13 =	vld [tilespmem:s19+$0x2430];
	v8 =	vshrl.u32 v8, $0x10  }
0x7b: {  	v14 =	vld [tilespmem:s19+$0x2440];
	v7 =	vshrl.u32 v7, $0x10  }
0x7c: {  	v15 =	vld [tilespmem:s19+$0x2450];
	v6 =	vshrl.u32 v6, $0x10  }
0x7d: {  	v16 =	vld [tilespmem:s19+$0x2460];
	v5 =	vshrl.u32 v5, $0x10  }
0x7e: {  	v17 =	vld [tilespmem:s19+$0x2470];
	v4 =	vshrl.u32 v4, $0x10  }
0x7f: {  	v3 =	vshrl.u32 v3, $0x10;
	[tilespmem:v8+s15+$0x0] =	vst.idx.add.s32.msk $0xffff, v1  }
0x80: {  	v2 =	vshrl.u32 v2, $0x10;
	[tilespmem:v7+s15+$0x0] =	vst.idx.add.s32.msk $0xffff, v1  }
0x81: {  	v7 =	vshrl.u32 v9, $0x10;
	[tilespmem:v6+s15+$0x0] =	vst.idx.add.s32.msk $0xffff, v1  }
0x82: {  	v6 =	vshrl.u32 v10, $0x10;
	[tilespmem:v5+s15+$0x0] =	vst.idx.add.s32.msk $0xffff, v1  }
0x83: {  	v5 =	vshrl.u32 v11, $0x10;
	[tilespmem:v4+s15+$0x0] =	vst.idx.add.s32.msk $0xffff, v1  }
0x84: {  	v4 =	vshrl.u32 v12, $0x10;
	[tilespmem:v3+s15+$0x0] =	vst.idx.add.s32.msk $0xffff, v1  }
0x85: {  	v63 =	vshrl.u32 v13, $0x10;
	[tilespmem:v2+s15+$0x0] =	vst.idx.add.s32.msk $0xffff, v1  }
0x86: {  	[tilespmem:v7+s15+$0x0] =	vst.idx.add.s32.msk $0xffff, v1  }
0x87: {  	v2 =	vshrl.u32 v14, $0x10;
	[tilespmem:v6+s15+$0x0] =	vst.idx.add.s32.msk $0xffff, v1  }
0x88: {  	[tilespmem:v5+s15+$0x0] =	vst.idx.add.s32.msk $0xffff, v1;
	v5 =	vshrl.u32 v15, $0x10  }
0x89: {  	v3 =	vshrl.u32 v16, $0x10;
	[tilespmem:v4+s15+$0x0] =	vst.idx.add.s32.msk $0xffff, v1  }
0x8a: {  	s21 =	simm.s32 $0x1;
	s19 =	simm.s32 $0x2000;
	v4 =	vshrl.u32 v17, $0x10;
	[tilespmem:v63+s15+$0x0] =	vst.idx.add.s32.msk $0xffff, v1  }
.LBB2_6:
0x8b: {  	s22 =	sand.u32 $0x2000, s19  }
0x8c: {  	s23 =	sshll.u32 s21, $0x8;
	[tilespmem:v2+s15+$0x0] =	vst.idx.add.s32.msk $0xffff, v1;
	s24 =	smov.u32 s21;
	s20 =	sadd.s32 $0x1, s21  }
0x8d: {  	s23 =	sand.u32 $0x1000, s23;
	s24 =	sshll.u32 s24, $0x6;
	s22 =	sshrl.u32 s22, $0x2;
	[tilespmem:v5+s15+$0x0] =	vst.idx.add.s32.msk $0xffff, v1  }
0x8e: {  	p0 =	sne.s32 s21, $0x1F;
	s24 =	sand.u32 $0x380, s24;
	s22 =	sor.u32 s22, s23;
	[tilespmem:v3+s15+$0x0] =	vst.idx.add.s32.msk $0xffff, v1  }
0x8f: {  	s21 =	sor.u32 s24, s22;
	[tilespmem:v4+s15+$0x0] =	vst.idx.add.s32.msk $0xffff, v1  }
0x90: {  	v2 =	vld [tilespmem:s21+$0x2060]  }
0x91: {  	v3 =	vld [tilespmem:s21+$0x2050]  }
0x92: {  	v4 =	vld [tilespmem:s21+$0x2040]  }
0x93: {  	v5 =	vld [tilespmem:s21+$0x2030]  }
0x94: {  	v6 =	vld [tilespmem:s21+$0x2020]  }
0x95: {  	v7 =	vld [tilespmem:s21+$0x2010]  }
0x96: {  	v8 =	vld [tilespmem:s21+$0x2000]  }
0x97: {  	v9 =	vld [tilespmem:s21+$0x2070]  }
0x98: {  	v10 =	vld [tilespmem:s21+$0x2400];
	v5 =	vshrl.u32 v5, $0x10  }
0x99: {  	v4 =	vshrl.u32 v4, $0x10;
	v11 =	vld [tilespmem:s21+$0x2410]  }
0x9a: {  	v3 =	vshrl.u32 v3, $0x10;
	v12 =	vld [tilespmem:s21+$0x2420]  }
0x9b: {  	v14 =	vshrl.u32 v2, $0x10;
	v6 =	vshrl.u32 v6, $0x10;
	v13 =	vld [tilespmem:s21+$0x2430];
	v8 =	vshrl.u32 v8, $0x10  }
0x9c: {  	v7 =	vshrl.u32 v7, $0x10;
	v2 =	vld [tilespmem:s21+$0x2440];
	v9 =	vshrl.u32 v9, $0x10  }
0x9d: {  	v15 =	vld [tilespmem:s21+$0x2450];
	v10 =	vshrl.u32 v10, $0x10  }
0x9e: {  	v16 =	vld [tilespmem:s21+$0x2460];
	v11 =	vshrl.u32 v11, $0x10  }
0x9f: {  	v17 =	vld [tilespmem:s21+$0x2470]  }
0xa0: {  	[tilespmem:v8+s15+$0x0] =	vst.idx.add.s32.msk $0xffff, v1  }
0xa1: {  	v8 =	vshrl.u32 v12, $0x10;
	[tilespmem:v7+s15+$0x0] =	vst.idx.add.s32.msk $0xffff, v1  }
0xa2: {  	[tilespmem:v6+s15+$0x0] =	vst.idx.add.s32.msk $0xffff, v1  }
0xa3: {  	v6 =	vshrl.u32 v13, $0x10;
	[tilespmem:v5+s15+$0x0] =	vst.idx.add.s32.msk $0xffff, v1  }
0xa4: {  	v2 =	vshrl.u32 v2, $0x10;
	[tilespmem:v4+s15+$0x0] =	vst.idx.add.s32.msk $0xffff, v1  }
0xa5: {  	[tilespmem:v3+s15+$0x0] =	vst.idx.add.s32.msk $0xffff, v1  }
0xa6: {  	[tilespmem:v14+s15+$0x0] =	vst.idx.add.s32.msk $0xffff, v1  }
.Ltmp2:
0xa7: {  	v5 =	vshrl.u32 v15, $0x10;
	[tilespmem:v9+s15+$0x0] =	vst.idx.add.s32.msk $0xffff, v1;
	(pc) =	sbr.rel @p0 .LBB2_6-.Ltmp2, $4  }
0xa8: {  	v3 =	vshrl.u32 v16, $0x10;
	[tilespmem:v10+s15+$0x0] =	vst.idx.add.s32.msk $0xffff, v1  }
0xa9: {  	v4 =	vshrl.u32 v17, $0x10;
	[tilespmem:v11+s15+$0x0] =	vst.idx.add.s32.msk $0xffff, v1  }
0xaa: {  	[tilespmem:v8+s15+$0x0] =	vst.idx.add.s32.msk $0xffff, v1  }
0xab: {  	s19 =	sadd.s32 $0x2000, s19;
	s21 =	smov.u32 s20;
	[tilespmem:v6+s15+$0x0] =	vst.idx.add.s32.msk $0xffff, v1  }
0xac: {  	_ =	sdelay $0x3  }
0xad: {  	[tilespmem:v2+s15+$0x0] =	vst.idx.add.s32.msk $0xffff, v1  }
0xae: {  	[tilespmem:v5+s15+$0x0] =	vst.idx.add.s32.msk $0xffff, v1  }
0xaf: {  	[tilespmem:v3+s15+$0x0] =	vst.idx.add.s32.msk $0xffff, v1  }
0xb0: {  	[tilespmem:v4+s15+$0x0] =	vst.idx.add.s32.msk $0xffff, v1  }
0xb1: {  	_ =	swait.ge [sflag:s14], $0x2000  }
0xb2: {  	[sflag:s14] =	ssyncset.done $0x0  }
0xb3: {  	s19 =	simm.s32 $0x0;
	[sflag:s14] =	ssyncadd.s32 $0xFFFFE000  }
0xb4: {  	[tilespmem:s19], [sflag:$0x1] =	stream.linear.gather [hbm4b:s7+s19], $0x2000, $0x38;
	[tilespmem:$0xC000] =	vst v63  }
0xb5: {  	s20 =	simm.s32 $0x0;
	s19 =	sand.u32 $0x2000, s19  }
0xb6: {  	s21 =	simm.s32 $0x0;
	s20 =	sand.u32 $0x1000, s20;
	s19 =	sshrl.u32 s19, $0x2  }
0xb7: {  	s21 =	sand.u32 $0x380, s21;
	s19 =	sor.u32 s19, s20  }
0xb8: {  	s19 =	sor.u32 s21, s19  }
0xb9: {  	v2 =	vld [tilespmem:s19+$0x60]  }
0xba: {  	v3 =	vld [tilespmem:s19+$0x50]  }
0xbb: {  	v4 =	vld [tilespmem:s19+$0x40]  }
0xbc: {  	v5 =	vld [tilespmem:s19+$0x30]  }
0xbd: {  	v6 =	vld [tilespmem:s19+$0x20]  }
0xbe: {  	v7 =	vld [tilespmem:s19+$0x10]  }
0xbf: {  	v8 =	vld [tilespmem:s19+$0x0]  }
0xc0: {  	v9 =	vld [tilespmem:s19+$0x70]  }
0xc1: {  	v10 =	vld [tilespmem:s19+$0x400]  }
0xc2: {  	v11 =	vld [tilespmem:s19+$0x410]  }
0xc3: {  	v12 =	vld [tilespmem:s19+$0x420]  }
0xc4: {  	v13 =	vld [tilespmem:s19+$0x430];
	v8 =	vshrl.u32 v8, $0x10  }
0xc5: {  	v14 =	vld [tilespmem:s19+$0x440];
	v7 =	vshrl.u32 v7, $0x10  }
0xc6: {  	v15 =	vld [tilespmem:s19+$0x450];
	v6 =	vshrl.u32 v6, $0x10  }
0xc7: {  	v16 =	vld [tilespmem:s19+$0x460];
	v5 =	vshrl.u32 v5, $0x10  }
0xc8: {  	v17 =	vld [tilespmem:s19+$0x470];
	v4 =	vshrl.u32 v4, $0x10  }
0xc9: {  	v3 =	vshrl.u32 v3, $0x10;
	[tilespmem:v8+s15+$0x0] =	vst.idx.add.s32.msk $0xffff, v1  }
0xca: {  	v2 =	vshrl.u32 v2, $0x10;
	[tilespmem:v7+s15+$0x0] =	vst.idx.add.s32.msk $0xffff, v1  }
0xcb: {  	v7 =	vshrl.u32 v9, $0x10;
	[tilespmem:v6+s15+$0x0] =	vst.idx.add.s32.msk $0xffff, v1  }
0xcc: {  	v6 =	vshrl.u32 v10, $0x10;
	[tilespmem:v5+s15+$0x0] =	vst.idx.add.s32.msk $0xffff, v1  }
0xcd: {  	v5 =	vshrl.u32 v11, $0x10;
	[tilespmem:v4+s15+$0x0] =	vst.idx.add.s32.msk $0xffff, v1  }
0xce: {  	v4 =	vshrl.u32 v12, $0x10;
	[tilespmem:v3+s15+$0x0] =	vst.idx.add.s32.msk $0xffff, v1  }
0xcf: {  	v63 =	vshrl.u32 v13, $0x10;
	[tilespmem:v2+s15+$0x0] =	vst.idx.add.s32.msk $0xffff, v1  }
0xd0: {  	[tilespmem:v7+s15+$0x0] =	vst.idx.add.s32.msk $0xffff, v1  }
0xd1: {  	v2 =	vshrl.u32 v14, $0x10;
	[tilespmem:v6+s15+$0x0] =	vst.idx.add.s32.msk $0xffff, v1  }
0xd2: {  	[tilespmem:v5+s15+$0x0] =	vst.idx.add.s32.msk $0xffff, v1;
	v5 =	vshrl.u32 v15, $0x10  }
0xd3: {  	v3 =	vshrl.u32 v16, $0x10;
	[tilespmem:v4+s15+$0x0] =	vst.idx.add.s32.msk $0xffff, v1  }
0xd4: {  	s21 =	simm.s32 $0x1;
	s19 =	simm.s32 $0x2000;
	v4 =	vshrl.u32 v17, $0x10;
	[tilespmem:v63+s15+$0x0] =	vst.idx.add.s32.msk $0xffff, v1  }
.LBB2_8:
0xd5: {  	s22 =	sand.u32 $0x2000, s19  }
0xd6: {  	s23 =	sshll.u32 s21, $0x8;
	[tilespmem:v2+s15+$0x0] =	vst.idx.add.s32.msk $0xffff, v1;
	s24 =	smov.u32 s21;
	s20 =	sadd.s32 $0x1, s21  }
0xd7: {  	s23 =	sand.u32 $0x1000, s23;
	s24 =	sshll.u32 s24, $0x6;
	s22 =	sshrl.u32 s22, $0x2;
	[tilespmem:v5+s15+$0x0] =	vst.idx.add.s32.msk $0xffff, v1  }
0xd8: {  	p0 =	sne.s32 s21, $0x1F;
	s24 =	sand.u32 $0x380, s24;
	s22 =	sor.u32 s22, s23;
	[tilespmem:v3+s15+$0x0] =	vst.idx.add.s32.msk $0xffff, v1  }
0xd9: {  	s21 =	sor.u32 s24, s22;
	[tilespmem:v4+s15+$0x0] =	vst.idx.add.s32.msk $0xffff, v1  }
0xda: {  	v2 =	vld [tilespmem:s21+$0x60]  }
0xdb: {  	v3 =	vld [tilespmem:s21+$0x50]  }
0xdc: {  	v4 =	vld [tilespmem:s21+$0x40]  }
0xdd: {  	v5 =	vld [tilespmem:s21+$0x30]  }
0xde: {  	v6 =	vld [tilespmem:s21+$0x20]  }
0xdf: {  	v7 =	vld [tilespmem:s21+$0x10]  }
0xe0: {  	v8 =	vld [tilespmem:s21+$0x0]  }
0xe1: {  	v9 =	vld [tilespmem:s21+$0x70]  }
0xe2: {  	v10 =	vld [tilespmem:s21+$0x400];
	v5 =	vshrl.u32 v5, $0x10  }
0xe3: {  	v4 =	vshrl.u32 v4, $0x10;
	v11 =	vld [tilespmem:s21+$0x410]  }
0xe4: {  	v3 =	vshrl.u32 v3, $0x10;
	v12 =	vld [tilespmem:s21+$0x420]  }
0xe5: {  	v14 =	vshrl.u32 v2, $0x10;
	v6 =	vshrl.u32 v6, $0x10;
	v13 =	vld [tilespmem:s21+$0x430];
	v8 =	vshrl.u32 v8, $0x10  }
0xe6: {  	v7 =	vshrl.u32 v7, $0x10;
	v2 =	vld [tilespmem:s21+$0x440];
	v9 =	vshrl.u32 v9, $0x10  }
0xe7: {  	v15 =	vld [tilespmem:s21+$0x450];
	v10 =	vshrl.u32 v10, $0x10  }
0xe8: {  	v16 =	vld [tilespmem:s21+$0x460];
	v11 =	vshrl.u32 v11, $0x10  }
0xe9: {  	v17 =	vld [tilespmem:s21+$0x470]  }
0xea: {  	[tilespmem:v8+s15+$0x0] =	vst.idx.add.s32.msk $0xffff, v1  }
0xeb: {  	v8 =	vshrl.u32 v12, $0x10;
	[tilespmem:v7+s15+$0x0] =	vst.idx.add.s32.msk $0xffff, v1  }
0xec: {  	[tilespmem:v6+s15+$0x0] =	vst.idx.add.s32.msk $0xffff, v1  }
0xed: {  	v6 =	vshrl.u32 v13, $0x10;
	[tilespmem:v5+s15+$0x0] =	vst.idx.add.s32.msk $0xffff, v1  }
0xee: {  	v2 =	vshrl.u32 v2, $0x10;
	[tilespmem:v4+s15+$0x0] =	vst.idx.add.s32.msk $0xffff, v1  }
0xef: {  	[tilespmem:v3+s15+$0x0] =	vst.idx.add.s32.msk $0xffff, v1  }
0xf0: {  	[tilespmem:v14+s15+$0x0] =	vst.idx.add.s32.msk $0xffff, v1  }
.Ltmp3:
0xf1: {  	v5 =	vshrl.u32 v15, $0x10;
	[tilespmem:v9+s15+$0x0] =	vst.idx.add.s32.msk $0xffff, v1;
	(pc) =	sbr.rel @p0 .LBB2_8-.Ltmp3, $4  }
0xf2: {  	v3 =	vshrl.u32 v16, $0x10;
	[tilespmem:v10+s15+$0x0] =	vst.idx.add.s32.msk $0xffff, v1  }
0xf3: {  	v4 =	vshrl.u32 v17, $0x10;
	[tilespmem:v11+s15+$0x0] =	vst.idx.add.s32.msk $0xffff, v1  }
0xf4: {  	[tilespmem:v8+s15+$0x0] =	vst.idx.add.s32.msk $0xffff, v1  }
0xf5: {  	s19 =	sadd.s32 $0x2000, s19;
	s21 =	smov.u32 s20;
	[tilespmem:v6+s15+$0x0] =	vst.idx.add.s32.msk $0xffff, v1  }
0xf6: {  	_ =	sdelay $0x3  }
0xf7: {  	[tilespmem:v2+s15+$0x0] =	vst.idx.add.s32.msk $0xffff, v1  }
0xf8: {  	[tilespmem:v5+s15+$0x0] =	vst.idx.add.s32.msk $0xffff, v1  }
0xf9: {  	[tilespmem:v3+s15+$0x0] =	vst.idx.add.s32.msk $0xffff, v1  }
0xfa: {  	[tilespmem:v4+s15+$0x0] =	vst.idx.add.s32.msk $0xffff, v1  }
0xfb: {  	_ =	swait.ge [sflag:s16], $0x2000  }
0xfc: {  	[sflag:s16] =	ssyncset.done $0x0  }
0xfd: {  	s19 =	simm.s32 $0x0;
	[sflag:s16] =	ssyncadd.s32 $0xFFFFE000  }
0xfe: {  	[tilespmem:s13], [sflag:$0x2] =	stream.linear.gather [hbm4b:s8+s19], $0x2000, $0x38;
	[tilespmem:$0xC000] =	vst v63  }
0xff: {  	s20 =	simm.s32 $0x0;
	s19 =	sand.u32 $0x2000, s19  }
0x100: {  	s21 =	simm.s32 $0x0;
	s20 =	sand.u32 $0x1000, s20;
	s19 =	sshrl.u32 s19, $0x2  }
0x101: {  	s21 =	sand.u32 $0x380, s21;
	s19 =	sor.u32 s19, s20  }
0x102: {  	s19 =	sor.u32 s21, s19  }
0x103: {  	v2 =	vld [tilespmem:s19+$0x2060]  }
0x104: {  	v3 =	vld [tilespmem:s19+$0x2050]  }
0x105: {  	v4 =	vld [tilespmem:s19+$0x2040]  }
0x106: {  	v5 =	vld [tilespmem:s19+$0x2030]  }
0x107: {  	v6 =	vld [tilespmem:s19+$0x2020]  }
0x108: {  	v7 =	vld [tilespmem:s19+$0x2010]  }
0x109: {  	v8 =	vld [tilespmem:s19+$0x2000]  }
0x10a: {  	v9 =	vld [tilespmem:s19+$0x2070]  }
0x10b: {  	v10 =	vld [tilespmem:s19+$0x2400]  }
0x10c: {  	v11 =	vld [tilespmem:s19+$0x2410]  }
0x10d: {  	v12 =	vld [tilespmem:s19+$0x2420]  }
0x10e: {  	v13 =	vld [tilespmem:s19+$0x2430];
	v8 =	vshrl.u32 v8, $0x10  }
0x10f: {  	v14 =	vld [tilespmem:s19+$0x2440];
	v7 =	vshrl.u32 v7, $0x10  }
0x110: {  	v15 =	vld [tilespmem:s19+$0x2450];
	v6 =	vshrl.u32 v6, $0x10  }
0x111: {  	v16 =	vld [tilespmem:s19+$0x2460];
	v5 =	vshrl.u32 v5, $0x10  }
0x112: {  	v17 =	vld [tilespmem:s19+$0x2470];
	v4 =	vshrl.u32 v4, $0x10  }
0x113: {  	v3 =	vshrl.u32 v3, $0x10;
	[tilespmem:v8+s15+$0x0] =	vst.idx.add.s32.msk $0xffff, v1  }
0x114: {  	v2 =	vshrl.u32 v2, $0x10;
	[tilespmem:v7+s15+$0x0] =	vst.idx.add.s32.msk $0xffff, v1  }
0x115: {  	v7 =	vshrl.u32 v9, $0x10;
	[tilespmem:v6+s15+$0x0] =	vst.idx.add.s32.msk $0xffff, v1  }
0x116: {  	v6 =	vshrl.u32 v10, $0x10;
	[tilespmem:v5+s15+$0x0] =	vst.idx.add.s32.msk $0xffff, v1  }
0x117: {  	v5 =	vshrl.u32 v11, $0x10;
	[tilespmem:v4+s15+$0x0] =	vst.idx.add.s32.msk $0xffff, v1  }
0x118: {  	v4 =	vshrl.u32 v12, $0x10;
	[tilespmem:v3+s15+$0x0] =	vst.idx.add.s32.msk $0xffff, v1  }
0x119: {  	v63 =	vshrl.u32 v13, $0x10;
	[tilespmem:v2+s15+$0x0] =	vst.idx.add.s32.msk $0xffff, v1  }
0x11a: {  	[tilespmem:v7+s15+$0x0] =	vst.idx.add.s32.msk $0xffff, v1  }
0x11b: {  	v2 =	vshrl.u32 v14, $0x10;
	[tilespmem:v6+s15+$0x0] =	vst.idx.add.s32.msk $0xffff, v1  }
0x11c: {  	[tilespmem:v5+s15+$0x0] =	vst.idx.add.s32.msk $0xffff, v1;
	v5 =	vshrl.u32 v15, $0x10  }
0x11d: {  	v3 =	vshrl.u32 v16, $0x10;
	[tilespmem:v4+s15+$0x0] =	vst.idx.add.s32.msk $0xffff, v1  }
0x11e: {  	s21 =	simm.s32 $0x1;
	s19 =	simm.s32 $0x2000;
	v4 =	vshrl.u32 v17, $0x10;
	[tilespmem:v63+s15+$0x0] =	vst.idx.add.s32.msk $0xffff, v1  }
.LBB2_10:
0x11f: {  	s22 =	sand.u32 $0x2000, s19  }
0x120: {  	s23 =	sshll.u32 s21, $0x8;
	[tilespmem:v2+s15+$0x0] =	vst.idx.add.s32.msk $0xffff, v1;
	s24 =	smov.u32 s21;
	s20 =	sadd.s32 $0x1, s21  }
0x121: {  	s23 =	sand.u32 $0x1000, s23;
	s24 =	sshll.u32 s24, $0x6;
	s22 =	sshrl.u32 s22, $0x2;
	[tilespmem:v5+s15+$0x0] =	vst.idx.add.s32.msk $0xffff, v1  }
0x122: {  	p0 =	sne.s32 s21, $0x1F;
	s24 =	sand.u32 $0x380, s24;
	s22 =	sor.u32 s22, s23;
	[tilespmem:v3+s15+$0x0] =	vst.idx.add.s32.msk $0xffff, v1  }
0x123: {  	s21 =	sor.u32 s24, s22;
	[tilespmem:v4+s15+$0x0] =	vst.idx.add.s32.msk $0xffff, v1  }
0x124: {  	v2 =	vld [tilespmem:s21+$0x2060]  }
0x125: {  	v3 =	vld [tilespmem:s21+$0x2050]  }
0x126: {  	v4 =	vld [tilespmem:s21+$0x2040]  }
0x127: {  	v5 =	vld [tilespmem:s21+$0x2030]  }
0x128: {  	v6 =	vld [tilespmem:s21+$0x2020]  }
0x129: {  	v7 =	vld [tilespmem:s21+$0x2010]  }
0x12a: {  	v8 =	vld [tilespmem:s21+$0x2000]  }
0x12b: {  	v9 =	vld [tilespmem:s21+$0x2070]  }
0x12c: {  	v10 =	vld [tilespmem:s21+$0x2400];
	v5 =	vshrl.u32 v5, $0x10  }
0x12d: {  	v4 =	vshrl.u32 v4, $0x10;
	v11 =	vld [tilespmem:s21+$0x2410]  }
0x12e: {  	v3 =	vshrl.u32 v3, $0x10;
	v12 =	vld [tilespmem:s21+$0x2420]  }
0x12f: {  	v14 =	vshrl.u32 v2, $0x10;
	v6 =	vshrl.u32 v6, $0x10;
	v13 =	vld [tilespmem:s21+$0x2430];
	v8 =	vshrl.u32 v8, $0x10  }
0x130: {  	v7 =	vshrl.u32 v7, $0x10;
	v2 =	vld [tilespmem:s21+$0x2440];
	v9 =	vshrl.u32 v9, $0x10  }
0x131: {  	v15 =	vld [tilespmem:s21+$0x2450];
	v10 =	vshrl.u32 v10, $0x10  }
0x132: {  	v16 =	vld [tilespmem:s21+$0x2460];
	v11 =	vshrl.u32 v11, $0x10  }
0x133: {  	v17 =	vld [tilespmem:s21+$0x2470]  }
0x134: {  	[tilespmem:v8+s15+$0x0] =	vst.idx.add.s32.msk $0xffff, v1  }
0x135: {  	v8 =	vshrl.u32 v12, $0x10;
	[tilespmem:v7+s15+$0x0] =	vst.idx.add.s32.msk $0xffff, v1  }
0x136: {  	[tilespmem:v6+s15+$0x0] =	vst.idx.add.s32.msk $0xffff, v1  }
0x137: {  	v6 =	vshrl.u32 v13, $0x10;
	[tilespmem:v5+s15+$0x0] =	vst.idx.add.s32.msk $0xffff, v1  }
0x138: {  	v2 =	vshrl.u32 v2, $0x10;
	[tilespmem:v4+s15+$0x0] =	vst.idx.add.s32.msk $0xffff, v1  }
0x139: {  	[tilespmem:v3+s15+$0x0] =	vst.idx.add.s32.msk $0xffff, v1  }
0x13a: {  	[tilespmem:v14+s15+$0x0] =	vst.idx.add.s32.msk $0xffff, v1  }
.Ltmp4:
0x13b: {  	v5 =	vshrl.u32 v15, $0x10;
	[tilespmem:v9+s15+$0x0] =	vst.idx.add.s32.msk $0xffff, v1;
	(pc) =	sbr.rel @p0 .LBB2_10-.Ltmp4, $4  }
0x13c: {  	v3 =	vshrl.u32 v16, $0x10;
	[tilespmem:v10+s15+$0x0] =	vst.idx.add.s32.msk $0xffff, v1  }
0x13d: {  	v4 =	vshrl.u32 v17, $0x10;
	[tilespmem:v11+s15+$0x0] =	vst.idx.add.s32.msk $0xffff, v1  }
0x13e: {  	[tilespmem:v8+s15+$0x0] =	vst.idx.add.s32.msk $0xffff, v1  }
0x13f: {  	s19 =	sadd.s32 $0x2000, s19;
	s21 =	smov.u32 s20;
	[tilespmem:v6+s15+$0x0] =	vst.idx.add.s32.msk $0xffff, v1  }
0x140: {  	_ =	sdelay $0x3  }
0x141: {  	[tilespmem:v2+s15+$0x0] =	vst.idx.add.s32.msk $0xffff, v1  }
0x142: {  	[tilespmem:v5+s15+$0x0] =	vst.idx.add.s32.msk $0xffff, v1  }
0x143: {  	[tilespmem:v3+s15+$0x0] =	vst.idx.add.s32.msk $0xffff, v1  }
0x144: {  	[tilespmem:v4+s15+$0x0] =	vst.idx.add.s32.msk $0xffff, v1  }
0x145: {  	_ =	swait.ge [sflag:s14], $0x2000  }
0x146: {  	[sflag:s14] =	ssyncset.done $0x0  }
0x147: {  	s19 =	simm.s32 $0x0;
	[sflag:s14] =	ssyncadd.s32 $0xFFFFE000  }
0x148: {  	[tilespmem:s19], [sflag:$0x1] =	stream.linear.gather [hbm4b:s9+s19], $0x2000, $0x38;
	[tilespmem:$0xC000] =	vst v63  }
0x149: {  	s20 =	simm.s32 $0x0;
	s19 =	sand.u32 $0x2000, s19  }
0x14a: {  	s21 =	simm.s32 $0x0;
	s20 =	sand.u32 $0x1000, s20;
	s19 =	sshrl.u32 s19, $0x2  }
0x14b: {  	s21 =	sand.u32 $0x380, s21;
	s19 =	sor.u32 s19, s20  }
0x14c: {  	s19 =	sor.u32 s21, s19  }
0x14d: {  	v2 =	vld [tilespmem:s19+$0x60]  }
0x14e: {  	v3 =	vld [tilespmem:s19+$0x50]  }
0x14f: {  	v4 =	vld [tilespmem:s19+$0x40]  }
0x150: {  	v5 =	vld [tilespmem:s19+$0x30]  }
0x151: {  	v6 =	vld [tilespmem:s19+$0x20]  }
0x152: {  	v7 =	vld [tilespmem:s19+$0x10]  }
0x153: {  	v8 =	vld [tilespmem:s19+$0x0]  }
0x154: {  	v9 =	vld [tilespmem:s19+$0x70]  }
0x155: {  	v10 =	vld [tilespmem:s19+$0x400]  }
0x156: {  	v11 =	vld [tilespmem:s19+$0x410]  }
0x157: {  	v12 =	vld [tilespmem:s19+$0x420]  }
0x158: {  	v13 =	vld [tilespmem:s19+$0x430];
	v8 =	vshrl.u32 v8, $0x10  }
0x159: {  	v14 =	vld [tilespmem:s19+$0x440];
	v7 =	vshrl.u32 v7, $0x10  }
0x15a: {  	v15 =	vld [tilespmem:s19+$0x450];
	v6 =	vshrl.u32 v6, $0x10  }
0x15b: {  	v16 =	vld [tilespmem:s19+$0x460];
	v5 =	vshrl.u32 v5, $0x10  }
0x15c: {  	v17 =	vld [tilespmem:s19+$0x470];
	v4 =	vshrl.u32 v4, $0x10  }
0x15d: {  	v3 =	vshrl.u32 v3, $0x10;
	[tilespmem:v8+s15+$0x0] =	vst.idx.add.s32.msk $0xffff, v1  }
0x15e: {  	v2 =	vshrl.u32 v2, $0x10;
	[tilespmem:v7+s15+$0x0] =	vst.idx.add.s32.msk $0xffff, v1  }
0x15f: {  	v7 =	vshrl.u32 v9, $0x10;
	[tilespmem:v6+s15+$0x0] =	vst.idx.add.s32.msk $0xffff, v1  }
0x160: {  	v6 =	vshrl.u32 v10, $0x10;
	[tilespmem:v5+s15+$0x0] =	vst.idx.add.s32.msk $0xffff, v1  }
0x161: {  	v5 =	vshrl.u32 v11, $0x10;
	[tilespmem:v4+s15+$0x0] =	vst.idx.add.s32.msk $0xffff, v1  }
0x162: {  	v4 =	vshrl.u32 v12, $0x10;
	[tilespmem:v3+s15+$0x0] =	vst.idx.add.s32.msk $0xffff, v1  }
0x163: {  	v63 =	vshrl.u32 v13, $0x10;
	[tilespmem:v2+s15+$0x0] =	vst.idx.add.s32.msk $0xffff, v1  }
0x164: {  	[tilespmem:v7+s15+$0x0] =	vst.idx.add.s32.msk $0xffff, v1  }
0x165: {  	v2 =	vshrl.u32 v14, $0x10;
	[tilespmem:v6+s15+$0x0] =	vst.idx.add.s32.msk $0xffff, v1  }
0x166: {  	[tilespmem:v5+s15+$0x0] =	vst.idx.add.s32.msk $0xffff, v1;
	v5 =	vshrl.u32 v15, $0x10  }
0x167: {  	v3 =	vshrl.u32 v16, $0x10;
	[tilespmem:v4+s15+$0x0] =	vst.idx.add.s32.msk $0xffff, v1  }
0x168: {  	s21 =	simm.s32 $0x1;
	s19 =	simm.s32 $0x2000;
	v4 =	vshrl.u32 v17, $0x10;
	[tilespmem:v63+s15+$0x0] =	vst.idx.add.s32.msk $0xffff, v1  }
.LBB2_12:
0x169: {  	s22 =	sand.u32 $0x2000, s19  }
0x16a: {  	s23 =	sshll.u32 s21, $0x8;
	[tilespmem:v2+s15+$0x0] =	vst.idx.add.s32.msk $0xffff, v1;
	s24 =	smov.u32 s21;
	s20 =	sadd.s32 $0x1, s21  }
0x16b: {  	s23 =	sand.u32 $0x1000, s23;
	s24 =	sshll.u32 s24, $0x6;
	s22 =	sshrl.u32 s22, $0x2;
	[tilespmem:v5+s15+$0x0] =	vst.idx.add.s32.msk $0xffff, v1  }
0x16c: {  	p0 =	sne.s32 s21, $0x1F;
	s24 =	sand.u32 $0x380, s24;
	s22 =	sor.u32 s22, s23;
	[tilespmem:v3+s15+$0x0] =	vst.idx.add.s32.msk $0xffff, v1  }
0x16d: {  	s21 =	sor.u32 s24, s22;
	[tilespmem:v4+s15+$0x0] =	vst.idx.add.s32.msk $0xffff, v1  }
0x16e: {  	v2 =	vld [tilespmem:s21+$0x60]  }
0x16f: {  	v3 =	vld [tilespmem:s21+$0x50]  }
0x170: {  	v4 =	vld [tilespmem:s21+$0x40]  }
0x171: {  	v5 =	vld [tilespmem:s21+$0x30]  }
0x172: {  	v6 =	vld [tilespmem:s21+$0x20]  }
0x173: {  	v7 =	vld [tilespmem:s21+$0x10]  }
0x174: {  	v8 =	vld [tilespmem:s21+$0x0]  }
0x175: {  	v9 =	vld [tilespmem:s21+$0x70]  }
0x176: {  	v10 =	vld [tilespmem:s21+$0x400];
	v5 =	vshrl.u32 v5, $0x10  }
0x177: {  	v4 =	vshrl.u32 v4, $0x10;
	v11 =	vld [tilespmem:s21+$0x410]  }
0x178: {  	v3 =	vshrl.u32 v3, $0x10;
	v12 =	vld [tilespmem:s21+$0x420]  }
0x179: {  	v14 =	vshrl.u32 v2, $0x10;
	v6 =	vshrl.u32 v6, $0x10;
	v13 =	vld [tilespmem:s21+$0x430];
	v8 =	vshrl.u32 v8, $0x10  }
0x17a: {  	v7 =	vshrl.u32 v7, $0x10;
	v2 =	vld [tilespmem:s21+$0x440];
	v9 =	vshrl.u32 v9, $0x10  }
0x17b: {  	v15 =	vld [tilespmem:s21+$0x450];
	v10 =	vshrl.u32 v10, $0x10  }
0x17c: {  	v16 =	vld [tilespmem:s21+$0x460];
	v11 =	vshrl.u32 v11, $0x10  }
0x17d: {  	v17 =	vld [tilespmem:s21+$0x470]  }
0x17e: {  	[tilespmem:v8+s15+$0x0] =	vst.idx.add.s32.msk $0xffff, v1  }
0x17f: {  	v8 =	vshrl.u32 v12, $0x10;
	[tilespmem:v7+s15+$0x0] =	vst.idx.add.s32.msk $0xffff, v1  }
0x180: {  	[tilespmem:v6+s15+$0x0] =	vst.idx.add.s32.msk $0xffff, v1  }
0x181: {  	v6 =	vshrl.u32 v13, $0x10;
	[tilespmem:v5+s15+$0x0] =	vst.idx.add.s32.msk $0xffff, v1  }
0x182: {  	v2 =	vshrl.u32 v2, $0x10;
	[tilespmem:v4+s15+$0x0] =	vst.idx.add.s32.msk $0xffff, v1  }
0x183: {  	[tilespmem:v3+s15+$0x0] =	vst.idx.add.s32.msk $0xffff, v1  }
0x184: {  	[tilespmem:v14+s15+$0x0] =	vst.idx.add.s32.msk $0xffff, v1  }
.Ltmp5:
0x185: {  	v5 =	vshrl.u32 v15, $0x10;
	[tilespmem:v9+s15+$0x0] =	vst.idx.add.s32.msk $0xffff, v1;
	(pc) =	sbr.rel @p0 .LBB2_12-.Ltmp5, $4  }
0x186: {  	v3 =	vshrl.u32 v16, $0x10;
	[tilespmem:v10+s15+$0x0] =	vst.idx.add.s32.msk $0xffff, v1  }
0x187: {  	v4 =	vshrl.u32 v17, $0x10;
	[tilespmem:v11+s15+$0x0] =	vst.idx.add.s32.msk $0xffff, v1  }
0x188: {  	[tilespmem:v8+s15+$0x0] =	vst.idx.add.s32.msk $0xffff, v1  }
0x189: {  	s19 =	sadd.s32 $0x2000, s19;
	s21 =	smov.u32 s20;
	[tilespmem:v6+s15+$0x0] =	vst.idx.add.s32.msk $0xffff, v1  }
0x18a: {  	_ =	sdelay $0x3  }
0x18b: {  	[tilespmem:v2+s15+$0x0] =	vst.idx.add.s32.msk $0xffff, v1  }
0x18c: {  	[tilespmem:v5+s15+$0x0] =	vst.idx.add.s32.msk $0xffff, v1  }
0x18d: {  	[tilespmem:v3+s15+$0x0] =	vst.idx.add.s32.msk $0xffff, v1  }
0x18e: {  	[tilespmem:v4+s15+$0x0] =	vst.idx.add.s32.msk $0xffff, v1  }
0x18f: {  	_ =	swait.ge [sflag:s16], $0x2000  }
0x190: {  	[sflag:s16] =	ssyncset.done $0x0  }
0x191: {  	s19 =	simm.s32 $0x0;
	[sflag:s16] =	ssyncadd.s32 $0xFFFFE000  }
0x192: {  	[tilespmem:s13], [sflag:$0x2] =	stream.linear.gather [hbm4b:s10+s19], $0x2000, $0x38;
	[tilespmem:$0xC000] =	vst v63  }
0x193: {  	s20 =	simm.s32 $0x0;
	s19 =	sand.u32 $0x2000, s19  }
0x194: {  	s21 =	simm.s32 $0x0;
	s20 =	sand.u32 $0x1000, s20;
	s19 =	sshrl.u32 s19, $0x2  }
0x195: {  	s21 =	sand.u32 $0x380, s21;
	s19 =	sor.u32 s19, s20  }
0x196: {  	s19 =	sor.u32 s21, s19  }
0x197: {  	v2 =	vld [tilespmem:s19+$0x2060]  }
0x198: {  	v3 =	vld [tilespmem:s19+$0x2050]  }
0x199: {  	v4 =	vld [tilespmem:s19+$0x2040]  }
0x19a: {  	v5 =	vld [tilespmem:s19+$0x2030]  }
0x19b: {  	v6 =	vld [tilespmem:s19+$0x2020]  }
0x19c: {  	v7 =	vld [tilespmem:s19+$0x2010]  }
0x19d: {  	v8 =	vld [tilespmem:s19+$0x2000]  }
0x19e: {  	v9 =	vld [tilespmem:s19+$0x2070]  }
0x19f: {  	v10 =	vld [tilespmem:s19+$0x2400]  }
0x1a0: {  	v11 =	vld [tilespmem:s19+$0x2410]  }
0x1a1: {  	v12 =	vld [tilespmem:s19+$0x2420]  }
0x1a2: {  	v13 =	vld [tilespmem:s19+$0x2430];
	v8 =	vshrl.u32 v8, $0x10  }
0x1a3: {  	v14 =	vld [tilespmem:s19+$0x2440];
	v7 =	vshrl.u32 v7, $0x10  }
0x1a4: {  	v15 =	vld [tilespmem:s19+$0x2450];
	v6 =	vshrl.u32 v6, $0x10  }
0x1a5: {  	v16 =	vld [tilespmem:s19+$0x2460];
	v5 =	vshrl.u32 v5, $0x10  }
0x1a6: {  	v17 =	vld [tilespmem:s19+$0x2470];
	v4 =	vshrl.u32 v4, $0x10  }
0x1a7: {  	v3 =	vshrl.u32 v3, $0x10;
	[tilespmem:v8+s15+$0x0] =	vst.idx.add.s32.msk $0xffff, v1  }
0x1a8: {  	v2 =	vshrl.u32 v2, $0x10;
	[tilespmem:v7+s15+$0x0] =	vst.idx.add.s32.msk $0xffff, v1  }
0x1a9: {  	v7 =	vshrl.u32 v9, $0x10;
	[tilespmem:v6+s15+$0x0] =	vst.idx.add.s32.msk $0xffff, v1  }
0x1aa: {  	v6 =	vshrl.u32 v10, $0x10;
	[tilespmem:v5+s15+$0x0] =	vst.idx.add.s32.msk $0xffff, v1  }
0x1ab: {  	v5 =	vshrl.u32 v11, $0x10;
	[tilespmem:v4+s15+$0x0] =	vst.idx.add.s32.msk $0xffff, v1  }
0x1ac: {  	v4 =	vshrl.u32 v12, $0x10;
	[tilespmem:v3+s15+$0x0] =	vst.idx.add.s32.msk $0xffff, v1  }
0x1ad: {  	v63 =	vshrl.u32 v13, $0x10;
	[tilespmem:v2+s15+$0x0] =	vst.idx.add.s32.msk $0xffff, v1  }
0x1ae: {  	[tilespmem:v7+s15+$0x0] =	vst.idx.add.s32.msk $0xffff, v1  }
0x1af: {  	v2 =	vshrl.u32 v14, $0x10;
	[tilespmem:v6+s15+$0x0] =	vst.idx.add.s32.msk $0xffff, v1  }
0x1b0: {  	[tilespmem:v5+s15+$0x0] =	vst.idx.add.s32.msk $0xffff, v1;
	v5 =	vshrl.u32 v15, $0x10  }
0x1b1: {  	v3 =	vshrl.u32 v16, $0x10;
	[tilespmem:v4+s15+$0x0] =	vst.idx.add.s32.msk $0xffff, v1  }
0x1b2: {  	s21 =	simm.s32 $0x1;
	s19 =	simm.s32 $0x2000;
	v4 =	vshrl.u32 v17, $0x10;
	[tilespmem:v63+s15+$0x0] =	vst.idx.add.s32.msk $0xffff, v1  }
.LBB2_14:
0x1b3: {  	s22 =	sand.u32 $0x2000, s19  }
0x1b4: {  	s23 =	sshll.u32 s21, $0x8;
	[tilespmem:v2+s15+$0x0] =	vst.idx.add.s32.msk $0xffff, v1;
	s24 =	smov.u32 s21;
	s20 =	sadd.s32 $0x1, s21  }
0x1b5: {  	s23 =	sand.u32 $0x1000, s23;
	s24 =	sshll.u32 s24, $0x6;
	s22 =	sshrl.u32 s22, $0x2;
	[tilespmem:v5+s15+$0x0] =	vst.idx.add.s32.msk $0xffff, v1  }
0x1b6: {  	p0 =	sne.s32 s21, $0x1F;
	s24 =	sand.u32 $0x380, s24;
	s22 =	sor.u32 s22, s23;
	[tilespmem:v3+s15+$0x0] =	vst.idx.add.s32.msk $0xffff, v1  }
0x1b7: {  	s21 =	sor.u32 s24, s22;
	[tilespmem:v4+s15+$0x0] =	vst.idx.add.s32.msk $0xffff, v1  }
0x1b8: {  	v2 =	vld [tilespmem:s21+$0x2060]  }
0x1b9: {  	v3 =	vld [tilespmem:s21+$0x2050]  }
0x1ba: {  	v4 =	vld [tilespmem:s21+$0x2040]  }
0x1bb: {  	v5 =	vld [tilespmem:s21+$0x2030]  }
0x1bc: {  	v6 =	vld [tilespmem:s21+$0x2020]  }
0x1bd: {  	v7 =	vld [tilespmem:s21+$0x2010]  }
0x1be: {  	v8 =	vld [tilespmem:s21+$0x2000]  }
0x1bf: {  	v9 =	vld [tilespmem:s21+$0x2070]  }
0x1c0: {  	v10 =	vld [tilespmem:s21+$0x2400];
	v5 =	vshrl.u32 v5, $0x10  }
0x1c1: {  	v4 =	vshrl.u32 v4, $0x10;
	v11 =	vld [tilespmem:s21+$0x2410]  }
0x1c2: {  	v3 =	vshrl.u32 v3, $0x10;
	v12 =	vld [tilespmem:s21+$0x2420]  }
0x1c3: {  	v14 =	vshrl.u32 v2, $0x10;
	v6 =	vshrl.u32 v6, $0x10;
	v13 =	vld [tilespmem:s21+$0x2430];
	v8 =	vshrl.u32 v8, $0x10  }
0x1c4: {  	v7 =	vshrl.u32 v7, $0x10;
	v2 =	vld [tilespmem:s21+$0x2440];
	v9 =	vshrl.u32 v9, $0x10  }
0x1c5: {  	v15 =	vld [tilespmem:s21+$0x2450];
	v10 =	vshrl.u32 v10, $0x10  }
0x1c6: {  	v16 =	vld [tilespmem:s21+$0x2460];
	v11 =	vshrl.u32 v11, $0x10  }
0x1c7: {  	v17 =	vld [tilespmem:s21+$0x2470]  }
0x1c8: {  	[tilespmem:v8+s15+$0x0] =	vst.idx.add.s32.msk $0xffff, v1  }
0x1c9: {  	v8 =	vshrl.u32 v12, $0x10;
	[tilespmem:v7+s15+$0x0] =	vst.idx.add.s32.msk $0xffff, v1  }
0x1ca: {  	[tilespmem:v6+s15+$0x0] =	vst.idx.add.s32.msk $0xffff, v1  }
0x1cb: {  	v6 =	vshrl.u32 v13, $0x10;
	[tilespmem:v5+s15+$0x0] =	vst.idx.add.s32.msk $0xffff, v1  }
0x1cc: {  	v2 =	vshrl.u32 v2, $0x10;
	[tilespmem:v4+s15+$0x0] =	vst.idx.add.s32.msk $0xffff, v1  }
0x1cd: {  	[tilespmem:v3+s15+$0x0] =	vst.idx.add.s32.msk $0xffff, v1  }
0x1ce: {  	[tilespmem:v14+s15+$0x0] =	vst.idx.add.s32.msk $0xffff, v1  }
.Ltmp6:
0x1cf: {  	v5 =	vshrl.u32 v15, $0x10;
	[tilespmem:v9+s15+$0x0] =	vst.idx.add.s32.msk $0xffff, v1;
	(pc) =	sbr.rel @p0 .LBB2_14-.Ltmp6, $4  }
0x1d0: {  	v3 =	vshrl.u32 v16, $0x10;
	[tilespmem:v10+s15+$0x0] =	vst.idx.add.s32.msk $0xffff, v1  }
0x1d1: {  	v4 =	vshrl.u32 v17, $0x10;
	[tilespmem:v11+s15+$0x0] =	vst.idx.add.s32.msk $0xffff, v1  }
0x1d2: {  	[tilespmem:v8+s15+$0x0] =	vst.idx.add.s32.msk $0xffff, v1  }
0x1d3: {  	s19 =	sadd.s32 $0x2000, s19;
	s21 =	smov.u32 s20;
	[tilespmem:v6+s15+$0x0] =	vst.idx.add.s32.msk $0xffff, v1  }
0x1d4: {  	_ =	sdelay $0x3  }
0x1d5: {  	[tilespmem:v2+s15+$0x0] =	vst.idx.add.s32.msk $0xffff, v1  }
0x1d6: {  	[tilespmem:v5+s15+$0x0] =	vst.idx.add.s32.msk $0xffff, v1  }
0x1d7: {  	s19 =	simm.s32 $0x0;
	[tilespmem:v3+s15+$0x0] =	vst.idx.add.s32.msk $0xffff, v1  }
0x1d8: {  	s20 =	simm.s32 $0x0;
	s21 =	simm.s32 $0x0;
	s19 =	sand.u32 $0x2000, s19;
	[tilespmem:v4+s15+$0x0] =	vst.idx.add.s32.msk $0xffff, v1  }
0x1d9: {  	s20 =	sand.u32 $0x1000, s20;
	s19 =	sshrl.u32 s19, $0x2;
	_ =	swait.ge [sflag:s14], $0x2000  }
0x1da: {  	s21 =	sand.u32 $0x380, s21;
	s19 =	sor.u32 s19, s20;
	[sflag:s14] =	ssyncset.done $0x0  }
0x1db: {  	s19 =	sor.u32 s21, s19;
	[sflag:s14] =	ssyncadd.s32 $0xFFFFE000  }
0x1dc: {  	v2 =	vld [tilespmem:s19+$0x60]  }
0x1dd: {  	v3 =	vld [tilespmem:s19+$0x50]  }
0x1de: {  	v4 =	vld [tilespmem:s19+$0x40]  }
0x1df: {  	v5 =	vld [tilespmem:s19+$0x30]  }
0x1e0: {  	v6 =	vld [tilespmem:s19+$0x20]  }
0x1e1: {  	v7 =	vld [tilespmem:s19+$0x10]  }
0x1e2: {  	v8 =	vld [tilespmem:s19+$0x0]  }
0x1e3: {  	v9 =	vld [tilespmem:s19+$0x70]  }
0x1e4: {  	v10 =	vld [tilespmem:s19+$0x400]  }
0x1e5: {  	v11 =	vld [tilespmem:s19+$0x410]  }
0x1e6: {  	v12 =	vld [tilespmem:s19+$0x420]  }
0x1e7: {  	v13 =	vld [tilespmem:s19+$0x430];
	v8 =	vshrl.u32 v8, $0x10  }
0x1e8: {  	v14 =	vld [tilespmem:s19+$0x440];
	v7 =	vshrl.u32 v7, $0x10  }
0x1e9: {  	v15 =	vld [tilespmem:s19+$0x450];
	v6 =	vshrl.u32 v6, $0x10  }
0x1ea: {  	v16 =	vld [tilespmem:s19+$0x460];
	v5 =	vshrl.u32 v5, $0x10  }
0x1eb: {  	v17 =	vld [tilespmem:s19+$0x470];
	v4 =	vshrl.u32 v4, $0x10  }
0x1ec: {  	v3 =	vshrl.u32 v3, $0x10;
	[tilespmem:v8+s15+$0x0] =	vst.idx.add.s32.msk $0xffff, v1  }
0x1ed: {  	v2 =	vshrl.u32 v2, $0x10;
	[tilespmem:v7+s15+$0x0] =	vst.idx.add.s32.msk $0xffff, v1  }
0x1ee: {  	v7 =	vshrl.u32 v9, $0x10;
	[tilespmem:v6+s15+$0x0] =	vst.idx.add.s32.msk $0xffff, v1  }
0x1ef: {  	v6 =	vshrl.u32 v10, $0x10;
	[tilespmem:v5+s15+$0x0] =	vst.idx.add.s32.msk $0xffff, v1  }
0x1f0: {  	v5 =	vshrl.u32 v11, $0x10;
	[tilespmem:v4+s15+$0x0] =	vst.idx.add.s32.msk $0xffff, v1  }
0x1f1: {  	v4 =	vshrl.u32 v12, $0x10;
	[tilespmem:v3+s15+$0x0] =	vst.idx.add.s32.msk $0xffff, v1  }
0x1f2: {  	v63 =	vshrl.u32 v13, $0x10;
	[tilespmem:v2+s15+$0x0] =	vst.idx.add.s32.msk $0xffff, v1  }
0x1f3: {  	[tilespmem:v7+s15+$0x0] =	vst.idx.add.s32.msk $0xffff, v1  }
0x1f4: {  	v2 =	vshrl.u32 v14, $0x10;
	[tilespmem:v6+s15+$0x0] =	vst.idx.add.s32.msk $0xffff, v1  }
0x1f5: {  	[tilespmem:v5+s15+$0x0] =	vst.idx.add.s32.msk $0xffff, v1;
	v5 =	vshrl.u32 v15, $0x10  }
0x1f6: {  	v3 =	vshrl.u32 v16, $0x10;
	[tilespmem:v4+s15+$0x0] =	vst.idx.add.s32.msk $0xffff, v1  }
0x1f7: {  	s21 =	simm.s32 $0x1;
	s19 =	simm.s32 $0x2000;
	v4 =	vshrl.u32 v17, $0x10;
	[tilespmem:v63+s15+$0x0] =	vst.idx.add.s32.msk $0xffff, v1  }
.LBB2_16:
0x1f8: {  	s22 =	sand.u32 $0x2000, s19  }
0x1f9: {  	s23 =	sshll.u32 s21, $0x8;
	[tilespmem:v2+s15+$0x0] =	vst.idx.add.s32.msk $0xffff, v1;
	s24 =	smov.u32 s21;
	s20 =	sadd.s32 $0x1, s21  }
0x1fa: {  	s23 =	sand.u32 $0x1000, s23;
	s24 =	sshll.u32 s24, $0x6;
	s22 =	sshrl.u32 s22, $0x2;
	[tilespmem:v5+s15+$0x0] =	vst.idx.add.s32.msk $0xffff, v1  }
0x1fb: {  	p0 =	sne.s32 s21, $0x1F;
	s24 =	sand.u32 $0x380, s24;
	s22 =	sor.u32 s22, s23;
	[tilespmem:v3+s15+$0x0] =	vst.idx.add.s32.msk $0xffff, v1  }
0x1fc: {  	s21 =	sor.u32 s24, s22;
	[tilespmem:v4+s15+$0x0] =	vst.idx.add.s32.msk $0xffff, v1  }
0x1fd: {  	v2 =	vld [tilespmem:s21+$0x60]  }
0x1fe: {  	v3 =	vld [tilespmem:s21+$0x50]  }
0x1ff: {  	v4 =	vld [tilespmem:s21+$0x40]  }
0x200: {  	v5 =	vld [tilespmem:s21+$0x30]  }
0x201: {  	v6 =	vld [tilespmem:s21+$0x20]  }
0x202: {  	v7 =	vld [tilespmem:s21+$0x10]  }
0x203: {  	v8 =	vld [tilespmem:s21+$0x0]  }
0x204: {  	v9 =	vld [tilespmem:s21+$0x70]  }
0x205: {  	v10 =	vld [tilespmem:s21+$0x400];
	v5 =	vshrl.u32 v5, $0x10  }
0x206: {  	v4 =	vshrl.u32 v4, $0x10;
	v11 =	vld [tilespmem:s21+$0x410]  }
0x207: {  	v3 =	vshrl.u32 v3, $0x10;
	v12 =	vld [tilespmem:s21+$0x420]  }
0x208: {  	v14 =	vshrl.u32 v2, $0x10;
	v6 =	vshrl.u32 v6, $0x10;
	v13 =	vld [tilespmem:s21+$0x430];
	v8 =	vshrl.u32 v8, $0x10  }
0x209: {  	v7 =	vshrl.u32 v7, $0x10;
	v2 =	vld [tilespmem:s21+$0x440];
	v9 =	vshrl.u32 v9, $0x10  }
0x20a: {  	v15 =	vld [tilespmem:s21+$0x450];
	v10 =	vshrl.u32 v10, $0x10  }
0x20b: {  	v16 =	vld [tilespmem:s21+$0x460];
	v11 =	vshrl.u32 v11, $0x10  }
0x20c: {  	v17 =	vld [tilespmem:s21+$0x470]  }
0x20d: {  	[tilespmem:v8+s15+$0x0] =	vst.idx.add.s32.msk $0xffff, v1  }
0x20e: {  	v8 =	vshrl.u32 v12, $0x10;
	[tilespmem:v7+s15+$0x0] =	vst.idx.add.s32.msk $0xffff, v1  }
0x20f: {  	[tilespmem:v6+s15+$0x0] =	vst.idx.add.s32.msk $0xffff, v1  }
0x210: {  	v6 =	vshrl.u32 v13, $0x10;
	[tilespmem:v5+s15+$0x0] =	vst.idx.add.s32.msk $0xffff, v1  }
0x211: {  	v2 =	vshrl.u32 v2, $0x10;
	[tilespmem:v4+s15+$0x0] =	vst.idx.add.s32.msk $0xffff, v1  }
0x212: {  	[tilespmem:v3+s15+$0x0] =	vst.idx.add.s32.msk $0xffff, v1  }
0x213: {  	[tilespmem:v14+s15+$0x0] =	vst.idx.add.s32.msk $0xffff, v1  }
.Ltmp7:
0x214: {  	v5 =	vshrl.u32 v15, $0x10;
	[tilespmem:v9+s15+$0x0] =	vst.idx.add.s32.msk $0xffff, v1;
	(pc) =	sbr.rel @p0 .LBB2_16-.Ltmp7, $4  }
0x215: {  	v3 =	vshrl.u32 v16, $0x10;
	[tilespmem:v10+s15+$0x0] =	vst.idx.add.s32.msk $0xffff, v1  }
0x216: {  	v4 =	vshrl.u32 v17, $0x10;
	[tilespmem:v11+s15+$0x0] =	vst.idx.add.s32.msk $0xffff, v1  }
0x217: {  	[tilespmem:v8+s15+$0x0] =	vst.idx.add.s32.msk $0xffff, v1  }
0x218: {  	s19 =	sadd.s32 $0x2000, s19;
	s21 =	smov.u32 s20;
	[tilespmem:v6+s15+$0x0] =	vst.idx.add.s32.msk $0xffff, v1  }
0x219: {  	_ =	sdelay $0x3  }
0x21a: {  	[tilespmem:v2+s15+$0x0] =	vst.idx.add.s32.msk $0xffff, v1  }
0x21b: {  	[tilespmem:v5+s15+$0x0] =	vst.idx.add.s32.msk $0xffff, v1  }
0x21c: {  	s19 =	simm.s32 $0x0;
	[tilespmem:v3+s15+$0x0] =	vst.idx.add.s32.msk $0xffff, v1  }
0x21d: {  	s20 =	simm.s32 $0x0;
	s21 =	simm.s32 $0x0;
	s19 =	sand.u32 $0x2000, s19;
	[tilespmem:v4+s15+$0x0] =	vst.idx.add.s32.msk $0xffff, v1  }
0x21e: {  	s20 =	sand.u32 $0x1000, s20;
	s19 =	sshrl.u32 s19, $0x2;
	_ =	swait.ge [sflag:s16], $0x2000  }
0x21f: {  	s21 =	sand.u32 $0x380, s21;
	s19 =	sor.u32 s19, s20;
	[sflag:s16] =	ssyncset.done $0x0  }
0x220: {  	s19 =	sor.u32 s21, s19;
	[sflag:s16] =	ssyncadd.s32 $0xFFFFE000  }
0x221: {  	v2 =	vld [tilespmem:s19+$0x2060]  }
0x222: {  	v3 =	vld [tilespmem:s19+$0x2050]  }
0x223: {  	v4 =	vld [tilespmem:s19+$0x2040]  }
0x224: {  	v5 =	vld [tilespmem:s19+$0x2030]  }
0x225: {  	v6 =	vld [tilespmem:s19+$0x2020]  }
0x226: {  	v7 =	vld [tilespmem:s19+$0x2010]  }
0x227: {  	v8 =	vld [tilespmem:s19+$0x2000]  }
0x228: {  	v9 =	vld [tilespmem:s19+$0x2070]  }
0x229: {  	v10 =	vld [tilespmem:s19+$0x2400]  }
0x22a: {  	v11 =	vld [tilespmem:s19+$0x2410]  }
0x22b: {  	v12 =	vld [tilespmem:s19+$0x2420]  }
0x22c: {  	v13 =	vld [tilespmem:s19+$0x2430];
	v8 =	vshrl.u32 v8, $0x10  }
0x22d: {  	v14 =	vld [tilespmem:s19+$0x2440];
	v7 =	vshrl.u32 v7, $0x10  }
0x22e: {  	v15 =	vld [tilespmem:s19+$0x2450];
	v6 =	vshrl.u32 v6, $0x10  }
0x22f: {  	v16 =	vld [tilespmem:s19+$0x2460];
	v5 =	vshrl.u32 v5, $0x10  }
0x230: {  	v17 =	vld [tilespmem:s19+$0x2470];
	v4 =	vshrl.u32 v4, $0x10  }
0x231: {  	v3 =	vshrl.u32 v3, $0x10;
	[tilespmem:v8+s15+$0x0] =	vst.idx.add.s32.msk $0xffff, v1  }
0x232: {  	v2 =	vshrl.u32 v2, $0x10;
	[tilespmem:v7+s15+$0x0] =	vst.idx.add.s32.msk $0xffff, v1  }
0x233: {  	v7 =	vshrl.u32 v9, $0x10;
	[tilespmem:v6+s15+$0x0] =	vst.idx.add.s32.msk $0xffff, v1  }
0x234: {  	v6 =	vshrl.u32 v10, $0x10;
	[tilespmem:v5+s15+$0x0] =	vst.idx.add.s32.msk $0xffff, v1  }
0x235: {  	v5 =	vshrl.u32 v11, $0x10;
	[tilespmem:v4+s15+$0x0] =	vst.idx.add.s32.msk $0xffff, v1  }
0x236: {  	v4 =	vshrl.u32 v12, $0x10;
	[tilespmem:v3+s15+$0x0] =	vst.idx.add.s32.msk $0xffff, v1  }
0x237: {  	v63 =	vshrl.u32 v13, $0x10;
	[tilespmem:v2+s15+$0x0] =	vst.idx.add.s32.msk $0xffff, v1  }
0x238: {  	[tilespmem:v7+s15+$0x0] =	vst.idx.add.s32.msk $0xffff, v1  }
0x239: {  	v2 =	vshrl.u32 v14, $0x10;
	[tilespmem:v6+s15+$0x0] =	vst.idx.add.s32.msk $0xffff, v1  }
0x23a: {  	[tilespmem:v5+s15+$0x0] =	vst.idx.add.s32.msk $0xffff, v1;
	v5 =	vshrl.u32 v15, $0x10  }
0x23b: {  	v3 =	vshrl.u32 v16, $0x10;
	[tilespmem:v4+s15+$0x0] =	vst.idx.add.s32.msk $0xffff, v1  }
0x23c: {  	s21 =	simm.s32 $0x1;
	s19 =	simm.s32 $0x2000;
	v4 =	vshrl.u32 v17, $0x10;
	[tilespmem:v63+s15+$0x0] =	vst.idx.add.s32.msk $0xffff, v1  }
.LBB2_18:
0x23d: {  	s22 =	sand.u32 $0x2000, s19  }
0x23e: {  	s23 =	sshll.u32 s21, $0x8;
	[tilespmem:v2+s15+$0x0] =	vst.idx.add.s32.msk $0xffff, v1;
	s24 =	smov.u32 s21;
	s20 =	sadd.s32 $0x1, s21  }
0x23f: {  	s23 =	sand.u32 $0x1000, s23;
	s24 =	sshll.u32 s24, $0x6;
	s22 =	sshrl.u32 s22, $0x2;
	[tilespmem:v5+s15+$0x0] =	vst.idx.add.s32.msk $0xffff, v1  }
0x240: {  	p0 =	sne.s32 s21, $0x1F;
	s24 =	sand.u32 $0x380, s24;
	s22 =	sor.u32 s22, s23;
	[tilespmem:v3+s15+$0x0] =	vst.idx.add.s32.msk $0xffff, v1  }
0x241: {  	s21 =	sor.u32 s24, s22;
	[tilespmem:v4+s15+$0x0] =	vst.idx.add.s32.msk $0xffff, v1  }
0x242: {  	v2 =	vld [tilespmem:s21+$0x2060]  }
0x243: {  	v3 =	vld [tilespmem:s21+$0x2050]  }
0x244: {  	v4 =	vld [tilespmem:s21+$0x2040]  }
0x245: {  	v5 =	vld [tilespmem:s21+$0x2030]  }
0x246: {  	v6 =	vld [tilespmem:s21+$0x2020]  }
0x247: {  	v7 =	vld [tilespmem:s21+$0x2010]  }
0x248: {  	v8 =	vld [tilespmem:s21+$0x2000]  }
0x249: {  	v9 =	vld [tilespmem:s21+$0x2070]  }
0x24a: {  	v10 =	vld [tilespmem:s21+$0x2400];
	v5 =	vshrl.u32 v5, $0x10  }
0x24b: {  	v4 =	vshrl.u32 v4, $0x10;
	v11 =	vld [tilespmem:s21+$0x2410]  }
0x24c: {  	v3 =	vshrl.u32 v3, $0x10;
	v12 =	vld [tilespmem:s21+$0x2420]  }
0x24d: {  	v14 =	vshrl.u32 v2, $0x10;
	v6 =	vshrl.u32 v6, $0x10;
	v13 =	vld [tilespmem:s21+$0x2430];
	v8 =	vshrl.u32 v8, $0x10  }
0x24e: {  	v7 =	vshrl.u32 v7, $0x10;
	v2 =	vld [tilespmem:s21+$0x2440];
	v9 =	vshrl.u32 v9, $0x10  }
0x24f: {  	v15 =	vld [tilespmem:s21+$0x2450];
	v10 =	vshrl.u32 v10, $0x10  }
0x250: {  	v16 =	vld [tilespmem:s21+$0x2460];
	v11 =	vshrl.u32 v11, $0x10  }
0x251: {  	v17 =	vld [tilespmem:s21+$0x2470]  }
0x252: {  	[tilespmem:v8+s15+$0x0] =	vst.idx.add.s32.msk $0xffff, v1  }
0x253: {  	v8 =	vshrl.u32 v12, $0x10;
	[tilespmem:v7+s15+$0x0] =	vst.idx.add.s32.msk $0xffff, v1  }
0x254: {  	[tilespmem:v6+s15+$0x0] =	vst.idx.add.s32.msk $0xffff, v1  }
0x255: {  	v6 =	vshrl.u32 v13, $0x10;
	[tilespmem:v5+s15+$0x0] =	vst.idx.add.s32.msk $0xffff, v1  }
0x256: {  	v2 =	vshrl.u32 v2, $0x10;
	[tilespmem:v4+s15+$0x0] =	vst.idx.add.s32.msk $0xffff, v1  }
0x257: {  	[tilespmem:v3+s15+$0x0] =	vst.idx.add.s32.msk $0xffff, v1  }
0x258: {  	[tilespmem:v14+s15+$0x0] =	vst.idx.add.s32.msk $0xffff, v1  }
.Ltmp8:
0x259: {  	v5 =	vshrl.u32 v15, $0x10;
	[tilespmem:v9+s15+$0x0] =	vst.idx.add.s32.msk $0xffff, v1;
	(pc) =	sbr.rel @p0 .LBB2_18-.Ltmp8, $4  }
0x25a: {  	v3 =	vshrl.u32 v16, $0x10;
	[tilespmem:v10+s15+$0x0] =	vst.idx.add.s32.msk $0xffff, v1  }
0x25b: {  	v4 =	vshrl.u32 v17, $0x10;
	[tilespmem:v11+s15+$0x0] =	vst.idx.add.s32.msk $0xffff, v1  }
0x25c: {  	[tilespmem:v8+s15+$0x0] =	vst.idx.add.s32.msk $0xffff, v1  }
0x25d: {  	s19 =	sadd.s32 $0x2000, s19;
	s21 =	smov.u32 s20;
	[tilespmem:v6+s15+$0x0] =	vst.idx.add.s32.msk $0xffff, v1  }
0x25e: {  	_ =	sdelay $0x3  }
0x25f: {  	[tilespmem:v2+s15+$0x0] =	vst.idx.add.s32.msk $0xffff, v1  }
0x260: {  	s18 =	sadd.s32 $0x1, s18;
	[tilespmem:v5+s15+$0x0] =	vst.idx.add.s32.msk $0xffff, v1  }
0x261: {  	p0 =	sne.s32 s18, s12;
	[tilespmem:v3+s15+$0x0] =	vst.idx.add.s32.msk $0xffff, v1  }
.Ltmp9:
0x262: {  	[tilespmem:v4+s15+$0x0] =	vst.idx.add.s32.msk $0xffff, v1;
	(pc) =	sbr.rel @p0 .LBB2_1-.Ltmp9, $4  }
0x263: {  	[hbm4b:s11+s2] =	stream.linear.scatter [tilespmem:s15], [sflag:$0x3], $0x8000, $0x38;
	[tilespmem:$0xC000] =	vst v63  }
0x264: {  	_ =	swait.ge [sflag:s17], $0x8000  }
0x265: {  	[sflag:s17] =	ssyncset.done $0x0  }
0x266: {  	[sflag:s17] =	ssyncadd.s32 $0xFFFF8000  }
0x267: {  	_ =	sfence.sel $0x180000  }
0x268: {  	[bflag:$0x0] =	sbarrier.arrive $0xFFFF  }
0x269: {  	p0 =	sne.s32 s1, $0x0;
	_ =	strace $0x90000047  }
0x26a: {  	s0 =	sadd.s32 @!p0 $0x100000, s0;
	[bflag:$0x2] =	sbarrier.arrive $0xFFFF  }
0x26b: {  	[sflag:s0] =	ssyncadd.tile.s32 @!p0 $0x1;
	_ =	shalt  }
.Lfunc_end2:
_tile_overlayer_lowered:
.L_overlay_start_2:
0x26c: {  	(tag) =	ssettag $0x2  }
0x26d: {  	s0 =	rddreg [dreg:$0x0];
	s2 =	stileid.u32  }
0x26e: {  	s1 =	rddreg [dreg:$0x1];
	p0 =	sne.s32 s2, $0x0  }
0x26f: {  	s3 =	rddreg [dreg:$0x2];
	[bflag:$0x3] =	sbarrier.arrive $0xFFFF;
	s2 =	simm.s32 @!p0 $0x1C03  }
0x270: {  	[timem:s3], [sflag:s2] =	dma.local @!p0 [hbm:s0], s1  }
0x271: {  	s0 =	simm.s32 @!p0 $0x3  }
0x272: {  	_ =	swait.ge @!p0 [sflag:s0], s1  }
0x273: {  	s1 =	ssub.s32 @!p0 $0x0, s1;
	[sflag:s0] =	ssyncset.done @!p0 $0x0  }
0x274: {  	[sflag:s0] =	ssyncadd.s32 @!p0 s1  }
0x275: {  	[bflag:$0x3] =	sbarrier.arrive $0xFFFF  }
0x276: {  	_ =	shalt  }

</sc_bundles>
